<compile_context>
chip_gen: v7x
topology: tpu7x:2x2x1
jax: 0.10.2.dev20260603
libtpu: 0.0.44.dev20260713+nightly
codegen_flags: <defaults>
</compile_context>

<pallas_src>
import functools

import jax
import jax.numpy as jnp
from jax import lax
from jax.experimental import pallas as pl
from jax.experimental.pallas import tpu as pltpu
from jax.experimental.pallas import tpu_sc as plsc

N = 4096
E = 262144
H = 128
NC = 2
NS = 16
L = 16
NW = NC * NS
EPW = E // NW
CHUNK = 128
ROWS = EPW // CHUNK


SLICE = N // NS


def _sc_pass_body(with_deg, *refs):
    if with_deg:
        (vals_hbm, edges_hbm, sum_out, deg_out,
         x_v, src_v, dst_v, vals_v, acc_v, deg_v, red_v, res_v, stage_sh,
         dstage_sh, sem) = refs
    else:
        (vals_hbm, edges_hbm, sum_out,
         x_v, src_v, dst_v, vals_v, acc_v, red_v, res_v, stage_sh, sem) = refs

    cid = lax.axis_index("c")
    sid = lax.axis_index("s")
    wid = cid * NS + sid
    f32 = jnp.float32

    with jax.named_scope("sc_stage"):
        stage = [
            pltpu.async_copy(vals_hbm.at[0], x_v, sem),
            pltpu.async_copy(edges_hbm.at[0, pl.ds(wid * EPW, EPW)],
                             src_v, sem),
            pltpu.async_copy(edges_hbm.at[1, pl.ds(wid * EPW, EPW)],
                             dst_v, sem),
        ]

    with jax.named_scope("sc_zero"):
        def zb(i, c):
            acc_v[pl.ds(i * L, L)] = jnp.zeros((L,), f32)
            if with_deg:
                deg_v[pl.ds(i * L, L)] = jnp.zeros((L,), f32)
            return c
        lax.fori_loop(0, N // L, zb, 0)
        for d in stage:
            d.wait()

    ones16 = jnp.ones((L,), f32)

    with jax.named_scope("sc_gather"):
        @plsc.parallel_loop(0, EPW // L, unroll=4)
        def _gather(i):
            sidx = src_v[pl.ds(i * L, L)]
            vals_v[pl.ds(i * L, L)] = plsc.load_gather(x_v, [sidx])

    with jax.named_scope("sc_scatter"):
        def sbody(j, c):
            for k in range(CHUNK // L):
                o = j * CHUNK + k * L
                didx = dst_v[pl.ds(o, L)]
                plsc.addupdate_scatter(acc_v, [didx], vals_v[pl.ds(o, L)])
                if with_deg:
                    plsc.addupdate_scatter(deg_v, [didx], ones16)
            return c
        lax.fori_loop(0, ROWS, sbody, 0)

    with jax.named_scope("sc_publish"):
        pltpu.sync_copy(acc_v, stage_sh.at[pl.ds(sid * N, N)])
        if with_deg:
            pltpu.sync_copy(deg_v, dstage_sh.at[pl.ds(sid * N, N)])
        plsc.subcore_barrier()

    stages = [(stage_sh, sum_out)]
    if with_deg:
        stages.append((dstage_sh, deg_out))
    with jax.named_scope("sc_reduce"):
      for sh, out in stages:
        descs = [pltpu.async_copy(
            sh.at[pl.ds(r * N + sid * SLICE, SLICE)],
            red_v.at[pl.ds(r * SLICE, SLICE)], sem)
            for r in range(NS)]
        for d in descs:
            d.wait()

        def rbody(k, c):
            acc16 = red_v[pl.ds(k * L, L)]
            for r in range(1, NS):
                acc16 = acc16 + red_v[pl.ds(r * SLICE + k * L, L)]
            res_v[pl.ds(k * L, L)] = acc16
            return c
        lax.fori_loop(0, SLICE // L, rbody, 0)

        pltpu.sync_copy(res_v, out.at[cid, pl.ds(sid * SLICE, SLICE)])


@functools.cache
def _make_sc_pass(with_deg):
    mesh = plsc.VectorSubcoreMesh(core_axis_name="c", subcore_axis_name="s")
    f32 = jnp.float32
    nacc = 2 if with_deg else 1
    out_type = [jax.ShapeDtypeStruct((NC, N), f32)]
    scratch = [
        pltpu.VMEM((N,), f32),
        pltpu.VMEM((EPW,), jnp.int32),
        pltpu.VMEM((EPW,), jnp.int32),
        pltpu.VMEM((EPW,), f32),
        pltpu.VMEM((N,), f32),
    ]
    if with_deg:
        out_type = out_type + [jax.ShapeDtypeStruct((NC, N), f32)]
        scratch = scratch + [pltpu.VMEM((N,), f32)]
    scratch = scratch + [
        pltpu.VMEM((NS * SLICE,), f32),
        pltpu.VMEM((SLICE,), f32),
        pltpu.VMEM_SHARED((NS * N,), f32),
    ]
    if with_deg:
        scratch = scratch + [pltpu.VMEM_SHARED((NS * N,), f32)]
    scratch = scratch + [pltpu.SemaphoreType.DMA]
    return pl.kernel(
        functools.partial(_sc_pass_body, with_deg),
        mesh=mesh,
        out_type=out_type,
        scratch_types=scratch,
        compiler_params=pltpu.CompilerParams(needs_layout_passes=False),
    )


def _tc_mid_body(x_ref, sx_ref, dg_ref, ws1_ref, wn1_ref, b1_ref,
                 ws2_ref, wn2_ref, s_ref, t_ref, d_ref):
    x = x_ref[...]
    deg = dg_ref[0:1, :] + dg_ref[1:2, :]
    sx = sx_ref[0:1, :] + sx_ref[1:2, :]
    agg = sx / jnp.maximum(deg, 1.0)
    h1 = jnp.tanh(ws1_ref[...] * x + wn1_ref[...] * agg + b1_ref[...])
    t_ref[...] = lax.dot_general(
        ws2_ref[...], h1, (((1,), (0,)), ((), ())),
        preferred_element_type=jnp.float32)
    s_ref[...] = lax.dot_general(
        wn2_ref[...], h1, (((1,), (0,)), ((), ())),
        preferred_element_type=jnp.float32)
    d_ref[...] = deg


_tc_mid = pl.pallas_call(
    _tc_mid_body,
    out_shape=[jax.ShapeDtypeStruct((1, N), jnp.float32)] * 3,
)


RB = 512
NBLK = N // RB


NBH = NBLK // 2


@functools.cache
def _make_tc_bot(c):
    def body(x_ref, pin_ref, w3_ref, p_ref, h_ref):
        i = pl.program_id(0)

        @pl.when(i == 0)
        def _init():
            h_ref[...] = jnp.tanh(x_ref[...])
            p_ref[...] = pin_ref[...]

        hs = h_ref[0:1, pl.ds((c * NBH + i) * RB, RB)]
        p_ref[...] += lax.dot_general(
            hs, w3_ref[...], (((1,), (0,)), ((), ())),
            preferred_element_type=jnp.float32)

    return pl.pallas_call(
        body,
        grid=(NBH,),
        in_specs=[
            pl.BlockSpec((1, N), lambda i: (0, 0)),
            pl.BlockSpec((1, N), lambda i: (0, 0)),
            pl.BlockSpec((RB, N), lambda i: (NBLK + c * NBH + i, 0)),
        ],
        out_specs=pl.BlockSpec((1, N), lambda i: (0, 0)),
        out_shape=jax.ShapeDtypeStruct((1, N), jnp.float32),
        scratch_shapes=[pltpu.VMEM((1, N), jnp.float32)],
    )


def _tc_top_body(t_ref, ss_ref, dg_ref, b2_ref, p_ref, w3_ref,
                 o1_ref, o2_ref, h_ref):
    i = pl.program_id(0)

    @pl.when(i == 0)
    def _init():
        deg = dg_ref[...]
        agg2 = (ss_ref[0:1, :] + ss_ref[1:2, :]) / jnp.maximum(deg, 1.0)
        o1 = t_ref[...] + agg2 + b2_ref[0, 0]
        o1_ref[...] = o1
        h_ref[...] = jnp.tanh(o1)
        o2_ref[...] = p_ref[...]

    hs = h_ref[0:1, pl.ds(i * RB, RB)]
    o2_ref[...] += lax.dot_general(
        hs, w3_ref[...], (((1,), (0,)), ((), ())),
        preferred_element_type=jnp.float32)


_tc_top = pl.pallas_call(
    _tc_top_body,
    grid=(NBLK,),
    in_specs=[
        pl.BlockSpec((1, N), lambda i: (0, 0)),
        pl.BlockSpec((NC, N), lambda i: (0, 0)),
        pl.BlockSpec((1, N), lambda i: (0, 0)),
        pl.BlockSpec((1, 1), lambda i: (0, 0)),
        pl.BlockSpec((1, N), lambda i: (0, 0)),
        pl.BlockSpec((RB, N), lambda i: (i, 0)),
    ],
    out_specs=[
        pl.BlockSpec((1, N), lambda i: (0, 0)),
        pl.BlockSpec((1, N), lambda i: (0, 0)),
    ],
    out_shape=[jax.ShapeDtypeStruct((1, N), jnp.float32)] * 2,
    scratch_shapes=[pltpu.VMEM((1, N), jnp.float32)],
)


def kernel(node_features, edge_index, W_self1, W_neigh1, b1,
           W_self2, W_neigh2, b2, W3, b3):
    x_row = node_features.reshape(1, N)

    sumx_p, deg_p = _make_sc_pass(True)(x_row, edge_index)

    p1 = _make_tc_bot(0)(x_row, b3.reshape(1, N), W3)
    sumx_p, deg_p, p1 = lax.optimization_barrier((sumx_p, deg_p, p1))

    s_row, t_row, deg_row = _tc_mid(
        x_row, sumx_p, deg_p,
        W_self1.reshape(H, 1), W_neigh1.reshape(H, 1), b1.reshape(H, 1),
        W_self2.reshape(1, H), W_neigh2.reshape(1, H))

    (sums_p,) = _make_sc_pass(False)(s_row, edge_index)

    p2 = _make_tc_bot(1)(x_row, p1, W3)
    sums_p, p2 = lax.optimization_barrier((sums_p, p2))

    o1, o2 = _tc_top(t_row, sums_p, deg_row, b2.reshape(1, 1),
                     p2, W3)
    return o1, o2

# --- scband reference (transcript-rebuilt; emitter-appended) ---
"""Pipeline reference for scband-graph-policy-network-77670188581040 (READ-ONLY COPY).

The authoritative reference and input builder live on the scoring server;
editing this copy changes nothing except your own understanding.
"""

import jax, jax.numpy as jnp
import numpy as np

N = 4096
E = 262144
H = 128

def setup_inputs(seed: int = 0):
    key = jax.random.key(seed)
    ks = jax.random.split(key, 12)
    node_features = jax.random.normal(ks[0], (N, 1), dtype=jnp.float32)
    edge_index = jax.random.randint(ks[1], (2, E), 0, N, dtype=jnp.int32)
    W_self1 = jax.random.normal(ks[2], (1, H), dtype=jnp.float32) * 0.1
    W_neigh1 = jax.random.normal(ks[3], (1, H), dtype=jnp.float32) * 0.1
    b1 = jnp.zeros((H,), dtype=jnp.float32)
    W_self2 = jax.random.normal(ks[4], (H, 1), dtype=jnp.float32) * 0.1
    W_neigh2 = jax.random.normal(ks[5], (H, 1), dtype=jnp.float32) * 0.1
    b2 = jnp.zeros((1,), dtype=jnp.float32)
    W3 = jax.random.normal(ks[6], (2 * N, N), dtype=jnp.float32) * 0.01
    b3 = jnp.zeros((N,), dtype=jnp.float32)
    return {"node_features": node_features, "edge_index": edge_index,
            "W_self1": W_self1, "W_neigh1": W_neigh1, "b1": b1,
            "W_self2": W_self2, "W_neigh2": W_neigh2, "b2": b2,
            "W3": W3, "b3": b3}

def _sage_mean(x, src, dst, W_self, W_neigh, b):
    # DGL-style SAGEConv with mean aggregator: fc_self(x) + fc_neigh(mean_{u->v} x_u)
    msgs = x[src]  # gather src features over edges
    summed = jax.ops.segment_sum(msgs, dst, num_segments=N)
    deg = jax.ops.segment_sum(jnp.ones((msgs.shape[0], 1), dtype=x.dtype), dst, num_segments=N)
    agg = summed / jnp.maximum(deg, 1.0)
    return x @ W_self + agg @ W_neigh + b

def reference(node_features, edge_index, W_self1, W_neigh1, b1, W_self2, W_neigh2, b2, W3, b3):
    src = edge_index[0]
    dst = edge_index[1]
    hidden1 = jnp.tanh(_sage_mean(node_features, src, dst, W_self1, W_neigh1, b1))
    output1 = _sage_mean(hidden1, src, dst, W_self2, W_neigh2, b2)
    output1 = output1.reshape(-1, N)
    nf = node_features.reshape(-1, N)
    hidden2 = jnp.tanh(jnp.concatenate([output1, nf], axis=1))
    output2 = hidden2 @ W3 + b3
    return (output1, output2)

if False:  # reference __main__ guard neutralized (emitter)
    out = reference(**setup_inputs())
    print(out[0].shape, out[1].shape)

if __name__ == "__main__":
    import jax
    _d = setup_inputs()
    print(jax.jit(kernel)(*tuple(_d.values())))

</pallas_src>

<mosaic_0001>
#map = affine_map<(d0, d1) -> (0, 0)>
module attributes {stable_mosaic.version = 14 : i64} {
  func.func @_sc_pass_body(%arg0: i32, %arg1: i32, %arg2: memref<1x4096xf32, #tpu.memory_space<hbm>>, %arg3: memref<2x262144xi32, #tpu.memory_space<hbm>>, %arg4: memref<2x4096xf32, #tpu.memory_space<hbm>>, %arg5: memref<2x4096xf32, #tpu.memory_space<hbm>>, %arg6: memref<4096xf32, #tpu.memory_space<vmem>>, %arg7: memref<8192xi32, #tpu.memory_space<vmem>>, %arg8: memref<8192xi32, #tpu.memory_space<vmem>>, %arg9: memref<8192xf32, #tpu.memory_space<vmem>>, %arg10: memref<4096xf32, #tpu.memory_space<vmem>>, %arg11: memref<4096xf32, #tpu.memory_space<vmem>>, %arg12: memref<4096xf32, #tpu.memory_space<vmem>>, %arg13: memref<256xf32, #tpu.memory_space<vmem>>, %arg14: memref<65536xf32, #tpu.memory_space<vmem_shared>>, %arg15: memref<65536xf32, #tpu.memory_space<vmem_shared>>, %arg16: memref<!tpu.dma_semaphore, #tpu.memory_space<semaphore_mem>>) attributes {dimension_semantics = [#tpu.dimension_semantics<core_parallel>, #tpu.dimension_semantics<subcore_parallel>], iteration_bounds = array<i64: 2, 16>, scalar_prefetch = 0 : i64, scratch_operands = 11 : i64, tpu.core_type = #tpu.core_type<sc_vector_subcore>, window_params = [{transform_indices = #map}, {transform_indices = #map}, {transform_indices = #map}, {transform_indices = #map}]} {
    %mul3A = arith.constant 16 : i32
    %mul3A_0 = arith.muli %arg0, %mul3A : i32
    %add3A = arith.addi %mul3A_0, %arg1 : i32
    %dma_start3A = arith.constant 0 : i32
    "tpu.trace_start"() <{level = 10 : i32, message = "sc_stage"}> : () -> ()
    %dma_start3A_1 = arith.constant 0 : i32
    %dma_start3A_2 = tpu.memref_slice %arg2[%dma_start3A, %dma_start3A_1] : memref<1x4096xf32, #tpu.memory_space<hbm>> -> memref<1x4096xf32, #tpu.memory_space<hbm>>
    %dma_start3A_3 = tpu.memref_squeeze %dma_start3A_2 : memref<1x4096xf32, #tpu.memory_space<hbm>> -> memref<4096xf32, #tpu.memory_space<hbm>>
    %dma_start3A_4 = arith.constant 0 : i32
    %dma_start3A_5 = tpu.memref_slice %arg2[%dma_start3A, %dma_start3A_4] : memref<1x4096xf32, #tpu.memory_space<hbm>> -> memref<1x4096xf32, #tpu.memory_space<hbm>>
    %dma_start3A_6 = tpu.memref_squeeze %dma_start3A_5 : memref<1x4096xf32, #tpu.memory_space<hbm>> -> memref<4096xf32, #tpu.memory_space<hbm>>
    tpu.enqueue_dma source(%dma_start3A_6 : memref<4096xf32, #tpu.memory_space<hbm>>) target(%arg6 : memref<4096xf32, #tpu.memory_space<vmem>>) target_semaphore(%arg16 : memref<!tpu.dma_semaphore, #tpu.memory_space<semaphore_mem>>)
    %mul3A_7 = arith.constant 8192 : i32
    %mul3A_8 = arith.muli %add3A, %mul3A_7 : i32
    %dma_start3A_9 = arith.constant 0 : i32
    %dma_start3A_10 = tpu.memref_slice %arg3[%dma_start3A_9, %mul3A_8] : memref<2x262144xi32, #tpu.memory_space<hbm>> -> memref<1x8192xi32, #tpu.memory_space<hbm>>
    %dma_start3A_11 = tpu.memref_squeeze %dma_start3A_10 : memref<1x8192xi32, #tpu.memory_space<hbm>> -> memref<8192xi32, #tpu.memory_space<hbm>>
    %dma_start3A_12 = tpu.memref_slice %arg3[%dma_start3A_9, %mul3A_8] : memref<2x262144xi32, #tpu.memory_space<hbm>> -> memref<1x8192xi32, #tpu.memory_space<hbm>>
    %dma_start3A_13 = tpu.memref_squeeze %dma_start3A_12 : memref<1x8192xi32, #tpu.memory_space<hbm>> -> memref<8192xi32, #tpu.memory_space<hbm>>
    tpu.enqueue_dma source(%dma_start3A_13 : memref<8192xi32, #tpu.memory_space<hbm>>) target(%arg7 : memref<8192xi32, #tpu.memory_space<vmem>>) target_semaphore(%arg16 : memref<!tpu.dma_semaphore, #tpu.memory_space<semaphore_mem>>)
    %mul3A_14 = arith.constant 8192 : i32
    %mul3A_15 = arith.muli %add3A, %mul3A_14 : i32
    %dma_start3A_16 = arith.constant 1 : i32
    %dma_start3A_17 = tpu.memref_slice %arg3[%dma_start3A_16, %mul3A_15] : memref<2x262144xi32, #tpu.memory_space<hbm>> -> memref<1x8192xi32, #tpu.memory_space<hbm>>
    %dma_start3A_18 = tpu.memref_squeeze %dma_start3A_17 : memref<1x8192xi32, #tpu.memory_space<hbm>> -> memref<8192xi32, #tpu.memory_space<hbm>>
    %dma_start3A_19 = tpu.memref_slice %arg3[%dma_start3A_16, %mul3A_15] : memref<2x262144xi32, #tpu.memory_space<hbm>> -> memref<1x8192xi32, #tpu.memory_space<hbm>>
    %dma_start3A_20 = tpu.memref_squeeze %dma_start3A_19 : memref<1x8192xi32, #tpu.memory_space<hbm>> -> memref<8192xi32, #tpu.memory_space<hbm>>
    tpu.enqueue_dma source(%dma_start3A_20 : memref<8192xi32, #tpu.memory_space<hbm>>) target(%arg8 : memref<8192xi32, #tpu.memory_space<vmem>>) target_semaphore(%arg16 : memref<!tpu.dma_semaphore, #tpu.memory_space<semaphore_mem>>)
    "tpu.trace_stop"() : () -> ()
    "tpu.trace_start"() <{level = 10 : i32, message = "sc_zero"}> : () -> ()
    %scan3A = arith.constant 0 : i32
    %scan3A_21 = arith.constant 0 : i32
    %scan3A_22 = arith.constant 256 : i32
    %scan3A_23 = arith.addi %scan3A_21, %scan3A_22 : i32
    %scan3A_24 = arith.constant 1 : i32
    scf.for %scan3A_583 = %scan3A_21 to %scan3A_23 step %scan3A_24  : i32 {
      %broadcast_in_dim3A_584 = arith.constant 0.000000e+00 : f32
      %broadcast_in_dim3A_585 = vector.broadcast %broadcast_in_dim3A_584 : f32 to vector<16xf32>
      %mul3A_586 = arith.constant 16 : i32
      %mul3A_587 = arith.muli %scan3A_583, %mul3A_586 : i32
      %swap3A = arith.index_cast %mul3A_587 : i32 to index
      %swap3A_588 = tpu.vector_load %arg10[%swap3A] {strides = array<i32>} : memref<4096xf32, #tpu.memory_space<vmem>>, vector<16xf32>,
      tpu.vector_store %arg10[%swap3A], %broadcast_in_dim3A_585 {strides = array<i32>} : memref<4096xf32, #tpu.memory_space<vmem>>, vector<16xf32>,
      %broadcast_in_dim3A_589 = arith.constant 0.000000e+00 : f32
      %broadcast_in_dim3A_590 = vector.broadcast %broadcast_in_dim3A_589 : f32 to vector<16xf32>
      %mul3A_591 = arith.constant 16 : i32
      %mul3A_592 = arith.muli %scan3A_583, %mul3A_591 : i32
      %swap3A_593 = arith.index_cast %mul3A_592 : i32 to index
      %swap3A_594 = tpu.vector_load %arg11[%swap3A_593] {strides = array<i32>} : memref<4096xf32, #tpu.memory_space<vmem>>, vector<16xf32>,
      tpu.vector_store %arg11[%swap3A_593], %broadcast_in_dim3A_590 {strides = array<i32>} : memref<4096xf32, #tpu.memory_space<vmem>>, vector<16xf32>,
    }
    %scan3A_25 = arith.constant 256 : i32
    %dma_wait3A = arith.constant 0 : i32
    %dma_wait3A_26 = arith.constant 0 : i32
    %dma_wait3A_27 = tpu.memref_slice %arg2[%dma_wait3A, %dma_wait3A_26] : memref<1x4096xf32, #tpu.memory_space<hbm>> -> memref<1x4096xf32, #tpu.memory_space<hbm>>
    %dma_wait3A_28 = tpu.memref_squeeze %dma_wait3A_27 : memref<1x4096xf32, #tpu.memory_space<hbm>> -> memref<4096xf32, #tpu.memory_space<hbm>>
    %dma_wait3A_29 = arith.constant 0 : i32
    %dma_wait3A_30 = tpu.memref_slice %arg2[%dma_wait3A, %dma_wait3A_29] : memref<1x4096xf32, #tpu.memory_space<hbm>> -> memref<1x4096xf32, #tpu.memory_space<hbm>>
    %dma_wait3A_31 = tpu.memref_squeeze %dma_wait3A_30 : memref<1x4096xf32, #tpu.memory_space<hbm>> -> memref<4096xf32, #tpu.memory_space<hbm>>
    tpu.wait_dma2 semaphore(%arg16 : memref<!tpu.dma_semaphore, #tpu.memory_space<semaphore_mem>>) src(%dma_wait3A_31 : memref<4096xf32, #tpu.memory_space<hbm>>) dst(%arg6 : memref<4096xf32, #tpu.memory_space<vmem>>)
    %dma_wait3A_32 = arith.constant 0 : i32
    %dma_wait3A_33 = tpu.memref_slice %arg3[%dma_wait3A_32, %mul3A_8] : memref<2x262144xi32, #tpu.memory_space<hbm>> -> memref<1x8192xi32, #tpu.memory_space<hbm>>
    %dma_wait3A_34 = tpu.memref_squeeze %dma_wait3A_33 : memref<1x8192xi32, #tpu.memory_space<hbm>> -> memref<8192xi32, #tpu.memory_space<hbm>>
    %dma_wait3A_35 = tpu.memref_slice %arg3[%dma_wait3A_32, %mul3A_8] : memref<2x262144xi32, #tpu.memory_space<hbm>> -> memref<1x8192xi32, #tpu.memory_space<hbm>>
    %dma_wait3A_36 = tpu.memref_squeeze %dma_wait3A_35 : memref<1x8192xi32, #tpu.memory_space<hbm>> -> memref<8192xi32, #tpu.memory_space<hbm>>
    tpu.wait_dma2 semaphore(%arg16 : memref<!tpu.dma_semaphore, #tpu.memory_space<semaphore_mem>>) src(%dma_wait3A_36 : memref<8192xi32, #tpu.memory_space<hbm>>) dst(%arg7 : memref<8192xi32, #tpu.memory_space<vmem>>)
    %dma_wait3A_37 = arith.constant 1 : i32
    %dma_wait3A_38 = tpu.memref_slice %arg3[%dma_wait3A_37, %mul3A_15] : memref<2x262144xi32, #tpu.memory_space<hbm>> -> memref<1x8192xi32, #tpu.memory_space<hbm>>
    %dma_wait3A_39 = tpu.memref_squeeze %dma_wait3A_38 : memref<1x8192xi32, #tpu.memory_space<hbm>> -> memref<8192xi32, #tpu.memory_space<hbm>>
    %dma_wait3A_40 = tpu.memref_slice %arg3[%dma_wait3A_37, %mul3A_15] : memref<2x262144xi32, #tpu.memory_space<hbm>> -> memref<1x8192xi32, #tpu.memory_space<hbm>>
    %dma_wait3A_41 = tpu.memref_squeeze %dma_wait3A_40 : memref<1x8192xi32, #tpu.memory_space<hbm>> -> memref<8192xi32, #tpu.memory_space<hbm>>
    tpu.wait_dma2 semaphore(%arg16 : memref<!tpu.dma_semaphore, #tpu.memory_space<semaphore_mem>>) src(%dma_wait3A_41 : memref<8192xi32, #tpu.memory_space<hbm>>) dst(%arg8 : memref<8192xi32, #tpu.memory_space<vmem>>)
    %broadcast_in_dim3A = arith.constant 1.000000e+00 : f32
    "tpu.trace_stop"() : () -> ()
    %broadcast_in_dim3A_42 = vector.broadcast %broadcast_in_dim3A : f32 to vector<16xf32>
    %parallel_loop3A = arith.constant 0 : i32
    %parallel_loop3A_43 = arith.constant 512 : i32
    %parallel_loop3A_44 = arith.constant 1 : i32
    "tpu.trace_start"() <{level = 10 : i32, message = "sc_gather"}> : () -> ()
    scf.for %parallel_loop3A_583 = %parallel_loop3A to %parallel_loop3A_43 step %parallel_loop3A_44  : i32 {
      %parallel_loop3A_584 = arith.constant 16 : i32
      %parallel_loop3A_585 = arith.muli %parallel_loop3A_583, %parallel_loop3A_584 : i32
      %parallel_loop3A_586 = arith.index_cast %parallel_loop3A_585 : i32 to index
      %parallel_loop3A_587 = tpu.vector_load %arg7[%parallel_loop3A_586] {strides = array<i32>} : memref<8192xi32, #tpu.memory_space<vmem>>, vector<16xi32>,
      %parallel_loop3A_588 = tpu.vector_load_idx %arg6[%parallel_loop3A_587] : memref<4096xf32, #tpu.memory_space<vmem>>[vector<16xi32>], vector<16xf32>,
      %parallel_loop3A_589 = arith.constant 16 : i32
      %parallel_loop3A_590 = arith.muli %parallel_loop3A_583, %parallel_loop3A_589 : i32
      %parallel_loop3A_591 = arith.index_cast %parallel_loop3A_590 : i32 to index
      %parallel_loop3A_592 = tpu.vector_load %arg9[%parallel_loop3A_591] {strides = array<i32>} : memref<8192xf32, #tpu.memory_space<vmem>>, vector<16xf32>,
      tpu.vector_store %arg9[%parallel_loop3A_591], %parallel_loop3A_588 {strides = array<i32>} : memref<8192xf32, #tpu.memory_space<vmem>>, vector<16xf32>,
    } {sc.loop_unroll_factor = 4 : i64, sc.parallel_access}
    "tpu.trace_stop"() : () -> ()
    "tpu.trace_start"() <{level = 10 : i32, message = "sc_scatter"}> : () -> ()
    %scan3A_45 = arith.constant 0 : i32
    %scan3A_46 = arith.constant 0 : i32
    %scan3A_47 = arith.constant 64 : i32
    %scan3A_48 = arith.addi %scan3A_46, %scan3A_47 : i32
    %scan3A_49 = arith.constant 1 : i32
    scf.for %scan3A_583 = %scan3A_46 to %scan3A_48 step %scan3A_49  : i32 {
      %mul3A_584 = arith.constant 128 : i32
      %mul3A_585 = arith.muli %scan3A_583, %mul3A_584 : i32
      %add3A_586 = arith.constant 0 : i32
      %add3A_587 = arith.addi %mul3A_585, %add3A_586 : i32
      %get3A = arith.index_cast %add3A_587 : i32 to index
      %get3A_588 = tpu.vector_load %arg8[%get3A] {strides = array<i32>} : memref<8192xi32, #tpu.memory_space<vmem>>, vector<16xi32>,
      %get3A_589 = arith.index_cast %add3A_587 : i32 to index
      %get3A_590 = tpu.vector_load %arg9[%get3A_589] {strides = array<i32>} : memref<8192xf32, #tpu.memory_space<vmem>>, vector<16xf32>,
      tpu.vector_store_idx %arg10[%get3A_588], %get3A_590 {add = true} : memref<4096xf32, #tpu.memory_space<vmem>>[vector<16xi32>], vector<16xf32>,
      tpu.vector_store_idx %arg11[%get3A_588], %broadcast_in_dim3A_42 {add = true} : memref<4096xf32, #tpu.memory_space<vmem>>[vector<16xi32>], vector<16xf32>,
      %mul3A_591 = arith.constant 128 : i32
      %mul3A_592 = arith.muli %scan3A_583, %mul3A_591 : i32
      %add3A_593 = arith.constant 16 : i32
      %add3A_594 = arith.addi %mul3A_592, %add3A_593 : i32
      %get3A_595 = arith.index_cast %add3A_594 : i32 to index
      %get3A_596 = tpu.vector_load %arg8[%get3A_595] {strides = array<i32>} : memref<8192xi32, #tpu.memory_space<vmem>>, vector<16xi32>,
      %get3A_597 = arith.index_cast %add3A_594 : i32 to index
      %get3A_598 = tpu.vector_load %arg9[%get3A_597] {strides = array<i32>} : memref<8192xf32, #tpu.memory_space<vmem>>, vector<16xf32>,
      tpu.vector_store_idx %arg10[%get3A_596], %get3A_598 {add = true} : memref<4096xf32, #tpu.memory_space<vmem>>[vector<16xi32>], vector<16xf32>,
      tpu.vector_store_idx %arg11[%get3A_596], %broadcast_in_dim3A_42 {add = true} : memref<4096xf32, #tpu.memory_space<vmem>>[vector<16xi32>], vector<16xf32>,
      %mul3A_599 = arith.constant 128 : i32
      %mul3A_600 = arith.muli %scan3A_583, %mul3A_599 : i32
      %add3A_601 = arith.constant 32 : i32
      %add3A_602 = arith.addi %mul3A_600, %add3A_601 : i32
      %get3A_603 = arith.index_cast %add3A_602 : i32 to index
      %get3A_604 = tpu.vector_load %arg8[%get3A_603] {strides = array<i32>} : memref<8192xi32, #tpu.memory_space<vmem>>, vector<16xi32>,
      %get3A_605 = arith.index_cast %add3A_602 : i32 to index
      %get3A_606 = tpu.vector_load %arg9[%get3A_605] {strides = array<i32>} : memref<8192xf32, #tpu.memory_space<vmem>>, vector<16xf32>,
      tpu.vector_store_idx %arg10[%get3A_604], %get3A_606 {add = true} : memref<4096xf32, #tpu.memory_space<vmem>>[vector<16xi32>], vector<16xf32>,
      tpu.vector_store_idx %arg11[%get3A_604], %broadcast_in_dim3A_42 {add = true} : memref<4096xf32, #tpu.memory_space<vmem>>[vector<16xi32>], vector<16xf32>,
      %mul3A_607 = arith.constant 128 : i32
      %mul3A_608 = arith.muli %scan3A_583, %mul3A_607 : i32
      %add3A_609 = arith.constant 48 : i32
      %add3A_610 = arith.addi %mul3A_608, %add3A_609 : i32
      %get3A_611 = arith.index_cast %add3A_610 : i32 to index
      %get3A_612 = tpu.vector_load %arg8[%get3A_611] {strides = array<i32>} : memref<8192xi32, #tpu.memory_space<vmem>>, vector<16xi32>,
      %get3A_613 = arith.index_cast %add3A_610 : i32 to index
      %get3A_614 = tpu.vector_load %arg9[%get3A_613] {strides = array<i32>} : memref<8192xf32, #tpu.memory_space<vmem>>, vector<16xf32>,
      tpu.vector_store_idx %arg10[%get3A_612], %get3A_614 {add = true} : memref<4096xf32, #tpu.memory_space<vmem>>[vector<16xi32>], vector<16xf32>,
      tpu.vector_store_idx %arg11[%get3A_612], %broadcast_in_dim3A_42 {add = true} : memref<4096xf32, #tpu.memory_space<vmem>>[vector<16xi32>], vector<16xf32>,
      %mul3A_615 = arith.constant 128 : i32
      %mul3A_616 = arith.muli %scan3A_583, %mul3A_615 : i32
      %add3A_617 = arith.constant 64 : i32
      %add3A_618 = arith.addi %mul3A_616, %add3A_617 : i32
      %get3A_619 = arith.index_cast %add3A_618 : i32 to index
      %get3A_620 = tpu.vector_load %arg8[%get3A_619] {strides = array<i32>} : memref<8192xi32, #tpu.memory_space<vmem>>, vector<16xi32>,
      %get3A_621 = arith.index_cast %add3A_618 : i32 to index
      %get3A_622 = tpu.vector_load %arg9[%get3A_621] {strides = array<i32>} : memref<8192xf32, #tpu.memory_space<vmem>>, vector<16xf32>,
      tpu.vector_store_idx %arg10[%get3A_620], %get3A_622 {add = true} : memref<4096xf32, #tpu.memory_space<vmem>>[vector<16xi32>], vector<16xf32>,
      tpu.vector_store_idx %arg11[%get3A_620], %broadcast_in_dim3A_42 {add = true} : memref<4096xf32, #tpu.memory_space<vmem>>[vector<16xi32>], vector<16xf32>,
      %mul3A_623 = arith.constant 128 : i32
      %mul3A_624 = arith.muli %scan3A_583, %mul3A_623 : i32
      %add3A_625 = arith.constant 80 : i32
      %add3A_626 = arith.addi %mul3A_624, %add3A_625 : i32
      %get3A_627 = arith.index_cast %add3A_626 : i32 to index
      %get3A_628 = tpu.vector_load %arg8[%get3A_627] {strides = array<i32>} : memref<8192xi32, #tpu.memory_space<vmem>>, vector<16xi32>,
      %get3A_629 = arith.index_cast %add3A_626 : i32 to index
      %get3A_630 = tpu.vector_load %arg9[%get3A_629] {strides = array<i32>} : memref<8192xf32, #tpu.memory_space<vmem>>, vector<16xf32>,
      tpu.vector_store_idx %arg10[%get3A_628], %get3A_630 {add = true} : memref<4096xf32, #tpu.memory_space<vmem>>[vector<16xi32>], vector<16xf32>,
      tpu.vector_store_idx %arg11[%get3A_628], %broadcast_in_dim3A_42 {add = true} : memref<4096xf32, #tpu.memory_space<vmem>>[vector<16xi32>], vector<16xf32>,
      %mul3A_631 = arith.constant 128 : i32
      %mul3A_632 = arith.muli %scan3A_583, %mul3A_631 : i32
      %add3A_633 = arith.constant 96 : i32
      %add3A_634 = arith.addi %mul3A_632, %add3A_633 : i32
      %get3A_635 = arith.index_cast %add3A_634 : i32 to index
      %get3A_636 = tpu.vector_load %arg8[%get3A_635] {strides = array<i32>} : memref<8192xi32, #tpu.memory_space<vmem>>, vector<16xi32>,
      %get3A_637 = arith.index_cast %add3A_634 : i32 to index
      %get3A_638 = tpu.vector_load %arg9[%get3A_637] {strides = array<i32>} : memref<8192xf32, #tpu.memory_space<vmem>>, vector<16xf32>,
      tpu.vector_store_idx %arg10[%get3A_636], %get3A_638 {add = true} : memref<4096xf32, #tpu.memory_space<vmem>>[vector<16xi32>], vector<16xf32>,
      tpu.vector_store_idx %arg11[%get3A_636], %broadcast_in_dim3A_42 {add = true} : memref<4096xf32, #tpu.memory_space<vmem>>[vector<16xi32>], vector<16xf32>,
      %mul3A_639 = arith.constant 128 : i32
      %mul3A_640 = arith.muli %scan3A_583, %mul3A_639 : i32
      %add3A_641 = arith.constant 112 : i32
      %add3A_642 = arith.addi %mul3A_640, %add3A_641 : i32
      %get3A_643 = arith.index_cast %add3A_642 : i32 to index
      %get3A_644 = tpu.vector_load %arg8[%get3A_643] {strides = array<i32>} : memref<8192xi32, #tpu.memory_space<vmem>>, vector<16xi32>,
      %get3A_645 = arith.index_cast %add3A_642 : i32 to index
      %get3A_646 = tpu.vector_load %arg9[%get3A_645] {strides = array<i32>} : memref<8192xf32, #tpu.memory_space<vmem>>, vector<16xf32>,
      tpu.vector_store_idx %arg10[%get3A_644], %get3A_646 {add = true} : memref<4096xf32, #tpu.memory_space<vmem>>[vector<16xi32>], vector<16xf32>,
      tpu.vector_store_idx %arg11[%get3A_644], %broadcast_in_dim3A_42 {add = true} : memref<4096xf32, #tpu.memory_space<vmem>>[vector<16xi32>], vector<16xf32>,
    }
    %scan3A_50 = arith.constant 64 : i32
    "tpu.trace_stop"() : () -> ()
    "tpu.trace_start"() <{level = 10 : i32, message = "sc_publish"}> : () -> ()
    %mul3A_51 = arith.constant 4096 : i32
    %mul3A_52 = arith.muli %arg1, %mul3A_51 : i32
    "tpu.region"() ({
      %run_scoped3A = tpu.sem_alloc : memref<!tpu.dma_semaphore, #tpu.memory_space<semaphore_mem>>
      %dma_start3A_583 = tpu.memref_slice %arg14[%mul3A_52] : memref<65536xf32, #tpu.memory_space<vmem_shared>> -> memref<4096xf32, #tpu.memory_space<vmem_shared>>
      %dma_start3A_584 = tpu.memref_slice %arg14[%mul3A_52] : memref<65536xf32, #tpu.memory_space<vmem_shared>> -> memref<4096xf32, #tpu.memory_space<vmem_shared>>
      tpu.enqueue_dma source(%arg10 : memref<4096xf32, #tpu.memory_space<vmem>>) target(%dma_start3A_584 : memref<4096xf32, #tpu.memory_space<vmem_shared>>) target_semaphore(%run_scoped3A : memref<!tpu.dma_semaphore, #tpu.memory_space<semaphore_mem>>)
      %dma_wait3A_585 = tpu.memref_slice %arg14[%mul3A_52] : memref<65536xf32, #tpu.memory_space<vmem_shared>> -> memref<4096xf32, #tpu.memory_space<vmem_shared>>
      %dma_wait3A_586 = tpu.memref_slice %arg14[%mul3A_52] : memref<65536xf32, #tpu.memory_space<vmem_shared>> -> memref<4096xf32, #tpu.memory_space<vmem_shared>>
      tpu.wait_dma2 semaphore(%run_scoped3A : memref<!tpu.dma_semaphore, #tpu.memory_space<semaphore_mem>>) src(%arg10 : memref<4096xf32, #tpu.memory_space<vmem>>) dst(%dma_wait3A_586 : memref<4096xf32, #tpu.memory_space<vmem_shared>>)
      tpu.yield
    }) : () -> ()
    %mul3A_53 = arith.constant 4096 : i32
    %mul3A_54 = arith.muli %arg1, %mul3A_53 : i32
    "tpu.region"() ({
      %run_scoped3A = tpu.sem_alloc : memref<!tpu.dma_semaphore, #tpu.memory_space<semaphore_mem>>
      %dma_start3A_583 = tpu.memref_slice %arg15[%mul3A_54] : memref<65536xf32, #tpu.memory_space<vmem_shared>> -> memref<4096xf32, #tpu.memory_space<vmem_shared>>
      %dma_start3A_584 = tpu.memref_slice %arg15[%mul3A_54] : memref<65536xf32, #tpu.memory_space<vmem_shared>> -> memref<4096xf32, #tpu.memory_space<vmem_shared>>
      tpu.enqueue_dma source(%arg11 : memref<4096xf32, #tpu.memory_space<vmem>>) target(%dma_start3A_584 : memref<4096xf32, #tpu.memory_space<vmem_shared>>) target_semaphore(%run_scoped3A : memref<!tpu.dma_semaphore, #tpu.memory_space<semaphore_mem>>)
      %dma_wait3A_585 = tpu.memref_slice %arg15[%mul3A_54] : memref<65536xf32, #tpu.memory_space<vmem_shared>> -> memref<4096xf32, #tpu.memory_space<vmem_shared>>
      %dma_wait3A_586 = tpu.memref_slice %arg15[%mul3A_54] : memref<65536xf32, #tpu.memory_space<vmem_shared>> -> memref<4096xf32, #tpu.memory_space<vmem_shared>>
      tpu.wait_dma2 semaphore(%run_scoped3A : memref<!tpu.dma_semaphore, #tpu.memory_space<semaphore_mem>>) src(%arg11 : memref<4096xf32, #tpu.memory_space<vmem>>) dst(%dma_wait3A_586 : memref<4096xf32, #tpu.memory_space<vmem_shared>>)
      tpu.yield
    }) : () -> ()
    %barrier3A = arith.constant 0 : index
    tpu.barrier barrier_id(%barrier3A)
    "tpu.trace_stop"() : () -> ()
    "tpu.trace_start"() <{level = 10 : i32, message = "sc_reduce"}> : () -> ()
    %mul3A_55 = arith.constant 256 : i32
    %mul3A_56 = arith.muli %arg1, %mul3A_55 : i32
    %add3A_57 = arith.constant 0 : i32
    %add3A_58 = arith.addi %add3A_57, %mul3A_56 : i32
    %dma_start3A_59 = arith.constant 0 : i32
    %dma_start3A_60 = tpu.memref_slice %arg12[%dma_start3A_59] : memref<4096xf32, #tpu.memory_space<vmem>> -> memref<256xf32, #tpu.memory_space<vmem>>
    %dma_start3A_61 = tpu.memref_slice %arg14[%add3A_58] : memref<65536xf32, #tpu.memory_space<vmem_shared>> -> memref<256xf32, #tpu.memory_space<vmem_shared>>
    %dma_start3A_62 = arith.constant 0 : i32
    %dma_start3A_63 = tpu.memref_slice %arg12[%dma_start3A_62] : memref<4096xf32, #tpu.memory_space<vmem>> -> memref<256xf32, #tpu.memory_space<vmem>>
    %dma_start3A_64 = tpu.memref_slice %arg14[%add3A_58] : memref<65536xf32, #tpu.memory_space<vmem_shared>> -> memref<256xf32, #tpu.memory_space<vmem_shared>>
    tpu.enqueue_dma source(%dma_start3A_64 : memref<256xf32, #tpu.memory_space<vmem_shared>>) target(%dma_start3A_63 : memref<256xf32, #tpu.memory_space<vmem>>) target_semaphore(%arg16 : memref<!tpu.dma_semaphore, #tpu.memory_space<semaphore_mem>>)
    %mul3A_65 = arith.constant 256 : i32
    %mul3A_66 = arith.muli %arg1, %mul3A_65 : i32
    %add3A_67 = arith.constant 4096 : i32
    %add3A_68 = arith.addi %add3A_67, %mul3A_66 : i32
    %dma_start3A_69 = arith.constant 256 : i32
    %dma_start3A_70 = tpu.memref_slice %arg12[%dma_start3A_69] : memref<4096xf32, #tpu.memory_space<vmem>> -> memref<256xf32, #tpu.memory_space<vmem>>
    %dma_start3A_71 = tpu.memref_slice %arg14[%add3A_68] : memref<65536xf32, #tpu.memory_space<vmem_shared>> -> memref<256xf32, #tpu.memory_space<vmem_shared>>
    %dma_start3A_72 = arith.constant 256 : i32
    %dma_start3A_73 = tpu.memref_slice %arg12[%dma_start3A_72] : memref<4096xf32, #tpu.memory_space<vmem>> -> memref<256xf32, #tpu.memory_space<vmem>>
    %dma_start3A_74 = tpu.memref_slice %arg14[%add3A_68] : memref<65536xf32, #tpu.memory_space<vmem_shared>> -> memref<256xf32, #tpu.memory_space<vmem_shared>>
    tpu.enqueue_dma source(%dma_start3A_74 : memref<256xf32, #tpu.memory_space<vmem_shared>>) target(%dma_start3A_73 : memref<256xf32, #tpu.memory_space<vmem>>) target_semaphore(%arg16 : memref<!tpu.dma_semaphore, #tpu.memory_space<semaphore_mem>>)
    %mul3A_75 = arith.constant 256 : i32
    %mul3A_76 = arith.muli %arg1, %mul3A_75 : i32
    %add3A_77 = arith.constant 8192 : i32
    %add3A_78 = arith.addi %add3A_77, %mul3A_76 : i32
    %dma_start3A_79 = arith.constant 512 : i32
    %dma_start3A_80 = tpu.memref_slice %arg12[%dma_start3A_79] : memref<4096xf32, #tpu.memory_space<vmem>> -> memref<256xf32, #tpu.memory_space<vmem>>
    %dma_start3A_81 = tpu.memref_slice %arg14[%add3A_78] : memref<65536xf32, #tpu.memory_space<vmem_shared>> -> memref<256xf32, #tpu.memory_space<vmem_shared>>
    %dma_start3A_82 = arith.constant 512 : i32
    %dma_start3A_83 = tpu.memref_slice %arg12[%dma_start3A_82] : memref<4096xf32, #tpu.memory_space<vmem>> -> memref<256xf32, #tpu.memory_space<vmem>>
    %dma_start3A_84 = tpu.memref_slice %arg14[%add3A_78] : memref<65536xf32, #tpu.memory_space<vmem_shared>> -> memref<256xf32, #tpu.memory_space<vmem_shared>>
    tpu.enqueue_dma source(%dma_start3A_84 : memref<256xf32, #tpu.memory_space<vmem_shared>>) target(%dma_start3A_83 : memref<256xf32, #tpu.memory_space<vmem>>) target_semaphore(%arg16 : memref<!tpu.dma_semaphore, #tpu.memory_space<semaphore_mem>>)
    %mul3A_85 = arith.constant 256 : i32
    %mul3A_86 = arith.muli %arg1, %mul3A_85 : i32
    %add3A_87 = arith.constant 12288 : i32
    %add3A_88 = arith.addi %add3A_87, %mul3A_86 : i32
    %dma_start3A_89 = arith.constant 768 : i32
    %dma_start3A_90 = tpu.memref_slice %arg12[%dma_start3A_89] : memref<4096xf32, #tpu.memory_space<vmem>> -> memref<256xf32, #tpu.memory_space<vmem>>
    %dma_start3A_91 = tpu.memref_slice %arg14[%add3A_88] : memref<65536xf32, #tpu.memory_space<vmem_shared>> -> memref<256xf32, #tpu.memory_space<vmem_shared>>
    %dma_start3A_92 = arith.constant 768 : i32
    %dma_start3A_93 = tpu.memref_slice %arg12[%dma_start3A_92] : memref<4096xf32, #tpu.memory_space<vmem>> -> memref<256xf32, #tpu.memory_space<vmem>>
    %dma_start3A_94 = tpu.memref_slice %arg14[%add3A_88] : memref<65536xf32, #tpu.memory_space<vmem_shared>> -> memref<256xf32, #tpu.memory_space<vmem_shared>>
    tpu.enqueue_dma source(%dma_start3A_94 : memref<256xf32, #tpu.memory_space<vmem_shared>>) target(%dma_start3A_93 : memref<256xf32, #tpu.memory_space<vmem>>) target_semaphore(%arg16 : memref<!tpu.dma_semaphore, #tpu.memory_space<semaphore_mem>>)
    %mul3A_95 = arith.constant 256 : i32
    %mul3A_96 = arith.muli %arg1, %mul3A_95 : i32
    %add3A_97 = arith.constant 16384 : i32
    %add3A_98 = arith.addi %add3A_97, %mul3A_96 : i32
    %dma_start3A_99 = arith.constant 1024 : i32
    %dma_start3A_100 = tpu.memref_slice %arg12[%dma_start3A_99] : memref<4096xf32, #tpu.memory_space<vmem>> -> memref<256xf32, #tpu.memory_space<vmem>>
    %dma_start3A_101 = tpu.memref_slice %arg14[%add3A_98] : memref<65536xf32, #tpu.memory_space<vmem_shared>> -> memref<256xf32, #tpu.memory_space<vmem_shared>>
    %dma_start3A_102 = arith.constant 1024 : i32
    %dma_start3A_103 = tpu.memref_slice %arg12[%dma_start3A_102] : memref<4096xf32, #tpu.memory_space<vmem>> -> memref<256xf32, #tpu.memory_space<vmem>>
    %dma_start3A_104 = tpu.memref_slice %arg14[%add3A_98] : memref<65536xf32, #tpu.memory_space<vmem_shared>> -> memref<256xf32, #tpu.memory_space<vmem_shared>>
    tpu.enqueue_dma source(%dma_start3A_104 : memref<256xf32, #tpu.memory_space<vmem_shared>>) target(%dma_start3A_103 : memref<256xf32, #tpu.memory_space<vmem>>) target_semaphore(%arg16 : memref<!tpu.dma_semaphore, #tpu.memory_space<semaphore_mem>>)
    %mul3A_105 = arith.constant 256 : i32
    %mul3A_106 = arith.muli %arg1, %mul3A_105 : i32
    %add3A_107 = arith.constant 20480 : i32
    %add3A_108 = arith.addi %add3A_107, %mul3A_106 : i32
    %dma_start3A_109 = arith.constant 1280 : i32
    %dma_start3A_110 = tpu.memref_slice %arg12[%dma_start3A_109] : memref<4096xf32, #tpu.memory_space<vmem>> -> memref<256xf32, #tpu.memory_space<vmem>>
    %dma_start3A_111 = tpu.memref_slice %arg14[%add3A_108] : memref<65536xf32, #tpu.memory_space<vmem_shared>> -> memref<256xf32, #tpu.memory_space<vmem_shared>>
    %dma_start3A_112 = arith.constant 1280 : i32
    %dma_start3A_113 = tpu.memref_slice %arg12[%dma_start3A_112] : memref<4096xf32, #tpu.memory_space<vmem>> -> memref<256xf32, #tpu.memory_space<vmem>>
    %dma_start3A_114 = tpu.memref_slice %arg14[%add3A_108] : memref<65536xf32, #tpu.memory_space<vmem_shared>> -> memref<256xf32, #tpu.memory_space<vmem_shared>>
    tpu.enqueue_dma source(%dma_start3A_114 : memref<256xf32, #tpu.memory_space<vmem_shared>>) target(%dma_start3A_113 : memref<256xf32, #tpu.memory_space<vmem>>) target_semaphore(%arg16 : memref<!tpu.dma_semaphore, #tpu.memory_space<semaphore_mem>>)
    %mul3A_115 = arith.constant 256 : i32
    %mul3A_116 = arith.muli %arg1, %mul3A_115 : i32
    %add3A_117 = arith.constant 24576 : i32
    %add3A_118 = arith.addi %add3A_117, %mul3A_116 : i32
    %dma_start3A_119 = arith.constant 1536 : i32
    %dma_start3A_120 = tpu.memref_slice %arg12[%dma_start3A_119] : memref<4096xf32, #tpu.memory_space<vmem>> -> memref<256xf32, #tpu.memory_space<vmem>>
    %dma_start3A_121 = tpu.memref_slice %arg14[%add3A_118] : memref<65536xf32, #tpu.memory_space<vmem_shared>> -> memref<256xf32, #tpu.memory_space<vmem_shared>>
    %dma_start3A_122 = arith.constant 1536 : i32
    %dma_start3A_123 = tpu.memref_slice %arg12[%dma_start3A_122] : memref<4096xf32, #tpu.memory_space<vmem>> -> memref<256xf32, #tpu.memory_space<vmem>>
    %dma_start3A_124 = tpu.memref_slice %arg14[%add3A_118] : memref<65536xf32, #tpu.memory_space<vmem_shared>> -> memref<256xf32, #tpu.memory_space<vmem_shared>>
    tpu.enqueue_dma source(%dma_start3A_124 : memref<256xf32, #tpu.memory_space<vmem_shared>>) target(%dma_start3A_123 : memref<256xf32, #tpu.memory_space<vmem>>) target_semaphore(%arg16 : memref<!tpu.dma_semaphore, #tpu.memory_space<semaphore_mem>>)
    %mul3A_125 = arith.constant 256 : i32
    %mul3A_126 = arith.muli %arg1, %mul3A_125 : i32
    %add3A_127 = arith.constant 28672 : i32
    %add3A_128 = arith.addi %add3A_127, %mul3A_126 : i32
    %dma_start3A_129 = arith.constant 1792 : i32
    %dma_start3A_130 = tpu.memref_slice %arg12[%dma_start3A_129] : memref<4096xf32, #tpu.memory_space<vmem>> -> memref<256xf32, #tpu.memory_space<vmem>>
    %dma_start3A_131 = tpu.memref_slice %arg14[%add3A_128] : memref<65536xf32, #tpu.memory_space<vmem_shared>> -> memref<256xf32, #tpu.memory_space<vmem_shared>>
    %dma_start3A_132 = arith.constant 1792 : i32
    %dma_start3A_133 = tpu.memref_slice %arg12[%dma_start3A_132] : memref<4096xf32, #tpu.memory_space<vmem>> -> memref<256xf32, #tpu.memory_space<vmem>>
    %dma_start3A_134 = tpu.memref_slice %arg14[%add3A_128] : memref<65536xf32, #tpu.memory_space<vmem_shared>> -> memref<256xf32, #tpu.memory_space<vmem_shared>>
    tpu.enqueue_dma source(%dma_start3A_134 : memref<256xf32, #tpu.memory_space<vmem_shared>>) target(%dma_start3A_133 : memref<256xf32, #tpu.memory_space<vmem>>) target_semaphore(%arg16 : memref<!tpu.dma_semaphore, #tpu.memory_space<semaphore_mem>>)
    %mul3A_135 = arith.constant 256 : i32
    %mul3A_136 = arith.muli %arg1, %mul3A_135 : i32
    %add3A_137 = arith.constant 32768 : i32
    %add3A_138 = arith.addi %add3A_137, %mul3A_136 : i32
    %dma_start3A_139 = arith.constant 2048 : i32
    %dma_start3A_140 = tpu.memref_slice %arg12[%dma_start3A_139] : memref<4096xf32, #tpu.memory_space<vmem>> -> memref<256xf32, #tpu.memory_space<vmem>>
    %dma_start3A_141 = tpu.memref_slice %arg14[%add3A_138] : memref<65536xf32, #tpu.memory_space<vmem_shared>> -> memref<256xf32, #tpu.memory_space<vmem_shared>>
    %dma_start3A_142 = arith.constant 2048 : i32
    %dma_start3A_143 = tpu.memref_slice %arg12[%dma_start3A_142] : memref<4096xf32, #tpu.memory_space<vmem>> -> memref<256xf32, #tpu.memory_space<vmem>>
    %dma_start3A_144 = tpu.memref_slice %arg14[%add3A_138] : memref<65536xf32, #tpu.memory_space<vmem_shared>> -> memref<256xf32, #tpu.memory_space<vmem_shared>>
    tpu.enqueue_dma source(%dma_start3A_144 : memref<256xf32, #tpu.memory_space<vmem_shared>>) target(%dma_start3A_143 : memref<256xf32, #tpu.memory_space<vmem>>) target_semaphore(%arg16 : memref<!tpu.dma_semaphore, #tpu.memory_space<semaphore_mem>>)
    %mul3A_145 = arith.constant 256 : i32
    %mul3A_146 = arith.muli %arg1, %mul3A_145 : i32
    %add3A_147 = arith.constant 36864 : i32
    %add3A_148 = arith.addi %add3A_147, %mul3A_146 : i32
    %dma_start3A_149 = arith.constant 2304 : i32
    %dma_start3A_150 = tpu.memref_slice %arg12[%dma_start3A_149] : memref<4096xf32, #tpu.memory_space<vmem>> -> memref<256xf32, #tpu.memory_space<vmem>>
    %dma_start3A_151 = tpu.memref_slice %arg14[%add3A_148] : memref<65536xf32, #tpu.memory_space<vmem_shared>> -> memref<256xf32, #tpu.memory_space<vmem_shared>>
    %dma_start3A_152 = arith.constant 2304 : i32
    %dma_start3A_153 = tpu.memref_slice %arg12[%dma_start3A_152] : memref<4096xf32, #tpu.memory_space<vmem>> -> memref<256xf32, #tpu.memory_space<vmem>>
    %dma_start3A_154 = tpu.memref_slice %arg14[%add3A_148] : memref<65536xf32, #tpu.memory_space<vmem_shared>> -> memref<256xf32, #tpu.memory_space<vmem_shared>>
    tpu.enqueue_dma source(%dma_start3A_154 : memref<256xf32, #tpu.memory_space<vmem_shared>>) target(%dma_start3A_153 : memref<256xf32, #tpu.memory_space<vmem>>) target_semaphore(%arg16 : memref<!tpu.dma_semaphore, #tpu.memory_space<semaphore_mem>>)
    %mul3A_155 = arith.constant 256 : i32
    %mul3A_156 = arith.muli %arg1, %mul3A_155 : i32
    %add3A_157 = arith.constant 40960 : i32
    %add3A_158 = arith.addi %add3A_157, %mul3A_156 : i32
    %dma_start3A_159 = arith.constant 2560 : i32
    %dma_start3A_160 = tpu.memref_slice %arg12[%dma_start3A_159] : memref<4096xf32, #tpu.memory_space<vmem>> -> memref<256xf32, #tpu.memory_space<vmem>>
    %dma_start3A_161 = tpu.memref_slice %arg14[%add3A_158] : memref<65536xf32, #tpu.memory_space<vmem_shared>> -> memref<256xf32, #tpu.memory_space<vmem_shared>>
    %dma_start3A_162 = arith.constant 2560 : i32
    %dma_start3A_163 = tpu.memref_slice %arg12[%dma_start3A_162] : memref<4096xf32, #tpu.memory_space<vmem>> -> memref<256xf32, #tpu.memory_space<vmem>>
    %dma_start3A_164 = tpu.memref_slice %arg14[%add3A_158] : memref<65536xf32, #tpu.memory_space<vmem_shared>> -> memref<256xf32, #tpu.memory_space<vmem_shared>>
    tpu.enqueue_dma source(%dma_start3A_164 : memref<256xf32, #tpu.memory_space<vmem_shared>>) target(%dma_start3A_163 : memref<256xf32, #tpu.memory_space<vmem>>) target_semaphore(%arg16 : memref<!tpu.dma_semaphore, #tpu.memory_space<semaphore_mem>>)
    %mul3A_165 = arith.constant 256 : i32
    %mul3A_166 = arith.muli %arg1, %mul3A_165 : i32
    %add3A_167 = arith.constant 45056 : i32
    %add3A_168 = arith.addi %add3A_167, %mul3A_166 : i32
    %dma_start3A_169 = arith.constant 2816 : i32
    %dma_start3A_170 = tpu.memref_slice %arg12[%dma_start3A_169] : memref<4096xf32, #tpu.memory_space<vmem>> -> memref<256xf32, #tpu.memory_space<vmem>>
    %dma_start3A_171 = tpu.memref_slice %arg14[%add3A_168] : memref<65536xf32, #tpu.memory_space<vmem_shared>> -> memref<256xf32, #tpu.memory_space<vmem_shared>>
    %dma_start3A_172 = arith.constant 2816 : i32
    %dma_start3A_173 = tpu.memref_slice %arg12[%dma_start3A_172] : memref<4096xf32, #tpu.memory_space<vmem>> -> memref<256xf32, #tpu.memory_space<vmem>>
    %dma_start3A_174 = tpu.memref_slice %arg14[%add3A_168] : memref<65536xf32, #tpu.memory_space<vmem_shared>> -> memref<256xf32, #tpu.memory_space<vmem_shared>>
    tpu.enqueue_dma source(%dma_start3A_174 : memref<256xf32, #tpu.memory_space<vmem_shared>>) target(%dma_start3A_173 : memref<256xf32, #tpu.memory_space<vmem>>) target_semaphore(%arg16 : memref<!tpu.dma_semaphore, #tpu.memory_space<semaphore_mem>>)
    %mul3A_175 = arith.constant 256 : i32
    %mul3A_176 = arith.muli %arg1, %mul3A_175 : i32
    %add3A_177 = arith.constant 49152 : i32
    %add3A_178 = arith.addi %add3A_177, %mul3A_176 : i32
    %dma_start3A_179 = arith.constant 3072 : i32
    %dma_start3A_180 = tpu.memref_slice %arg12[%dma_start3A_179] : memref<4096xf32, #tpu.memory_space<vmem>> -> memref<256xf32, #tpu.memory_space<vmem>>
    %dma_start3A_181 = tpu.memref_slice %arg14[%add3A_178] : memref<65536xf32, #tpu.memory_space<vmem_shared>> -> memref<256xf32, #tpu.memory_space<vmem_shared>>
    %dma_start3A_182 = arith.constant 3072 : i32
    %dma_start3A_183 = tpu.memref_slice %arg12[%dma_start3A_182] : memref<4096xf32, #tpu.memory_space<vmem>> -> memref<256xf32, #tpu.memory_space<vmem>>
    %dma_start3A_184 = tpu.memref_slice %arg14[%add3A_178] : memref<65536xf32, #tpu.memory_space<vmem_shared>> -> memref<256xf32, #tpu.memory_space<vmem_shared>>
    tpu.enqueue_dma source(%dma_start3A_184 : memref<256xf32, #tpu.memory_space<vmem_shared>>) target(%dma_start3A_183 : memref<256xf32, #tpu.memory_space<vmem>>) target_semaphore(%arg16 : memref<!tpu.dma_semaphore, #tpu.memory_space<semaphore_mem>>)
    %mul3A_185 = arith.constant 256 : i32
    %mul3A_186 = arith.muli %arg1, %mul3A_185 : i32
    %add3A_187 = arith.constant 53248 : i32
    %add3A_188 = arith.addi %add3A_187, %mul3A_186 : i32
    %dma_start3A_189 = arith.constant 3328 : i32
    %dma_start3A_190 = tpu.memref_slice %arg12[%dma_start3A_189] : memref<4096xf32, #tpu.memory_space<vmem>> -> memref<256xf32, #tpu.memory_space<vmem>>
    %dma_start3A_191 = tpu.memref_slice %arg14[%add3A_188] : memref<65536xf32, #tpu.memory_space<vmem_shared>> -> memref<256xf32, #tpu.memory_space<vmem_shared>>
    %dma_start3A_192 = arith.constant 3328 : i32
    %dma_start3A_193 = tpu.memref_slice %arg12[%dma_start3A_192] : memref<4096xf32, #tpu.memory_space<vmem>> -> memref<256xf32, #tpu.memory_space<vmem>>
    %dma_start3A_194 = tpu.memref_slice %arg14[%add3A_188] : memref<65536xf32, #tpu.memory_space<vmem_shared>> -> memref<256xf32, #tpu.memory_space<vmem_shared>>
    tpu.enqueue_dma source(%dma_start3A_194 : memref<256xf32, #tpu.memory_space<vmem_shared>>) target(%dma_start3A_193 : memref<256xf32, #tpu.memory_space<vmem>>) target_semaphore(%arg16 : memref<!tpu.dma_semaphore, #tpu.memory_space<semaphore_mem>>)
    %mul3A_195 = arith.constant 256 : i32
    %mul3A_196 = arith.muli %arg1, %mul3A_195 : i32
    %add3A_197 = arith.constant 57344 : i32
    %add3A_198 = arith.addi %add3A_197, %mul3A_196 : i32
    %dma_start3A_199 = arith.constant 3584 : i32
    %dma_start3A_200 = tpu.memref_slice %arg12[%dma_start3A_199] : memref<4096xf32, #tpu.memory_space<vmem>> -> memref<256xf32, #tpu.memory_space<vmem>>
    %dma_start3A_201 = tpu.memref_slice %arg14[%add3A_198] : memref<65536xf32, #tpu.memory_space<vmem_shared>> -> memref<256xf32, #tpu.memory_space<vmem_shared>>
    %dma_start3A_202 = arith.constant 3584 : i32
    %dma_start3A_203 = tpu.memref_slice %arg12[%dma_start3A_202] : memref<4096xf32, #tpu.memory_space<vmem>> -> memref<256xf32, #tpu.memory_space<vmem>>
    %dma_start3A_204 = tpu.memref_slice %arg14[%add3A_198] : memref<65536xf32, #tpu.memory_space<vmem_shared>> -> memref<256xf32, #tpu.memory_space<vmem_shared>>
    tpu.enqueue_dma source(%dma_start3A_204 : memref<256xf32, #tpu.memory_space<vmem_shared>>) target(%dma_start3A_203 : memref<256xf32, #tpu.memory_space<vmem>>) target_semaphore(%arg16 : memref<!tpu.dma_semaphore, #tpu.memory_space<semaphore_mem>>)
    %mul3A_205 = arith.constant 256 : i32
    %mul3A_206 = arith.muli %arg1, %mul3A_205 : i32
    %add3A_207 = arith.constant 61440 : i32
    %add3A_208 = arith.addi %add3A_207, %mul3A_206 : i32
    %dma_start3A_209 = arith.constant 3840 : i32
    %dma_start3A_210 = tpu.memref_slice %arg12[%dma_start3A_209] : memref<4096xf32, #tpu.memory_space<vmem>> -> memref<256xf32, #tpu.memory_space<vmem>>
    %dma_start3A_211 = tpu.memref_slice %arg14[%add3A_208] : memref<65536xf32, #tpu.memory_space<vmem_shared>> -> memref<256xf32, #tpu.memory_space<vmem_shared>>
    %dma_start3A_212 = arith.constant 3840 : i32
    %dma_start3A_213 = tpu.memref_slice %arg12[%dma_start3A_212] : memref<4096xf32, #tpu.memory_space<vmem>> -> memref<256xf32, #tpu.memory_space<vmem>>
    %dma_start3A_214 = tpu.memref_slice %arg14[%add3A_208] : memref<65536xf32, #tpu.memory_space<vmem_shared>> -> memref<256xf32, #tpu.memory_space<vmem_shared>>
    tpu.enqueue_dma source(%dma_start3A_214 : memref<256xf32, #tpu.memory_space<vmem_shared>>) target(%dma_start3A_213 : memref<256xf32, #tpu.memory_space<vmem>>) target_semaphore(%arg16 : memref<!tpu.dma_semaphore, #tpu.memory_space<semaphore_mem>>)
    %dma_wait3A_215 = arith.constant 0 : i32
    %dma_wait3A_216 = tpu.memref_slice %arg12[%dma_wait3A_215] : memref<4096xf32, #tpu.memory_space<vmem>> -> memref<256xf32, #tpu.memory_space<vmem>>
    %dma_wait3A_217 = tpu.memref_slice %arg14[%add3A_58] : memref<65536xf32, #tpu.memory_space<vmem_shared>> -> memref<256xf32, #tpu.memory_space<vmem_shared>>
    %dma_wait3A_218 = arith.constant 0 : i32
    %dma_wait3A_219 = tpu.memref_slice %arg12[%dma_wait3A_218] : memref<4096xf32, #tpu.memory_space<vmem>> -> memref<256xf32, #tpu.memory_space<vmem>>
    %dma_wait3A_220 = tpu.memref_slice %arg14[%add3A_58] : memref<65536xf32, #tpu.memory_space<vmem_shared>> -> memref<256xf32, #tpu.memory_space<vmem_shared>>
    tpu.wait_dma2 semaphore(%arg16 : memref<!tpu.dma_semaphore, #tpu.memory_space<semaphore_mem>>) src(%dma_wait3A_220 : memref<256xf32, #tpu.memory_space<vmem_shared>>) dst(%dma_wait3A_219 : memref<256xf32, #tpu.memory_space<vmem>>)
    %dma_wait3A_221 = arith.constant 256 : i32
    %dma_wait3A_222 = tpu.memref_slice %arg12[%dma_wait3A_221] : memref<4096xf32, #tpu.memory_space<vmem>> -> memref<256xf32, #tpu.memory_space<vmem>>
    %dma_wait3A_223 = tpu.memref_slice %arg14[%add3A_68] : memref<65536xf32, #tpu.memory_space<vmem_shared>> -> memref<256xf32, #tpu.memory_space<vmem_shared>>
    %dma_wait3A_224 = arith.constant 256 : i32
    %dma_wait3A_225 = tpu.memref_slice %arg12[%dma_wait3A_224] : memref<4096xf32, #tpu.memory_space<vmem>> -> memref<256xf32, #tpu.memory_space<vmem>>
    %dma_wait3A_226 = tpu.memref_slice %arg14[%add3A_68] : memref<65536xf32, #tpu.memory_space<vmem_shared>> -> memref<256xf32, #tpu.memory_space<vmem_shared>>
    tpu.wait_dma2 semaphore(%arg16 : memref<!tpu.dma_semaphore, #tpu.memory_space<semaphore_mem>>) src(%dma_wait3A_226 : memref<256xf32, #tpu.memory_space<vmem_shared>>) dst(%dma_wait3A_225 : memref<256xf32, #tpu.memory_space<vmem>>)
    %dma_wait3A_227 = arith.constant 512 : i32
    %dma_wait3A_228 = tpu.memref_slice %arg12[%dma_wait3A_227] : memref<4096xf32, #tpu.memory_space<vmem>> -> memref<256xf32, #tpu.memory_space<vmem>>
    %dma_wait3A_229 = tpu.memref_slice %arg14[%add3A_78] : memref<65536xf32, #tpu.memory_space<vmem_shared>> -> memref<256xf32, #tpu.memory_space<vmem_shared>>
    %dma_wait3A_230 = arith.constant 512 : i32
    %dma_wait3A_231 = tpu.memref_slice %arg12[%dma_wait3A_230] : memref<4096xf32, #tpu.memory_space<vmem>> -> memref<256xf32, #tpu.memory_space<vmem>>
    %dma_wait3A_232 = tpu.memref_slice %arg14[%add3A_78] : memref<65536xf32, #tpu.memory_space<vmem_shared>> -> memref<256xf32, #tpu.memory_space<vmem_shared>>
    tpu.wait_dma2 semaphore(%arg16 : memref<!tpu.dma_semaphore, #tpu.memory_space<semaphore_mem>>) src(%dma_wait3A_232 : memref<256xf32, #tpu.memory_space<vmem_shared>>) dst(%dma_wait3A_231 : memref<256xf32, #tpu.memory_space<vmem>>)
    %dma_wait3A_233 = arith.constant 768 : i32
    %dma_wait3A_234 = tpu.memref_slice %arg12[%dma_wait3A_233] : memref<4096xf32, #tpu.memory_space<vmem>> -> memref<256xf32, #tpu.memory_space<vmem>>
    %dma_wait3A_235 = tpu.memref_slice %arg14[%add3A_88] : memref<65536xf32, #tpu.memory_space<vmem_shared>> -> memref<256xf32, #tpu.memory_space<vmem_shared>>
    %dma_wait3A_236 = arith.constant 768 : i32
    %dma_wait3A_237 = tpu.memref_slice %arg12[%dma_wait3A_236] : memref<4096xf32, #tpu.memory_space<vmem>> -> memref<256xf32, #tpu.memory_space<vmem>>
    %dma_wait3A_238 = tpu.memref_slice %arg14[%add3A_88] : memref<65536xf32, #tpu.memory_space<vmem_shared>> -> memref<256xf32, #tpu.memory_space<vmem_shared>>
    tpu.wait_dma2 semaphore(%arg16 : memref<!tpu.dma_semaphore, #tpu.memory_space<semaphore_mem>>) src(%dma_wait3A_238 : memref<256xf32, #tpu.memory_space<vmem_shared>>) dst(%dma_wait3A_237 : memref<256xf32, #tpu.memory_space<vmem>>)
    %dma_wait3A_239 = arith.constant 1024 : i32
    %dma_wait3A_240 = tpu.memref_slice %arg12[%dma_wait3A_239] : memref<4096xf32, #tpu.memory_space<vmem>> -> memref<256xf32, #tpu.memory_space<vmem>>
    %dma_wait3A_241 = tpu.memref_slice %arg14[%add3A_98] : memref<65536xf32, #tpu.memory_space<vmem_shared>> -> memref<256xf32, #tpu.memory_space<vmem_shared>>
    %dma_wait3A_242 = arith.constant 1024 : i32
    %dma_wait3A_243 = tpu.memref_slice %arg12[%dma_wait3A_242] : memref<4096xf32, #tpu.memory_space<vmem>> -> memref<256xf32, #tpu.memory_space<vmem>>
    %dma_wait3A_244 = tpu.memref_slice %arg14[%add3A_98] : memref<65536xf32, #tpu.memory_space<vmem_shared>> -> memref<256xf32, #tpu.memory_space<vmem_shared>>
    tpu.wait_dma2 semaphore(%arg16 : memref<!tpu.dma_semaphore, #tpu.memory_space<semaphore_mem>>) src(%dma_wait3A_244 : memref<256xf32, #tpu.memory_space<vmem_shared>>) dst(%dma_wait3A_243 : memref<256xf32, #tpu.memory_space<vmem>>)
    %dma_wait3A_245 = arith.constant 1280 : i32
    %dma_wait3A_246 = tpu.memref_slice %arg12[%dma_wait3A_245] : memref<4096xf32, #tpu.memory_space<vmem>> -> memref<256xf32, #tpu.memory_space<vmem>>
    %dma_wait3A_247 = tpu.memref_slice %arg14[%add3A_108] : memref<65536xf32, #tpu.memory_space<vmem_shared>> -> memref<256xf32, #tpu.memory_space<vmem_shared>>
    %dma_wait3A_248 = arith.constant 1280 : i32
    %dma_wait3A_249 = tpu.memref_slice %arg12[%dma_wait3A_248] : memref<4096xf32, #tpu.memory_space<vmem>> -> memref<256xf32, #tpu.memory_space<vmem>>
    %dma_wait3A_250 = tpu.memref_slice %arg14[%add3A_108] : memref<65536xf32, #tpu.memory_space<vmem_shared>> -> memref<256xf32, #tpu.memory_space<vmem_shared>>
    tpu.wait_dma2 semaphore(%arg16 : memref<!tpu.dma_semaphore, #tpu.memory_space<semaphore_mem>>) src(%dma_wait3A_250 : memref<256xf32, #tpu.memory_space<vmem_shared>>) dst(%dma_wait3A_249 : memref<256xf32, #tpu.memory_space<vmem>>)
    %dma_wait3A_251 = arith.constant 1536 : i32
    %dma_wait3A_252 = tpu.memref_slice %arg12[%dma_wait3A_251] : memref<4096xf32, #tpu.memory_space<vmem>> -> memref<256xf32, #tpu.memory_space<vmem>>
    %dma_wait3A_253 = tpu.memref_slice %arg14[%add3A_118] : memref<65536xf32, #tpu.memory_space<vmem_shared>> -> memref<256xf32, #tpu.memory_space<vmem_shared>>
    %dma_wait3A_254 = arith.constant 1536 : i32
    %dma_wait3A_255 = tpu.memref_slice %arg12[%dma_wait3A_254] : memref<4096xf32, #tpu.memory_space<vmem>> -> memref<256xf32, #tpu.memory_space<vmem>>
    %dma_wait3A_256 = tpu.memref_slice %arg14[%add3A_118] : memref<65536xf32, #tpu.memory_space<vmem_shared>> -> memref<256xf32, #tpu.memory_space<vmem_shared>>
    tpu.wait_dma2 semaphore(%arg16 : memref<!tpu.dma_semaphore, #tpu.memory_space<semaphore_mem>>) src(%dma_wait3A_256 : memref<256xf32, #tpu.memory_space<vmem_shared>>) dst(%dma_wait3A_255 : memref<256xf32, #tpu.memory_space<vmem>>)
    %dma_wait3A_257 = arith.constant 1792 : i32
    %dma_wait3A_258 = tpu.memref_slice %arg12[%dma_wait3A_257] : memref<4096xf32, #tpu.memory_space<vmem>> -> memref<256xf32, #tpu.memory_space<vmem>>
    %dma_wait3A_259 = tpu.memref_slice %arg14[%add3A_128] : memref<65536xf32, #tpu.memory_space<vmem_shared>> -> memref<256xf32, #tpu.memory_space<vmem_shared>>
    %dma_wait3A_260 = arith.constant 1792 : i32
    %dma_wait3A_261 = tpu.memref_slice %arg12[%dma_wait3A_260] : memref<4096xf32, #tpu.memory_space<vmem>> -> memref<256xf32, #tpu.memory_space<vmem>>
    %dma_wait3A_262 = tpu.memref_slice %arg14[%add3A_128] : memref<65536xf32, #tpu.memory_space<vmem_shared>> -> memref<256xf32, #tpu.memory_space<vmem_shared>>
    tpu.wait_dma2 semaphore(%arg16 : memref<!tpu.dma_semaphore, #tpu.memory_space<semaphore_mem>>) src(%dma_wait3A_262 : memref<256xf32, #tpu.memory_space<vmem_shared>>) dst(%dma_wait3A_261 : memref<256xf32, #tpu.memory_space<vmem>>)
    %dma_wait3A_263 = arith.constant 2048 : i32
    %dma_wait3A_264 = tpu.memref_slice %arg12[%dma_wait3A_263] : memref<4096xf32, #tpu.memory_space<vmem>> -> memref<256xf32, #tpu.memory_space<vmem>>
    %dma_wait3A_265 = tpu.memref_slice %arg14[%add3A_138] : memref<65536xf32, #tpu.memory_space<vmem_shared>> -> memref<256xf32, #tpu.memory_space<vmem_shared>>
    %dma_wait3A_266 = arith.constant 2048 : i32
    %dma_wait3A_267 = tpu.memref_slice %arg12[%dma_wait3A_266] : memref<4096xf32, #tpu.memory_space<vmem>> -> memref<256xf32, #tpu.memory_space<vmem>>
    %dma_wait3A_268 = tpu.memref_slice %arg14[%add3A_138] : memref<65536xf32, #tpu.memory_space<vmem_shared>> -> memref<256xf32, #tpu.memory_space<vmem_shared>>
    tpu.wait_dma2 semaphore(%arg16 : memref<!tpu.dma_semaphore, #tpu.memory_space<semaphore_mem>>) src(%dma_wait3A_268 : memref<256xf32, #tpu.memory_space<vmem_shared>>) dst(%dma_wait3A_267 : memref<256xf32, #tpu.memory_space<vmem>>)
    %dma_wait3A_269 = arith.constant 2304 : i32
    %dma_wait3A_270 = tpu.memref_slice %arg12[%dma_wait3A_269] : memref<4096xf32, #tpu.memory_space<vmem>> -> memref<256xf32, #tpu.memory_space<vmem>>
    %dma_wait3A_271 = tpu.memref_slice %arg14[%add3A_148] : memref<65536xf32, #tpu.memory_space<vmem_shared>> -> memref<256xf32, #tpu.memory_space<vmem_shared>>
    %dma_wait3A_272 = arith.constant 2304 : i32
    %dma_wait3A_273 = tpu.memref_slice %arg12[%dma_wait3A_272] : memref<4096xf32, #tpu.memory_space<vmem>> -> memref<256xf32, #tpu.memory_space<vmem>>
    %dma_wait3A_274 = tpu.memref_slice %arg14[%add3A_148] : memref<65536xf32, #tpu.memory_space<vmem_shared>> -> memref<256xf32, #tpu.memory_space<vmem_shared>>
    tpu.wait_dma2 semaphore(%arg16 : memref<!tpu.dma_semaphore, #tpu.memory_space<semaphore_mem>>) src(%dma_wait3A_274 : memref<256xf32, #tpu.memory_space<vmem_shared>>) dst(%dma_wait3A_273 : memref<256xf32, #tpu.memory_space<vmem>>)
    %dma_wait3A_275 = arith.constant 2560 : i32
    %dma_wait3A_276 = tpu.memref_slice %arg12[%dma_wait3A_275] : memref<4096xf32, #tpu.memory_space<vmem>> -> memref<256xf32, #tpu.memory_space<vmem>>
    %dma_wait3A_277 = tpu.memref_slice %arg14[%add3A_158] : memref<65536xf32, #tpu.memory_space<vmem_shared>> -> memref<256xf32, #tpu.memory_space<vmem_shared>>
    %dma_wait3A_278 = arith.constant 2560 : i32
    %dma_wait3A_279 = tpu.memref_slice %arg12[%dma_wait3A_278] : memref<4096xf32, #tpu.memory_space<vmem>> -> memref<256xf32, #tpu.memory_space<vmem>>
    %dma_wait3A_280 = tpu.memref_slice %arg14[%add3A_158] : memref<65536xf32, #tpu.memory_space<vmem_shared>> -> memref<256xf32, #tpu.memory_space<vmem_shared>>
    tpu.wait_dma2 semaphore(%arg16 : memref<!tpu.dma_semaphore, #tpu.memory_space<semaphore_mem>>) src(%dma_wait3A_280 : memref<256xf32, #tpu.memory_space<vmem_shared>>) dst(%dma_wait3A_279 : memref<256xf32, #tpu.memory_space<vmem>>)
    %dma_wait3A_281 = arith.constant 2816 : i32
    %dma_wait3A_282 = tpu.memref_slice %arg12[%dma_wait3A_281] : memref<4096xf32, #tpu.memory_space<vmem>> -> memref<256xf32, #tpu.memory_space<vmem>>
    %dma_wait3A_283 = tpu.memref_slice %arg14[%add3A_168] : memref<65536xf32, #tpu.memory_space<vmem_shared>> -> memref<256xf32, #tpu.memory_space<vmem_shared>>
    %dma_wait3A_284 = arith.constant 2816 : i32
    %dma_wait3A_285 = tpu.memref_slice %arg12[%dma_wait3A_284] : memref<4096xf32, #tpu.memory_space<vmem>> -> memref<256xf32, #tpu.memory_space<vmem>>
    %dma_wait3A_286 = tpu.memref_slice %arg14[%add3A_168] : memref<65536xf32, #tpu.memory_space<vmem_shared>> -> memref<256xf32, #tpu.memory_space<vmem_shared>>
    tpu.wait_dma2 semaphore(%arg16 : memref<!tpu.dma_semaphore, #tpu.memory_space<semaphore_mem>>) src(%dma_wait3A_286 : memref<256xf32, #tpu.memory_space<vmem_shared>>) dst(%dma_wait3A_285 : memref<256xf32, #tpu.memory_space<vmem>>)
    %dma_wait3A_287 = arith.constant 3072 : i32
    %dma_wait3A_288 = tpu.memref_slice %arg12[%dma_wait3A_287] : memref<4096xf32, #tpu.memory_space<vmem>> -> memref<256xf32, #tpu.memory_space<vmem>>
    %dma_wait3A_289 = tpu.memref_slice %arg14[%add3A_178] : memref<65536xf32, #tpu.memory_space<vmem_shared>> -> memref<256xf32, #tpu.memory_space<vmem_shared>>
    %dma_wait3A_290 = arith.constant 3072 : i32
    %dma_wait3A_291 = tpu.memref_slice %arg12[%dma_wait3A_290] : memref<4096xf32, #tpu.memory_space<vmem>> -> memref<256xf32, #tpu.memory_space<vmem>>
    %dma_wait3A_292 = tpu.memref_slice %arg14[%add3A_178] : memref<65536xf32, #tpu.memory_space<vmem_shared>> -> memref<256xf32, #tpu.memory_space<vmem_shared>>
    tpu.wait_dma2 semaphore(%arg16 : memref<!tpu.dma_semaphore, #tpu.memory_space<semaphore_mem>>) src(%dma_wait3A_292 : memref<256xf32, #tpu.memory_space<vmem_shared>>) dst(%dma_wait3A_291 : memref<256xf32, #tpu.memory_space<vmem>>)
    %dma_wait3A_293 = arith.constant 3328 : i32
    %dma_wait3A_294 = tpu.memref_slice %arg12[%dma_wait3A_293] : memref<4096xf32, #tpu.memory_space<vmem>> -> memref<256xf32, #tpu.memory_space<vmem>>
    %dma_wait3A_295 = tpu.memref_slice %arg14[%add3A_188] : memref<65536xf32, #tpu.memory_space<vmem_shared>> -> memref<256xf32, #tpu.memory_space<vmem_shared>>
    %dma_wait3A_296 = arith.constant 3328 : i32
    %dma_wait3A_297 = tpu.memref_slice %arg12[%dma_wait3A_296] : memref<4096xf32, #tpu.memory_space<vmem>> -> memref<256xf32, #tpu.memory_space<vmem>>
    %dma_wait3A_298 = tpu.memref_slice %arg14[%add3A_188] : memref<65536xf32, #tpu.memory_space<vmem_shared>> -> memref<256xf32, #tpu.memory_space<vmem_shared>>
    tpu.wait_dma2 semaphore(%arg16 : memref<!tpu.dma_semaphore, #tpu.memory_space<semaphore_mem>>) src(%dma_wait3A_298 : memref<256xf32, #tpu.memory_space<vmem_shared>>) dst(%dma_wait3A_297 : memref<256xf32, #tpu.memory_space<vmem>>)
    %dma_wait3A_299 = arith.constant 3584 : i32
    %dma_wait3A_300 = tpu.memref_slice %arg12[%dma_wait3A_299] : memref<4096xf32, #tpu.memory_space<vmem>> -> memref<256xf32, #tpu.memory_space<vmem>>
    %dma_wait3A_301 = tpu.memref_slice %arg14[%add3A_198] : memref<65536xf32, #tpu.memory_space<vmem_shared>> -> memref<256xf32, #tpu.memory_space<vmem_shared>>
    %dma_wait3A_302 = arith.constant 3584 : i32
    %dma_wait3A_303 = tpu.memref_slice %arg12[%dma_wait3A_302] : memref<4096xf32, #tpu.memory_space<vmem>> -> memref<256xf32, #tpu.memory_space<vmem>>
    %dma_wait3A_304 = tpu.memref_slice %arg14[%add3A_198] : memref<65536xf32, #tpu.memory_space<vmem_shared>> -> memref<256xf32, #tpu.memory_space<vmem_shared>>
    tpu.wait_dma2 semaphore(%arg16 : memref<!tpu.dma_semaphore, #tpu.memory_space<semaphore_mem>>) src(%dma_wait3A_304 : memref<256xf32, #tpu.memory_space<vmem_shared>>) dst(%dma_wait3A_303 : memref<256xf32, #tpu.memory_space<vmem>>)
    %dma_wait3A_305 = arith.constant 3840 : i32
    %dma_wait3A_306 = tpu.memref_slice %arg12[%dma_wait3A_305] : memref<4096xf32, #tpu.memory_space<vmem>> -> memref<256xf32, #tpu.memory_space<vmem>>
    %dma_wait3A_307 = tpu.memref_slice %arg14[%add3A_208] : memref<65536xf32, #tpu.memory_space<vmem_shared>> -> memref<256xf32, #tpu.memory_space<vmem_shared>>
    %dma_wait3A_308 = arith.constant 3840 : i32
    %dma_wait3A_309 = tpu.memref_slice %arg12[%dma_wait3A_308] : memref<4096xf32, #tpu.memory_space<vmem>> -> memref<256xf32, #tpu.memory_space<vmem>>
    %dma_wait3A_310 = tpu.memref_slice %arg14[%add3A_208] : memref<65536xf32, #tpu.memory_space<vmem_shared>> -> memref<256xf32, #tpu.memory_space<vmem_shared>>
    tpu.wait_dma2 semaphore(%arg16 : memref<!tpu.dma_semaphore, #tpu.memory_space<semaphore_mem>>) src(%dma_wait3A_310 : memref<256xf32, #tpu.memory_space<vmem_shared>>) dst(%dma_wait3A_309 : memref<256xf32, #tpu.memory_space<vmem>>)
    %scan3A_311 = arith.constant 0 : i32
    %scan3A_312 = arith.constant 0 : i32
    %scan3A_313 = arith.constant 16 : i32
    %scan3A_314 = arith.addi %scan3A_312, %scan3A_313 : i32
    %scan3A_315 = arith.constant 1 : i32
    scf.for %scan3A_583 = %scan3A_312 to %scan3A_314 step %scan3A_315  : i32 {
      %mul3A_584 = arith.constant 16 : i32
      %mul3A_585 = arith.muli %scan3A_583, %mul3A_584 : i32
      %get3A = arith.index_cast %mul3A_585 : i32 to index
      %get3A_586 = tpu.vector_load %arg12[%get3A] {strides = array<i32>} : memref<4096xf32, #tpu.memory_space<vmem>>, vector<16xf32>,
      %mul3A_587 = arith.constant 16 : i32
      %mul3A_588 = arith.muli %scan3A_583, %mul3A_587 : i32
      %add3A_589 = arith.constant 256 : i32
      %add3A_590 = arith.addi %add3A_589, %mul3A_588 : i32
      %get3A_591 = arith.index_cast %add3A_590 : i32 to index
      %get3A_592 = tpu.vector_load %arg12[%get3A_591] {strides = array<i32>} : memref<4096xf32, #tpu.memory_space<vmem>>, vector<16xf32>,
      %add3A_593 = arith.addf %get3A_586, %get3A_592 : vector<16xf32>
      %mul3A_594 = arith.constant 16 : i32
      %mul3A_595 = arith.muli %scan3A_583, %mul3A_594 : i32
      %add3A_596 = arith.constant 512 : i32
      %add3A_597 = arith.addi %add3A_596, %mul3A_595 : i32
      %get3A_598 = arith.index_cast %add3A_597 : i32 to index
      %get3A_599 = tpu.vector_load %arg12[%get3A_598] {strides = array<i32>} : memref<4096xf32, #tpu.memory_space<vmem>>, vector<16xf32>,
      %add3A_600 = arith.addf %add3A_593, %get3A_599 : vector<16xf32>
      %mul3A_601 = arith.constant 16 : i32
      %mul3A_602 = arith.muli %scan3A_583, %mul3A_601 : i32
      %add3A_603 = arith.constant 768 : i32
      %add3A_604 = arith.addi %add3A_603, %mul3A_602 : i32
      %get3A_605 = arith.index_cast %add3A_604 : i32 to index
      %get3A_606 = tpu.vector_load %arg12[%get3A_605] {strides = array<i32>} : memref<4096xf32, #tpu.memory_space<vmem>>, vector<16xf32>,
      %add3A_607 = arith.addf %add3A_600, %get3A_606 : vector<16xf32>
      %mul3A_608 = arith.constant 16 : i32
      %mul3A_609 = arith.muli %scan3A_583, %mul3A_608 : i32
      %add3A_610 = arith.constant 1024 : i32
      %add3A_611 = arith.addi %add3A_610, %mul3A_609 : i32
      %get3A_612 = arith.index_cast %add3A_611 : i32 to index
      %get3A_613 = tpu.vector_load %arg12[%get3A_612] {strides = array<i32>} : memref<4096xf32, #tpu.memory_space<vmem>>, vector<16xf32>,
      %add3A_614 = arith.addf %add3A_607, %get3A_613 : vector<16xf32>
      %mul3A_615 = arith.constant 16 : i32
      %mul3A_616 = arith.muli %scan3A_583, %mul3A_615 : i32
      %add3A_617 = arith.constant 1280 : i32
      %add3A_618 = arith.addi %add3A_617, %mul3A_616 : i32
      %get3A_619 = arith.index_cast %add3A_618 : i32 to index
      %get3A_620 = tpu.vector_load %arg12[%get3A_619] {strides = array<i32>} : memref<4096xf32, #tpu.memory_space<vmem>>, vector<16xf32>,
      %add3A_621 = arith.addf %add3A_614, %get3A_620 : vector<16xf32>
      %mul3A_622 = arith.constant 16 : i32
      %mul3A_623 = arith.muli %scan3A_583, %mul3A_622 : i32
      %add3A_624 = arith.constant 1536 : i32
      %add3A_625 = arith.addi %add3A_624, %mul3A_623 : i32
      %get3A_626 = arith.index_cast %add3A_625 : i32 to index
      %get3A_627 = tpu.vector_load %arg12[%get3A_626] {strides = array<i32>} : memref<4096xf32, #tpu.memory_space<vmem>>, vector<16xf32>,
      %add3A_628 = arith.addf %add3A_621, %get3A_627 : vector<16xf32>
      %mul3A_629 = arith.constant 16 : i32
      %mul3A_630 = arith.muli %scan3A_583, %mul3A_629 : i32
      %add3A_631 = arith.constant 1792 : i32
      %add3A_632 = arith.addi %add3A_631, %mul3A_630 : i32
      %get3A_633 = arith.index_cast %add3A_632 : i32 to index
      %get3A_634 = tpu.vector_load %arg12[%get3A_633] {strides = array<i32>} : memref<4096xf32, #tpu.memory_space<vmem>>, vector<16xf32>,
      %add3A_635 = arith.addf %add3A_628, %get3A_634 : vector<16xf32>
      %mul3A_636 = arith.constant 16 : i32
      %mul3A_637 = arith.muli %scan3A_583, %mul3A_636 : i32
      %add3A_638 = arith.constant 2048 : i32
      %add3A_639 = arith.addi %add3A_638, %mul3A_637 : i32
      %get3A_640 = arith.index_cast %add3A_639 : i32 to index
      %get3A_641 = tpu.vector_load %arg12[%get3A_640] {strides = array<i32>} : memref<4096xf32, #tpu.memory_space<vmem>>, vector<16xf32>,
      %add3A_642 = arith.addf %add3A_635, %get3A_641 : vector<16xf32>
      %mul3A_643 = arith.constant 16 : i32
      %mul3A_644 = arith.muli %scan3A_583, %mul3A_643 : i32
      %add3A_645 = arith.constant 2304 : i32
      %add3A_646 = arith.addi %add3A_645, %mul3A_644 : i32
      %get3A_647 = arith.index_cast %add3A_646 : i32 to index
      %get3A_648 = tpu.vector_load %arg12[%get3A_647] {strides = array<i32>} : memref<4096xf32, #tpu.memory_space<vmem>>, vector<16xf32>,
      %add3A_649 = arith.addf %add3A_642, %get3A_648 : vector<16xf32>
      %mul3A_650 = arith.constant 16 : i32
      %mul3A_651 = arith.muli %scan3A_583, %mul3A_650 : i32
      %add3A_652 = arith.constant 2560 : i32
      %add3A_653 = arith.addi %add3A_652, %mul3A_651 : i32
      %get3A_654 = arith.index_cast %add3A_653 : i32 to index
      %get3A_655 = tpu.vector_load %arg12[%get3A_654] {strides = array<i32>} : memref<4096xf32, #tpu.memory_space<vmem>>, vector<16xf32>,
      %add3A_656 = arith.addf %add3A_649, %get3A_655 : vector<16xf32>
      %mul3A_657 = arith.constant 16 : i32
      %mul3A_658 = arith.muli %scan3A_583, %mul3A_657 : i32
      %add3A_659 = arith.constant 2816 : i32
      %add3A_660 = arith.addi %add3A_659, %mul3A_658 : i32
      %get3A_661 = arith.index_cast %add3A_660 : i32 to index
      %get3A_662 = tpu.vector_load %arg12[%get3A_661] {strides = array<i32>} : memref<4096xf32, #tpu.memory_space<vmem>>, vector<16xf32>,
      %add3A_663 = arith.addf %add3A_656, %get3A_662 : vector<16xf32>
      %mul3A_664 = arith.constant 16 : i32
      %mul3A_665 = arith.muli %scan3A_583, %mul3A_664 : i32
      %add3A_666 = arith.constant 3072 : i32
      %add3A_667 = arith.addi %add3A_666, %mul3A_665 : i32
      %get3A_668 = arith.index_cast %add3A_667 : i32 to index
      %get3A_669 = tpu.vector_load %arg12[%get3A_668] {strides = array<i32>} : memref<4096xf32, #tpu.memory_space<vmem>>, vector<16xf32>,
      %add3A_670 = arith.addf %add3A_663, %get3A_669 : vector<16xf32>
      %mul3A_671 = arith.constant 16 : i32
      %mul3A_672 = arith.muli %scan3A_583, %mul3A_671 : i32
      %add3A_673 = arith.constant 3328 : i32
      %add3A_674 = arith.addi %add3A_673, %mul3A_672 : i32
      %get3A_675 = arith.index_cast %add3A_674 : i32 to index
      %get3A_676 = tpu.vector_load %arg12[%get3A_675] {strides = array<i32>} : memref<4096xf32, #tpu.memory_space<vmem>>, vector<16xf32>,
      %add3A_677 = arith.addf %add3A_670, %get3A_676 : vector<16xf32>
      %mul3A_678 = arith.constant 16 : i32
      %mul3A_679 = arith.muli %scan3A_583, %mul3A_678 : i32
      %add3A_680 = arith.constant 3584 : i32
      %add3A_681 = arith.addi %add3A_680, %mul3A_679 : i32
      %get3A_682 = arith.index_cast %add3A_681 : i32 to index
      %get3A_683 = tpu.vector_load %arg12[%get3A_682] {strides = array<i32>} : memref<4096xf32, #tpu.memory_space<vmem>>, vector<16xf32>,
      %add3A_684 = arith.addf %add3A_677, %get3A_683 : vector<16xf32>
      %mul3A_685 = arith.constant 16 : i32
      %mul3A_686 = arith.muli %scan3A_583, %mul3A_685 : i32
      %add3A_687 = arith.constant 3840 : i32
      %add3A_688 = arith.addi %add3A_687, %mul3A_686 : i32
      %get3A_689 = arith.index_cast %add3A_688 : i32 to index
      %get3A_690 = tpu.vector_load %arg12[%get3A_689] {strides = array<i32>} : memref<4096xf32, #tpu.memory_space<vmem>>, vector<16xf32>,
      %add3A_691 = arith.addf %add3A_684, %get3A_690 : vector<16xf32>
      %mul3A_692 = arith.constant 16 : i32
      %mul3A_693 = arith.muli %scan3A_583, %mul3A_692 : i32
      %swap3A = arith.index_cast %mul3A_693 : i32 to index
      %swap3A_694 = tpu.vector_load %arg13[%swap3A] {strides = array<i32>} : memref<256xf32, #tpu.memory_space<vmem>>, vector<16xf32>,
      tpu.vector_store %arg13[%swap3A], %add3A_691 {strides = array<i32>} : memref<256xf32, #tpu.memory_space<vmem>>, vector<16xf32>,
    }
    %scan3A_316 = arith.constant 16 : i32
    %mul3A_317 = arith.constant 256 : i32
    %mul3A_318 = arith.muli %arg1, %mul3A_317 : i32
    "tpu.region"() ({
      %run_scoped3A = tpu.sem_alloc : memref<!tpu.dma_semaphore, #tpu.memory_space<semaphore_mem>>
      %dma_start3A_583 = tpu.memref_slice %arg4[%arg0, %mul3A_318] : memref<2x4096xf32, #tpu.memory_space<hbm>> -> memref<1x256xf32, #tpu.memory_space<hbm>>
      %dma_start3A_584 = tpu.memref_squeeze %dma_start3A_583 : memref<1x256xf32, #tpu.memory_space<hbm>> -> memref<256xf32, #tpu.memory_space<hbm>>
      %dma_start3A_585 = tpu.memref_slice %arg4[%arg0, %mul3A_318] : memref<2x4096xf32, #tpu.memory_space<hbm>> -> memref<1x256xf32, #tpu.memory_space<hbm>>
      %dma_start3A_586 = tpu.memref_squeeze %dma_start3A_585 : memref<1x256xf32, #tpu.memory_space<hbm>> -> memref<256xf32, #tpu.memory_space<hbm>>
      tpu.enqueue_dma source(%arg13 : memref<256xf32, #tpu.memory_space<vmem>>) target(%dma_start3A_586 : memref<256xf32, #tpu.memory_space<hbm>>) target_semaphore(%run_scoped3A : memref<!tpu.dma_semaphore, #tpu.memory_space<semaphore_mem>>)
      %dma_wait3A_587 = tpu.memref_slice %arg4[%arg0, %mul3A_318] : memref<2x4096xf32, #tpu.memory_space<hbm>> -> memref<1x256xf32, #tpu.memory_space<hbm>>
      %dma_wait3A_588 = tpu.memref_squeeze %dma_wait3A_587 : memref<1x256xf32, #tpu.memory_space<hbm>> -> memref<256xf32, #tpu.memory_space<hbm>>
      %dma_wait3A_589 = tpu.memref_slice %arg4[%arg0, %mul3A_318] : memref<2x4096xf32, #tpu.memory_space<hbm>> -> memref<1x256xf32, #tpu.memory_space<hbm>>
      %dma_wait3A_590 = tpu.memref_squeeze %dma_wait3A_589 : memref<1x256xf32, #tpu.memory_space<hbm>> -> memref<256xf32, #tpu.memory_space<hbm>>
      tpu.wait_dma2 semaphore(%run_scoped3A : memref<!tpu.dma_semaphore, #tpu.memory_space<semaphore_mem>>) src(%arg13 : memref<256xf32, #tpu.memory_space<vmem>>) dst(%dma_wait3A_590 : memref<256xf32, #tpu.memory_space<hbm>>)
      tpu.yield
    }) : () -> ()
    %mul3A_319 = arith.constant 256 : i32
    %mul3A_320 = arith.muli %arg1, %mul3A_319 : i32
    %add3A_321 = arith.constant 0 : i32
    %add3A_322 = arith.addi %add3A_321, %mul3A_320 : i32
    %dma_start3A_323 = arith.constant 0 : i32
    %dma_start3A_324 = tpu.memref_slice %arg12[%dma_start3A_323] : memref<4096xf32, #tpu.memory_space<vmem>> -> memref<256xf32, #tpu.memory_space<vmem>>
    %dma_start3A_325 = tpu.memref_slice %arg15[%add3A_322] : memref<65536xf32, #tpu.memory_space<vmem_shared>> -> memref<256xf32, #tpu.memory_space<vmem_shared>>
    %dma_start3A_326 = arith.constant 0 : i32
    %dma_start3A_327 = tpu.memref_slice %arg12[%dma_start3A_326] : memref<4096xf32, #tpu.memory_space<vmem>> -> memref<256xf32, #tpu.memory_space<vmem>>
    %dma_start3A_328 = tpu.memref_slice %arg15[%add3A_322] : memref<65536xf32, #tpu.memory_space<vmem_shared>> -> memref<256xf32, #tpu.memory_space<vmem_shared>>
    tpu.enqueue_dma source(%dma_start3A_328 : memref<256xf32, #tpu.memory_space<vmem_shared>>) target(%dma_start3A_327 : memref<256xf32, #tpu.memory_space<vmem>>) target_semaphore(%arg16 : memref<!tpu.dma_semaphore, #tpu.memory_space<semaphore_mem>>)
    %mul3A_329 = arith.constant 256 : i32
    %mul3A_330 = arith.muli %arg1, %mul3A_329 : i32
    %add3A_331 = arith.constant 4096 : i32
    %add3A_332 = arith.addi %add3A_331, %mul3A_330 : i32
    %dma_start3A_333 = arith.constant 256 : i32
    %dma_start3A_334 = tpu.memref_slice %arg12[%dma_start3A_333] : memref<4096xf32, #tpu.memory_space<vmem>> -> memref<256xf32, #tpu.memory_space<vmem>>
    %dma_start3A_335 = tpu.memref_slice %arg15[%add3A_332] : memref<65536xf32, #tpu.memory_space<vmem_shared>> -> memref<256xf32, #tpu.memory_space<vmem_shared>>
    %dma_start3A_336 = arith.constant 256 : i32
    %dma_start3A_337 = tpu.memref_slice %arg12[%dma_start3A_336] : memref<4096xf32, #tpu.memory_space<vmem>> -> memref<256xf32, #tpu.memory_space<vmem>>
    %dma_start3A_338 = tpu.memref_slice %arg15[%add3A_332] : memref<65536xf32, #tpu.memory_space<vmem_shared>> -> memref<256xf32, #tpu.memory_space<vmem_shared>>
    tpu.enqueue_dma source(%dma_start3A_338 : memref<256xf32, #tpu.memory_space<vmem_shared>>) target(%dma_start3A_337 : memref<256xf32, #tpu.memory_space<vmem>>) target_semaphore(%arg16 : memref<!tpu.dma_semaphore, #tpu.memory_space<semaphore_mem>>)
    %mul3A_339 = arith.constant 256 : i32
    %mul3A_340 = arith.muli %arg1, %mul3A_339 : i32
    %add3A_341 = arith.constant 8192 : i32
    %add3A_342 = arith.addi %add3A_341, %mul3A_340 : i32
    %dma_start3A_343 = arith.constant 512 : i32
    %dma_start3A_344 = tpu.memref_slice %arg12[%dma_start3A_343] : memref<4096xf32, #tpu.memory_space<vmem>> -> memref<256xf32, #tpu.memory_space<vmem>>
    %dma_start3A_345 = tpu.memref_slice %arg15[%add3A_342] : memref<65536xf32, #tpu.memory_space<vmem_shared>> -> memref<256xf32, #tpu.memory_space<vmem_shared>>
    %dma_start3A_346 = arith.constant 512 : i32
    %dma_start3A_347 = tpu.memref_slice %arg12[%dma_start3A_346] : memref<4096xf32, #tpu.memory_space<vmem>> -> memref<256xf32, #tpu.memory_space<vmem>>
    %dma_start3A_348 = tpu.memref_slice %arg15[%add3A_342] : memref<65536xf32, #tpu.memory_space<vmem_shared>> -> memref<256xf32, #tpu.memory_space<vmem_shared>>
    tpu.enqueue_dma source(%dma_start3A_348 : memref<256xf32, #tpu.memory_space<vmem_shared>>) target(%dma_start3A_347 : memref<256xf32, #tpu.memory_space<vmem>>) target_semaphore(%arg16 : memref<!tpu.dma_semaphore, #tpu.memory_space<semaphore_mem>>)
    %mul3A_349 = arith.constant 256 : i32
    %mul3A_350 = arith.muli %arg1, %mul3A_349 : i32
    %add3A_351 = arith.constant 12288 : i32
    %add3A_352 = arith.addi %add3A_351, %mul3A_350 : i32
    %dma_start3A_353 = arith.constant 768 : i32
    %dma_start3A_354 = tpu.memref_slice %arg12[%dma_start3A_353] : memref<4096xf32, #tpu.memory_space<vmem>> -> memref<256xf32, #tpu.memory_space<vmem>>
    %dma_start3A_355 = tpu.memref_slice %arg15[%add3A_352] : memref<65536xf32, #tpu.memory_space<vmem_shared>> -> memref<256xf32, #tpu.memory_space<vmem_shared>>
    %dma_start3A_356 = arith.constant 768 : i32
    %dma_start3A_357 = tpu.memref_slice %arg12[%dma_start3A_356] : memref<4096xf32, #tpu.memory_space<vmem>> -> memref<256xf32, #tpu.memory_space<vmem>>
    %dma_start3A_358 = tpu.memref_slice %arg15[%add3A_352] : memref<65536xf32, #tpu.memory_space<vmem_shared>> -> memref<256xf32, #tpu.memory_space<vmem_shared>>
    tpu.enqueue_dma source(%dma_start3A_358 : memref<256xf32, #tpu.memory_space<vmem_shared>>) target(%dma_start3A_357 : memref<256xf32, #tpu.memory_space<vmem>>) target_semaphore(%arg16 : memref<!tpu.dma_semaphore, #tpu.memory_space<semaphore_mem>>)
    %mul3A_359 = arith.constant 256 : i32
    %mul3A_360 = arith.muli %arg1, %mul3A_359 : i32
    %add3A_361 = arith.constant 16384 : i32
    %add3A_362 = arith.addi %add3A_361, %mul3A_360 : i32
    %dma_start3A_363 = arith.constant 1024 : i32
    %dma_start3A_364 = tpu.memref_slice %arg12[%dma_start3A_363] : memref<4096xf32, #tpu.memory_space<vmem>> -> memref<256xf32, #tpu.memory_space<vmem>>
    %dma_start3A_365 = tpu.memref_slice %arg15[%add3A_362] : memref<65536xf32, #tpu.memory_space<vmem_shared>> -> memref<256xf32, #tpu.memory_space<vmem_shared>>
    %dma_start3A_366 = arith.constant 1024 : i32
    %dma_start3A_367 = tpu.memref_slice %arg12[%dma_start3A_366] : memref<4096xf32, #tpu.memory_space<vmem>> -> memref<256xf32, #tpu.memory_space<vmem>>
    %dma_start3A_368 = tpu.memref_slice %arg15[%add3A_362] : memref<65536xf32, #tpu.memory_space<vmem_shared>> -> memref<256xf32, #tpu.memory_space<vmem_shared>>
    tpu.enqueue_dma source(%dma_start3A_368 : memref<256xf32, #tpu.memory_space<vmem_shared>>) target(%dma_start3A_367 : memref<256xf32, #tpu.memory_space<vmem>>) target_semaphore(%arg16 : memref<!tpu.dma_semaphore, #tpu.memory_space<semaphore_mem>>)
    %mul3A_369 = arith.constant 256 : i32
    %mul3A_370 = arith.muli %arg1, %mul3A_369 : i32
    %add3A_371 = arith.constant 20480 : i32
    %add3A_372 = arith.addi %add3A_371, %mul3A_370 : i32
    %dma_start3A_373 = arith.constant 1280 : i32
    %dma_start3A_374 = tpu.memref_slice %arg12[%dma_start3A_373] : memref<4096xf32, #tpu.memory_space<vmem>> -> memref<256xf32, #tpu.memory_space<vmem>>
    %dma_start3A_375 = tpu.memref_slice %arg15[%add3A_372] : memref<65536xf32, #tpu.memory_space<vmem_shared>> -> memref<256xf32, #tpu.memory_space<vmem_shared>>
    %dma_start3A_376 = arith.constant 1280 : i32
    %dma_start3A_377 = tpu.memref_slice %arg12[%dma_start3A_376] : memref<4096xf32, #tpu.memory_space<vmem>> -> memref<256xf32, #tpu.memory_space<vmem>>
    %dma_start3A_378 = tpu.memref_slice %arg15[%add3A_372] : memref<65536xf32, #tpu.memory_space<vmem_shared>> -> memref<256xf32, #tpu.memory_space<vmem_shared>>
    tpu.enqueue_dma source(%dma_start3A_378 : memref<256xf32, #tpu.memory_space<vmem_shared>>) target(%dma_start3A_377 : memref<256xf32, #tpu.memory_space<vmem>>) target_semaphore(%arg16 : memref<!tpu.dma_semaphore, #tpu.memory_space<semaphore_mem>>)
    %mul3A_379 = arith.constant 256 : i32
    %mul3A_380 = arith.muli %arg1, %mul3A_379 : i32
    %add3A_381 = arith.constant 24576 : i32
    %add3A_382 = arith.addi %add3A_381, %mul3A_380 : i32
    %dma_start3A_383 = arith.constant 1536 : i32
    %dma_start3A_384 = tpu.memref_slice %arg12[%dma_start3A_383] : memref<4096xf32, #tpu.memory_space<vmem>> -> memref<256xf32, #tpu.memory_space<vmem>>
    %dma_start3A_385 = tpu.memref_slice %arg15[%add3A_382] : memref<65536xf32, #tpu.memory_space<vmem_shared>> -> memref<256xf32, #tpu.memory_space<vmem_shared>>
    %dma_start3A_386 = arith.constant 1536 : i32
    %dma_start3A_387 = tpu.memref_slice %arg12[%dma_start3A_386] : memref<4096xf32, #tpu.memory_space<vmem>> -> memref<256xf32, #tpu.memory_space<vmem>>
    %dma_start3A_388 = tpu.memref_slice %arg15[%add3A_382] : memref<65536xf32, #tpu.memory_space<vmem_shared>> -> memref<256xf32, #tpu.memory_space<vmem_shared>>
    tpu.enqueue_dma source(%dma_start3A_388 : memref<256xf32, #tpu.memory_space<vmem_shared>>) target(%dma_start3A_387 : memref<256xf32, #tpu.memory_space<vmem>>) target_semaphore(%arg16 : memref<!tpu.dma_semaphore, #tpu.memory_space<semaphore_mem>>)
    %mul3A_389 = arith.constant 256 : i32
    %mul3A_390 = arith.muli %arg1, %mul3A_389 : i32
    %add3A_391 = arith.constant 28672 : i32
    %add3A_392 = arith.addi %add3A_391, %mul3A_390 : i32
    %dma_start3A_393 = arith.constant 1792 : i32
    %dma_start3A_394 = tpu.memref_slice %arg12[%dma_start3A_393] : memref<4096xf32, #tpu.memory_space<vmem>> -> memref<256xf32, #tpu.memory_space<vmem>>
    %dma_start3A_395 = tpu.memref_slice %arg15[%add3A_392] : memref<65536xf32, #tpu.memory_space<vmem_shared>> -> memref<256xf32, #tpu.memory_space<vmem_shared>>
    %dma_start3A_396 = arith.constant 1792 : i32
    %dma_start3A_397 = tpu.memref_slice %arg12[%dma_start3A_396] : memref<4096xf32, #tpu.memory_space<vmem>> -> memref<256xf32, #tpu.memory_space<vmem>>
    %dma_start3A_398 = tpu.memref_slice %arg15[%add3A_392] : memref<65536xf32, #tpu.memory_space<vmem_shared>> -> memref<256xf32, #tpu.memory_space<vmem_shared>>
    tpu.enqueue_dma source(%dma_start3A_398 : memref<256xf32, #tpu.memory_space<vmem_shared>>) target(%dma_start3A_397 : memref<256xf32, #tpu.memory_space<vmem>>) target_semaphore(%arg16 : memref<!tpu.dma_semaphore, #tpu.memory_space<semaphore_mem>>)
    %mul3A_399 = arith.constant 256 : i32
    %mul3A_400 = arith.muli %arg1, %mul3A_399 : i32
    %add3A_401 = arith.constant 32768 : i32
    %add3A_402 = arith.addi %add3A_401, %mul3A_400 : i32
    %dma_start3A_403 = arith.constant 2048 : i32
    %dma_start3A_404 = tpu.memref_slice %arg12[%dma_start3A_403] : memref<4096xf32, #tpu.memory_space<vmem>> -> memref<256xf32, #tpu.memory_space<vmem>>
    %dma_start3A_405 = tpu.memref_slice %arg15[%add3A_402] : memref<65536xf32, #tpu.memory_space<vmem_shared>> -> memref<256xf32, #tpu.memory_space<vmem_shared>>
    %dma_start3A_406 = arith.constant 2048 : i32
    %dma_start3A_407 = tpu.memref_slice %arg12[%dma_start3A_406] : memref<4096xf32, #tpu.memory_space<vmem>> -> memref<256xf32, #tpu.memory_space<vmem>>
    %dma_start3A_408 = tpu.memref_slice %arg15[%add3A_402] : memref<65536xf32, #tpu.memory_space<vmem_shared>> -> memref<256xf32, #tpu.memory_space<vmem_shared>>
    tpu.enqueue_dma source(%dma_start3A_408 : memref<256xf32, #tpu.memory_space<vmem_shared>>) target(%dma_start3A_407 : memref<256xf32, #tpu.memory_space<vmem>>) target_semaphore(%arg16 : memref<!tpu.dma_semaphore, #tpu.memory_space<semaphore_mem>>)
    %mul3A_409 = arith.constant 256 : i32
    %mul3A_410 = arith.muli %arg1, %mul3A_409 : i32
    %add3A_411 = arith.constant 36864 : i32
    %add3A_412 = arith.addi %add3A_411, %mul3A_410 : i32
    %dma_start3A_413 = arith.constant 2304 : i32
    %dma_start3A_414 = tpu.memref_slice %arg12[%dma_start3A_413] : memref<4096xf32, #tpu.memory_space<vmem>> -> memref<256xf32, #tpu.memory_space<vmem>>
    %dma_start3A_415 = tpu.memref_slice %arg15[%add3A_412] : memref<65536xf32, #tpu.memory_space<vmem_shared>> -> memref<256xf32, #tpu.memory_space<vmem_shared>>
    %dma_start3A_416 = arith.constant 2304 : i32
    %dma_start3A_417 = tpu.memref_slice %arg12[%dma_start3A_416] : memref<4096xf32, #tpu.memory_space<vmem>> -> memref<256xf32, #tpu.memory_space<vmem>>
    %dma_start3A_418 = tpu.memref_slice %arg15[%add3A_412] : memref<65536xf32, #tpu.memory_space<vmem_shared>> -> memref<256xf32, #tpu.memory_space<vmem_shared>>
    tpu.enqueue_dma source(%dma_start3A_418 : memref<256xf32, #tpu.memory_space<vmem_shared>>) target(%dma_start3A_417 : memref<256xf32, #tpu.memory_space<vmem>>) target_semaphore(%arg16 : memref<!tpu.dma_semaphore, #tpu.memory_space<semaphore_mem>>)
    %mul3A_419 = arith.constant 256 : i32
    %mul3A_420 = arith.muli %arg1, %mul3A_419 : i32
    %add3A_421 = arith.constant 40960 : i32
    %add3A_422 = arith.addi %add3A_421, %mul3A_420 : i32
    %dma_start3A_423 = arith.constant 2560 : i32
    %dma_start3A_424 = tpu.memref_slice %arg12[%dma_start3A_423] : memref<4096xf32, #tpu.memory_space<vmem>> -> memref<256xf32, #tpu.memory_space<vmem>>
    %dma_start3A_425 = tpu.memref_slice %arg15[%add3A_422] : memref<65536xf32, #tpu.memory_space<vmem_shared>> -> memref<256xf32, #tpu.memory_space<vmem_shared>>
    %dma_start3A_426 = arith.constant 2560 : i32
    %dma_start3A_427 = tpu.memref_slice %arg12[%dma_start3A_426] : memref<4096xf32, #tpu.memory_space<vmem>> -> memref<256xf32, #tpu.memory_space<vmem>>
    %dma_start3A_428 = tpu.memref_slice %arg15[%add3A_422] : memref<65536xf32, #tpu.memory_space<vmem_shared>> -> memref<256xf32, #tpu.memory_space<vmem_shared>>
    tpu.enqueue_dma source(%dma_start3A_428 : memref<256xf32, #tpu.memory_space<vmem_shared>>) target(%dma_start3A_427 : memref<256xf32, #tpu.memory_space<vmem>>) target_semaphore(%arg16 : memref<!tpu.dma_semaphore, #tpu.memory_space<semaphore_mem>>)
    %mul3A_429 = arith.constant 256 : i32
    %mul3A_430 = arith.muli %arg1, %mul3A_429 : i32
    %add3A_431 = arith.constant 45056 : i32
    %add3A_432 = arith.addi %add3A_431, %mul3A_430 : i32
    %dma_start3A_433 = arith.constant 2816 : i32
    %dma_start3A_434 = tpu.memref_slice %arg12[%dma_start3A_433] : memref<4096xf32, #tpu.memory_space<vmem>> -> memref<256xf32, #tpu.memory_space<vmem>>
    %dma_start3A_435 = tpu.memref_slice %arg15[%add3A_432] : memref<65536xf32, #tpu.memory_space<vmem_shared>> -> memref<256xf32, #tpu.memory_space<vmem_shared>>
    %dma_start3A_436 = arith.constant 2816 : i32
    %dma_start3A_437 = tpu.memref_slice %arg12[%dma_start3A_436] : memref<4096xf32, #tpu.memory_space<vmem>> -> memref<256xf32, #tpu.memory_space<vmem>>
    %dma_start3A_438 = tpu.memref_slice %arg15[%add3A_432] : memref<65536xf32, #tpu.memory_space<vmem_shared>> -> memref<256xf32, #tpu.memory_space<vmem_shared>>
    tpu.enqueue_dma source(%dma_start3A_438 : memref<256xf32, #tpu.memory_space<vmem_shared>>) target(%dma_start3A_437 : memref<256xf32, #tpu.memory_space<vmem>>) target_semaphore(%arg16 : memref<!tpu.dma_semaphore, #tpu.memory_space<semaphore_mem>>)
    %mul3A_439 = arith.constant 256 : i32
    %mul3A_440 = arith.muli %arg1, %mul3A_439 : i32
    %add3A_441 = arith.constant 49152 : i32
    %add3A_442 = arith.addi %add3A_441, %mul3A_440 : i32
    %dma_start3A_443 = arith.constant 3072 : i32
    %dma_start3A_444 = tpu.memref_slice %arg12[%dma_start3A_443] : memref<4096xf32, #tpu.memory_space<vmem>> -> memref<256xf32, #tpu.memory_space<vmem>>
    %dma_start3A_445 = tpu.memref_slice %arg15[%add3A_442] : memref<65536xf32, #tpu.memory_space<vmem_shared>> -> memref<256xf32, #tpu.memory_space<vmem_shared>>
    %dma_start3A_446 = arith.constant 3072 : i32
    %dma_start3A_447 = tpu.memref_slice %arg12[%dma_start3A_446] : memref<4096xf32, #tpu.memory_space<vmem>> -> memref<256xf32, #tpu.memory_space<vmem>>
    %dma_start3A_448 = tpu.memref_slice %arg15[%add3A_442] : memref<65536xf32, #tpu.memory_space<vmem_shared>> -> memref<256xf32, #tpu.memory_space<vmem_shared>>
    tpu.enqueue_dma source(%dma_start3A_448 : memref<256xf32, #tpu.memory_space<vmem_shared>>) target(%dma_start3A_447 : memref<256xf32, #tpu.memory_space<vmem>>) target_semaphore(%arg16 : memref<!tpu.dma_semaphore, #tpu.memory_space<semaphore_mem>>)
    %mul3A_449 = arith.constant 256 : i32
    %mul3A_450 = arith.muli %arg1, %mul3A_449 : i32
    %add3A_451 = arith.constant 53248 : i32
    %add3A_452 = arith.addi %add3A_451, %mul3A_450 : i32
    %dma_start3A_453 = arith.constant 3328 : i32
    %dma_start3A_454 = tpu.memref_slice %arg12[%dma_start3A_453] : memref<4096xf32, #tpu.memory_space<vmem>> -> memref<256xf32, #tpu.memory_space<vmem>>
    %dma_start3A_455 = tpu.memref_slice %arg15[%add3A_452] : memref<65536xf32, #tpu.memory_space<vmem_shared>> -> memref<256xf32, #tpu.memory_space<vmem_shared>>
    %dma_start3A_456 = arith.constant 3328 : i32
    %dma_start3A_457 = tpu.memref_slice %arg12[%dma_start3A_456] : memref<4096xf32, #tpu.memory_space<vmem>> -> memref<256xf32, #tpu.memory_space<vmem>>
    %dma_start3A_458 = tpu.memref_slice %arg15[%add3A_452] : memref<65536xf32, #tpu.memory_space<vmem_shared>> -> memref<256xf32, #tpu.memory_space<vmem_shared>>
    tpu.enqueue_dma source(%dma_start3A_458 : memref<256xf32, #tpu.memory_space<vmem_shared>>) target(%dma_start3A_457 : memref<256xf32, #tpu.memory_space<vmem>>) target_semaphore(%arg16 : memref<!tpu.dma_semaphore, #tpu.memory_space<semaphore_mem>>)
    %mul3A_459 = arith.constant 256 : i32
    %mul3A_460 = arith.muli %arg1, %mul3A_459 : i32
    %add3A_461 = arith.constant 57344 : i32
    %add3A_462 = arith.addi %add3A_461, %mul3A_460 : i32
    %dma_start3A_463 = arith.constant 3584 : i32
    %dma_start3A_464 = tpu.memref_slice %arg12[%dma_start3A_463] : memref<4096xf32, #tpu.memory_space<vmem>> -> memref<256xf32, #tpu.memory_space<vmem>>
    %dma_start3A_465 = tpu.memref_slice %arg15[%add3A_462] : memref<65536xf32, #tpu.memory_space<vmem_shared>> -> memref<256xf32, #tpu.memory_space<vmem_shared>>
    %dma_start3A_466 = arith.constant 3584 : i32
    %dma_start3A_467 = tpu.memref_slice %arg12[%dma_start3A_466] : memref<4096xf32, #tpu.memory_space<vmem>> -> memref<256xf32, #tpu.memory_space<vmem>>
    %dma_start3A_468 = tpu.memref_slice %arg15[%add3A_462] : memref<65536xf32, #tpu.memory_space<vmem_shared>> -> memref<256xf32, #tpu.memory_space<vmem_shared>>
    tpu.enqueue_dma source(%dma_start3A_468 : memref<256xf32, #tpu.memory_space<vmem_shared>>) target(%dma_start3A_467 : memref<256xf32, #tpu.memory_space<vmem>>) target_semaphore(%arg16 : memref<!tpu.dma_semaphore, #tpu.memory_space<semaphore_mem>>)
    %mul3A_469 = arith.constant 256 : i32
    %mul3A_470 = arith.muli %arg1, %mul3A_469 : i32
    %add3A_471 = arith.constant 61440 : i32
    %add3A_472 = arith.addi %add3A_471, %mul3A_470 : i32
    %dma_start3A_473 = arith.constant 3840 : i32
    %dma_start3A_474 = tpu.memref_slice %arg12[%dma_start3A_473] : memref<4096xf32, #tpu.memory_space<vmem>> -> memref<256xf32, #tpu.memory_space<vmem>>
    %dma_start3A_475 = tpu.memref_slice %arg15[%add3A_472] : memref<65536xf32, #tpu.memory_space<vmem_shared>> -> memref<256xf32, #tpu.memory_space<vmem_shared>>
    %dma_start3A_476 = arith.constant 3840 : i32
    %dma_start3A_477 = tpu.memref_slice %arg12[%dma_start3A_476] : memref<4096xf32, #tpu.memory_space<vmem>> -> memref<256xf32, #tpu.memory_space<vmem>>
    %dma_start3A_478 = tpu.memref_slice %arg15[%add3A_472] : memref<65536xf32, #tpu.memory_space<vmem_shared>> -> memref<256xf32, #tpu.memory_space<vmem_shared>>
    tpu.enqueue_dma source(%dma_start3A_478 : memref<256xf32, #tpu.memory_space<vmem_shared>>) target(%dma_start3A_477 : memref<256xf32, #tpu.memory_space<vmem>>) target_semaphore(%arg16 : memref<!tpu.dma_semaphore, #tpu.memory_space<semaphore_mem>>)
    %dma_wait3A_479 = arith.constant 0 : i32
    %dma_wait3A_480 = tpu.memref_slice %arg12[%dma_wait3A_479] : memref<4096xf32, #tpu.memory_space<vmem>> -> memref<256xf32, #tpu.memory_space<vmem>>
    %dma_wait3A_481 = tpu.memref_slice %arg15[%add3A_322] : memref<65536xf32, #tpu.memory_space<vmem_shared>> -> memref<256xf32, #tpu.memory_space<vmem_shared>>
    %dma_wait3A_482 = arith.constant 0 : i32
    %dma_wait3A_483 = tpu.memref_slice %arg12[%dma_wait3A_482] : memref<4096xf32, #tpu.memory_space<vmem>> -> memref<256xf32, #tpu.memory_space<vmem>>
    %dma_wait3A_484 = tpu.memref_slice %arg15[%add3A_322] : memref<65536xf32, #tpu.memory_space<vmem_shared>> -> memref<256xf32, #tpu.memory_space<vmem_shared>>
    tpu.wait_dma2 semaphore(%arg16 : memref<!tpu.dma_semaphore, #tpu.memory_space<semaphore_mem>>) src(%dma_wait3A_484 : memref<256xf32, #tpu.memory_space<vmem_shared>>) dst(%dma_wait3A_483 : memref<256xf32, #tpu.memory_space<vmem>>)
    %dma_wait3A_485 = arith.constant 256 : i32
    %dma_wait3A_486 = tpu.memref_slice %arg12[%dma_wait3A_485] : memref<4096xf32, #tpu.memory_space<vmem>> -> memref<256xf32, #tpu.memory_space<vmem>>
    %dma_wait3A_487 = tpu.memref_slice %arg15[%add3A_332] : memref<65536xf32, #tpu.memory_space<vmem_shared>> -> memref<256xf32, #tpu.memory_space<vmem_shared>>
    %dma_wait3A_488 = arith.constant 256 : i32
    %dma_wait3A_489 = tpu.memref_slice %arg12[%dma_wait3A_488] : memref<4096xf32, #tpu.memory_space<vmem>> -> memref<256xf32, #tpu.memory_space<vmem>>
    %dma_wait3A_490 = tpu.memref_slice %arg15[%add3A_332] : memref<65536xf32, #tpu.memory_space<vmem_shared>> -> memref<256xf32, #tpu.memory_space<vmem_shared>>
    tpu.wait_dma2 semaphore(%arg16 : memref<!tpu.dma_semaphore, #tpu.memory_space<semaphore_mem>>) src(%dma_wait3A_490 : memref<256xf32, #tpu.memory_space<vmem_shared>>) dst(%dma_wait3A_489 : memref<256xf32, #tpu.memory_space<vmem>>)
    %dma_wait3A_491 = arith.constant 512 : i32
    %dma_wait3A_492 = tpu.memref_slice %arg12[%dma_wait3A_491] : memref<4096xf32, #tpu.memory_space<vmem>> -> memref<256xf32, #tpu.memory_space<vmem>>
    %dma_wait3A_493 = tpu.memref_slice %arg15[%add3A_342] : memref<65536xf32, #tpu.memory_space<vmem_shared>> -> memref<256xf32, #tpu.memory_space<vmem_shared>>
    %dma_wait3A_494 = arith.constant 512 : i32
    %dma_wait3A_495 = tpu.memref_slice %arg12[%dma_wait3A_494] : memref<4096xf32, #tpu.memory_space<vmem>> -> memref<256xf32, #tpu.memory_space<vmem>>
    %dma_wait3A_496 = tpu.memref_slice %arg15[%add3A_342] : memref<65536xf32, #tpu.memory_space<vmem_shared>> -> memref<256xf32, #tpu.memory_space<vmem_shared>>
    tpu.wait_dma2 semaphore(%arg16 : memref<!tpu.dma_semaphore, #tpu.memory_space<semaphore_mem>>) src(%dma_wait3A_496 : memref<256xf32, #tpu.memory_space<vmem_shared>>) dst(%dma_wait3A_495 : memref<256xf32, #tpu.memory_space<vmem>>)
    %dma_wait3A_497 = arith.constant 768 : i32
    %dma_wait3A_498 = tpu.memref_slice %arg12[%dma_wait3A_497] : memref<4096xf32, #tpu.memory_space<vmem>> -> memref<256xf32, #tpu.memory_space<vmem>>
    %dma_wait3A_499 = tpu.memref_slice %arg15[%add3A_352] : memref<65536xf32, #tpu.memory_space<vmem_shared>> -> memref<256xf32, #tpu.memory_space<vmem_shared>>
    %dma_wait3A_500 = arith.constant 768 : i32
    %dma_wait3A_501 = tpu.memref_slice %arg12[%dma_wait3A_500] : memref<4096xf32, #tpu.memory_space<vmem>> -> memref<256xf32, #tpu.memory_space<vmem>>
    %dma_wait3A_502 = tpu.memref_slice %arg15[%add3A_352] : memref<65536xf32, #tpu.memory_space<vmem_shared>> -> memref<256xf32, #tpu.memory_space<vmem_shared>>
    tpu.wait_dma2 semaphore(%arg16 : memref<!tpu.dma_semaphore, #tpu.memory_space<semaphore_mem>>) src(%dma_wait3A_502 : memref<256xf32, #tpu.memory_space<vmem_shared>>) dst(%dma_wait3A_501 : memref<256xf32, #tpu.memory_space<vmem>>)
    %dma_wait3A_503 = arith.constant 1024 : i32
    %dma_wait3A_504 = tpu.memref_slice %arg12[%dma_wait3A_503] : memref<4096xf32, #tpu.memory_space<vmem>> -> memref<256xf32, #tpu.memory_space<vmem>>
    %dma_wait3A_505 = tpu.memref_slice %arg15[%add3A_362] : memref<65536xf32, #tpu.memory_space<vmem_shared>> -> memref<256xf32, #tpu.memory_space<vmem_shared>>
    %dma_wait3A_506 = arith.constant 1024 : i32
    %dma_wait3A_507 = tpu.memref_slice %arg12[%dma_wait3A_506] : memref<4096xf32, #tpu.memory_space<vmem>> -> memref<256xf32, #tpu.memory_space<vmem>>
    %dma_wait3A_508 = tpu.memref_slice %arg15[%add3A_362] : memref<65536xf32, #tpu.memory_space<vmem_shared>> -> memref<256xf32, #tpu.memory_space<vmem_shared>>
    tpu.wait_dma2 semaphore(%arg16 : memref<!tpu.dma_semaphore, #tpu.memory_space<semaphore_mem>>) src(%dma_wait3A_508 : memref<256xf32, #tpu.memory_space<vmem_shared>>) dst(%dma_wait3A_507 : memref<256xf32, #tpu.memory_space<vmem>>)
    %dma_wait3A_509 = arith.constant 1280 : i32
    %dma_wait3A_510 = tpu.memref_slice %arg12[%dma_wait3A_509] : memref<4096xf32, #tpu.memory_space<vmem>> -> memref<256xf32, #tpu.memory_space<vmem>>
    %dma_wait3A_511 = tpu.memref_slice %arg15[%add3A_372] : memref<65536xf32, #tpu.memory_space<vmem_shared>> -> memref<256xf32, #tpu.memory_space<vmem_shared>>
    %dma_wait3A_512 = arith.constant 1280 : i32
    %dma_wait3A_513 = tpu.memref_slice %arg12[%dma_wait3A_512] : memref<4096xf32, #tpu.memory_space<vmem>> -> memref<256xf32, #tpu.memory_space<vmem>>
    %dma_wait3A_514 = tpu.memref_slice %arg15[%add3A_372] : memref<65536xf32, #tpu.memory_space<vmem_shared>> -> memref<256xf32, #tpu.memory_space<vmem_shared>>
    tpu.wait_dma2 semaphore(%arg16 : memref<!tpu.dma_semaphore, #tpu.memory_space<semaphore_mem>>) src(%dma_wait3A_514 : memref<256xf32, #tpu.memory_space<vmem_shared>>) dst(%dma_wait3A_513 : memref<256xf32, #tpu.memory_space<vmem>>)
    %dma_wait3A_515 = arith.constant 1536 : i32
    %dma_wait3A_516 = tpu.memref_slice %arg12[%dma_wait3A_515] : memref<4096xf32, #tpu.memory_space<vmem>> -> memref<256xf32, #tpu.memory_space<vmem>>
    %dma_wait3A_517 = tpu.memref_slice %arg15[%add3A_382] : memref<65536xf32, #tpu.memory_space<vmem_shared>> -> memref<256xf32, #tpu.memory_space<vmem_shared>>
    %dma_wait3A_518 = arith.constant 1536 : i32
    %dma_wait3A_519 = tpu.memref_slice %arg12[%dma_wait3A_518] : memref<4096xf32, #tpu.memory_space<vmem>> -> memref<256xf32, #tpu.memory_space<vmem>>
    %dma_wait3A_520 = tpu.memref_slice %arg15[%add3A_382] : memref<65536xf32, #tpu.memory_space<vmem_shared>> -> memref<256xf32, #tpu.memory_space<vmem_shared>>
    tpu.wait_dma2 semaphore(%arg16 : memref<!tpu.dma_semaphore, #tpu.memory_space<semaphore_mem>>) src(%dma_wait3A_520 : memref<256xf32, #tpu.memory_space<vmem_shared>>) dst(%dma_wait3A_519 : memref<256xf32, #tpu.memory_space<vmem>>)
    %dma_wait3A_521 = arith.constant 1792 : i32
    %dma_wait3A_522 = tpu.memref_slice %arg12[%dma_wait3A_521] : memref<4096xf32, #tpu.memory_space<vmem>> -> memref<256xf32, #tpu.memory_space<vmem>>
    %dma_wait3A_523 = tpu.memref_slice %arg15[%add3A_392] : memref<65536xf32, #tpu.memory_space<vmem_shared>> -> memref<256xf32, #tpu.memory_space<vmem_shared>>
    %dma_wait3A_524 = arith.constant 1792 : i32
    %dma_wait3A_525 = tpu.memref_slice %arg12[%dma_wait3A_524] : memref<4096xf32, #tpu.memory_space<vmem>> -> memref<256xf32, #tpu.memory_space<vmem>>
    %dma_wait3A_526 = tpu.memref_slice %arg15[%add3A_392] : memref<65536xf32, #tpu.memory_space<vmem_shared>> -> memref<256xf32, #tpu.memory_space<vmem_shared>>
    tpu.wait_dma2 semaphore(%arg16 : memref<!tpu.dma_semaphore, #tpu.memory_space<semaphore_mem>>) src(%dma_wait3A_526 : memref<256xf32, #tpu.memory_space<vmem_shared>>) dst(%dma_wait3A_525 : memref<256xf32, #tpu.memory_space<vmem>>)
    %dma_wait3A_527 = arith.constant 2048 : i32
    %dma_wait3A_528 = tpu.memref_slice %arg12[%dma_wait3A_527] : memref<4096xf32, #tpu.memory_space<vmem>> -> memref<256xf32, #tpu.memory_space<vmem>>
    %dma_wait3A_529 = tpu.memref_slice %arg15[%add3A_402] : memref<65536xf32, #tpu.memory_space<vmem_shared>> -> memref<256xf32, #tpu.memory_space<vmem_shared>>
    %dma_wait3A_530 = arith.constant 2048 : i32
    %dma_wait3A_531 = tpu.memref_slice %arg12[%dma_wait3A_530] : memref<4096xf32, #tpu.memory_space<vmem>> -> memref<256xf32, #tpu.memory_space<vmem>>
    %dma_wait3A_532 = tpu.memref_slice %arg15[%add3A_402] : memref<65536xf32, #tpu.memory_space<vmem_shared>> -> memref<256xf32, #tpu.memory_space<vmem_shared>>
    tpu.wait_dma2 semaphore(%arg16 : memref<!tpu.dma_semaphore, #tpu.memory_space<semaphore_mem>>) src(%dma_wait3A_532 : memref<256xf32, #tpu.memory_space<vmem_shared>>) dst(%dma_wait3A_531 : memref<256xf32, #tpu.memory_space<vmem>>)
    %dma_wait3A_533 = arith.constant 2304 : i32
    %dma_wait3A_534 = tpu.memref_slice %arg12[%dma_wait3A_533] : memref<4096xf32, #tpu.memory_space<vmem>> -> memref<256xf32, #tpu.memory_space<vmem>>
    %dma_wait3A_535 = tpu.memref_slice %arg15[%add3A_412] : memref<65536xf32, #tpu.memory_space<vmem_shared>> -> memref<256xf32, #tpu.memory_space<vmem_shared>>
    %dma_wait3A_536 = arith.constant 2304 : i32
    %dma_wait3A_537 = tpu.memref_slice %arg12[%dma_wait3A_536] : memref<4096xf32, #tpu.memory_space<vmem>> -> memref<256xf32, #tpu.memory_space<vmem>>
    %dma_wait3A_538 = tpu.memref_slice %arg15[%add3A_412] : memref<65536xf32, #tpu.memory_space<vmem_shared>> -> memref<256xf32, #tpu.memory_space<vmem_shared>>
    tpu.wait_dma2 semaphore(%arg16 : memref<!tpu.dma_semaphore, #tpu.memory_space<semaphore_mem>>) src(%dma_wait3A_538 : memref<256xf32, #tpu.memory_space<vmem_shared>>) dst(%dma_wait3A_537 : memref<256xf32, #tpu.memory_space<vmem>>)
    %dma_wait3A_539 = arith.constant 2560 : i32
    %dma_wait3A_540 = tpu.memref_slice %arg12[%dma_wait3A_539] : memref<4096xf32, #tpu.memory_space<vmem>> -> memref<256xf32, #tpu.memory_space<vmem>>
    %dma_wait3A_541 = tpu.memref_slice %arg15[%add3A_422] : memref<65536xf32, #tpu.memory_space<vmem_shared>> -> memref<256xf32, #tpu.memory_space<vmem_shared>>
    %dma_wait3A_542 = arith.constant 2560 : i32
    %dma_wait3A_543 = tpu.memref_slice %arg12[%dma_wait3A_542] : memref<4096xf32, #tpu.memory_space<vmem>> -> memref<256xf32, #tpu.memory_space<vmem>>
    %dma_wait3A_544 = tpu.memref_slice %arg15[%add3A_422] : memref<65536xf32, #tpu.memory_space<vmem_shared>> -> memref<256xf32, #tpu.memory_space<vmem_shared>>
    tpu.wait_dma2 semaphore(%arg16 : memref<!tpu.dma_semaphore, #tpu.memory_space<semaphore_mem>>) src(%dma_wait3A_544 : memref<256xf32, #tpu.memory_space<vmem_shared>>) dst(%dma_wait3A_543 : memref<256xf32, #tpu.memory_space<vmem>>)
    %dma_wait3A_545 = arith.constant 2816 : i32
    %dma_wait3A_546 = tpu.memref_slice %arg12[%dma_wait3A_545] : memref<4096xf32, #tpu.memory_space<vmem>> -> memref<256xf32, #tpu.memory_space<vmem>>
    %dma_wait3A_547 = tpu.memref_slice %arg15[%add3A_432] : memref<65536xf32, #tpu.memory_space<vmem_shared>> -> memref<256xf32, #tpu.memory_space<vmem_shared>>
    %dma_wait3A_548 = arith.constant 2816 : i32
    %dma_wait3A_549 = tpu.memref_slice %arg12[%dma_wait3A_548] : memref<4096xf32, #tpu.memory_space<vmem>> -> memref<256xf32, #tpu.memory_space<vmem>>
    %dma_wait3A_550 = tpu.memref_slice %arg15[%add3A_432] : memref<65536xf32, #tpu.memory_space<vmem_shared>> -> memref<256xf32, #tpu.memory_space<vmem_shared>>
    tpu.wait_dma2 semaphore(%arg16 : memref<!tpu.dma_semaphore, #tpu.memory_space<semaphore_mem>>) src(%dma_wait3A_550 : memref<256xf32, #tpu.memory_space<vmem_shared>>) dst(%dma_wait3A_549 : memref<256xf32, #tpu.memory_space<vmem>>)
    %dma_wait3A_551 = arith.constant 3072 : i32
    %dma_wait3A_552 = tpu.memref_slice %arg12[%dma_wait3A_551] : memref<4096xf32, #tpu.memory_space<vmem>> -> memref<256xf32, #tpu.memory_space<vmem>>
    %dma_wait3A_553 = tpu.memref_slice %arg15[%add3A_442] : memref<65536xf32, #tpu.memory_space<vmem_shared>> -> memref<256xf32, #tpu.memory_space<vmem_shared>>
    %dma_wait3A_554 = arith.constant 3072 : i32
    %dma_wait3A_555 = tpu.memref_slice %arg12[%dma_wait3A_554] : memref<4096xf32, #tpu.memory_space<vmem>> -> memref<256xf32, #tpu.memory_space<vmem>>
    %dma_wait3A_556 = tpu.memref_slice %arg15[%add3A_442] : memref<65536xf32, #tpu.memory_space<vmem_shared>> -> memref<256xf32, #tpu.memory_space<vmem_shared>>
    tpu.wait_dma2 semaphore(%arg16 : memref<!tpu.dma_semaphore, #tpu.memory_space<semaphore_mem>>) src(%dma_wait3A_556 : memref<256xf32, #tpu.memory_space<vmem_shared>>) dst(%dma_wait3A_555 : memref<256xf32, #tpu.memory_space<vmem>>)
    %dma_wait3A_557 = arith.constant 3328 : i32
    %dma_wait3A_558 = tpu.memref_slice %arg12[%dma_wait3A_557] : memref<4096xf32, #tpu.memory_space<vmem>> -> memref<256xf32, #tpu.memory_space<vmem>>
    %dma_wait3A_559 = tpu.memref_slice %arg15[%add3A_452] : memref<65536xf32, #tpu.memory_space<vmem_shared>> -> memref<256xf32, #tpu.memory_space<vmem_shared>>
    %dma_wait3A_560 = arith.constant 3328 : i32
    %dma_wait3A_561 = tpu.memref_slice %arg12[%dma_wait3A_560] : memref<4096xf32, #tpu.memory_space<vmem>> -> memref<256xf32, #tpu.memory_space<vmem>>
    %dma_wait3A_562 = tpu.memref_slice %arg15[%add3A_452] : memref<65536xf32, #tpu.memory_space<vmem_shared>> -> memref<256xf32, #tpu.memory_space<vmem_shared>>
    tpu.wait_dma2 semaphore(%arg16 : memref<!tpu.dma_semaphore, #tpu.memory_space<semaphore_mem>>) src(%dma_wait3A_562 : memref<256xf32, #tpu.memory_space<vmem_shared>>) dst(%dma_wait3A_561 : memref<256xf32, #tpu.memory_space<vmem>>)
    %dma_wait3A_563 = arith.constant 3584 : i32
    %dma_wait3A_564 = tpu.memref_slice %arg12[%dma_wait3A_563] : memref<4096xf32, #tpu.memory_space<vmem>> -> memref<256xf32, #tpu.memory_space<vmem>>
    %dma_wait3A_565 = tpu.memref_slice %arg15[%add3A_462] : memref<65536xf32, #tpu.memory_space<vmem_shared>> -> memref<256xf32, #tpu.memory_space<vmem_shared>>
    %dma_wait3A_566 = arith.constant 3584 : i32
    %dma_wait3A_567 = tpu.memref_slice %arg12[%dma_wait3A_566] : memref<4096xf32, #tpu.memory_space<vmem>> -> memref<256xf32, #tpu.memory_space<vmem>>
    %dma_wait3A_568 = tpu.memref_slice %arg15[%add3A_462] : memref<65536xf32, #tpu.memory_space<vmem_shared>> -> memref<256xf32, #tpu.memory_space<vmem_shared>>
    tpu.wait_dma2 semaphore(%arg16 : memref<!tpu.dma_semaphore, #tpu.memory_space<semaphore_mem>>) src(%dma_wait3A_568 : memref<256xf32, #tpu.memory_space<vmem_shared>>) dst(%dma_wait3A_567 : memref<256xf32, #tpu.memory_space<vmem>>)
    %dma_wait3A_569 = arith.constant 3840 : i32
    %dma_wait3A_570 = tpu.memref_slice %arg12[%dma_wait3A_569] : memref<4096xf32, #tpu.memory_space<vmem>> -> memref<256xf32, #tpu.memory_space<vmem>>
    %dma_wait3A_571 = tpu.memref_slice %arg15[%add3A_472] : memref<65536xf32, #tpu.memory_space<vmem_shared>> -> memref<256xf32, #tpu.memory_space<vmem_shared>>
    %dma_wait3A_572 = arith.constant 3840 : i32
    %dma_wait3A_573 = tpu.memref_slice %arg12[%dma_wait3A_572] : memref<4096xf32, #tpu.memory_space<vmem>> -> memref<256xf32, #tpu.memory_space<vmem>>
    %dma_wait3A_574 = tpu.memref_slice %arg15[%add3A_472] : memref<65536xf32, #tpu.memory_space<vmem_shared>> -> memref<256xf32, #tpu.memory_space<vmem_shared>>
    tpu.wait_dma2 semaphore(%arg16 : memref<!tpu.dma_semaphore, #tpu.memory_space<semaphore_mem>>) src(%dma_wait3A_574 : memref<256xf32, #tpu.memory_space<vmem_shared>>) dst(%dma_wait3A_573 : memref<256xf32, #tpu.memory_space<vmem>>)
    %scan3A_575 = arith.constant 0 : i32
    %scan3A_576 = arith.constant 0 : i32
    %scan3A_577 = arith.constant 16 : i32
    %scan3A_578 = arith.addi %scan3A_576, %scan3A_577 : i32
    %scan3A_579 = arith.constant 1 : i32
    scf.for %scan3A_583 = %scan3A_576 to %scan3A_578 step %scan3A_579  : i32 {
      %mul3A_584 = arith.constant 16 : i32
      %mul3A_585 = arith.muli %scan3A_583, %mul3A_584 : i32
      %get3A = arith.index_cast %mul3A_585 : i32 to index
      %get3A_586 = tpu.vector_load %arg12[%get3A] {strides = array<i32>} : memref<4096xf32, #tpu.memory_space<vmem>>, vector<16xf32>,
      %mul3A_587 = arith.constant 16 : i32
      %mul3A_588 = arith.muli %scan3A_583, %mul3A_587 : i32
      %add3A_589 = arith.constant 256 : i32
      %add3A_590 = arith.addi %add3A_589, %mul3A_588 : i32
      %get3A_591 = arith.index_cast %add3A_590 : i32 to index
      %get3A_592 = tpu.vector_load %arg12[%get3A_591] {strides = array<i32>} : memref<4096xf32, #tpu.memory_space<vmem>>, vector<16xf32>,
      %add3A_593 = arith.addf %get3A_586, %get3A_592 : vector<16xf32>
      %mul3A_594 = arith.constant 16 : i32
      %mul3A_595 = arith.muli %scan3A_583, %mul3A_594 : i32
      %add3A_596 = arith.constant 512 : i32
      %add3A_597 = arith.addi %add3A_596, %mul3A_595 : i32
      %get3A_598 = arith.index_cast %add3A_597 : i32 to index
      %get3A_599 = tpu.vector_load %arg12[%get3A_598] {strides = array<i32>} : memref<4096xf32, #tpu.memory_space<vmem>>, vector<16xf32>,
      %add3A_600 = arith.addf %add3A_593, %get3A_599 : vector<16xf32>
      %mul3A_601 = arith.constant 16 : i32
      %mul3A_602 = arith.muli %scan3A_583, %mul3A_601 : i32
      %add3A_603 = arith.constant 768 : i32
      %add3A_604 = arith.addi %add3A_603, %mul3A_602 : i32
      %get3A_605 = arith.index_cast %add3A_604 : i32 to index
      %get3A_606 = tpu.vector_load %arg12[%get3A_605] {strides = array<i32>} : memref<4096xf32, #tpu.memory_space<vmem>>, vector<16xf32>,
      %add3A_607 = arith.addf %add3A_600, %get3A_606 : vector<16xf32>
      %mul3A_608 = arith.constant 16 : i32
      %mul3A_609 = arith.muli %scan3A_583, %mul3A_608 : i32
      %add3A_610 = arith.constant 1024 : i32
      %add3A_611 = arith.addi %add3A_610, %mul3A_609 : i32
      %get3A_612 = arith.index_cast %add3A_611 : i32 to index
      %get3A_613 = tpu.vector_load %arg12[%get3A_612] {strides = array<i32>} : memref<4096xf32, #tpu.memory_space<vmem>>, vector<16xf32>,
      %add3A_614 = arith.addf %add3A_607, %get3A_613 : vector<16xf32>
      %mul3A_615 = arith.constant 16 : i32
      %mul3A_616 = arith.muli %scan3A_583, %mul3A_615 : i32
      %add3A_617 = arith.constant 1280 : i32
      %add3A_618 = arith.addi %add3A_617, %mul3A_616 : i32
      %get3A_619 = arith.index_cast %add3A_618 : i32 to index
      %get3A_620 = tpu.vector_load %arg12[%get3A_619] {strides = array<i32>} : memref<4096xf32, #tpu.memory_space<vmem>>, vector<16xf32>,
      %add3A_621 = arith.addf %add3A_614, %get3A_620 : vector<16xf32>
      %mul3A_622 = arith.constant 16 : i32
      %mul3A_623 = arith.muli %scan3A_583, %mul3A_622 : i32
      %add3A_624 = arith.constant 1536 : i32
      %add3A_625 = arith.addi %add3A_624, %mul3A_623 : i32
      %get3A_626 = arith.index_cast %add3A_625 : i32 to index
      %get3A_627 = tpu.vector_load %arg12[%get3A_626] {strides = array<i32>} : memref<4096xf32, #tpu.memory_space<vmem>>, vector<16xf32>,
      %add3A_628 = arith.addf %add3A_621, %get3A_627 : vector<16xf32>
      %mul3A_629 = arith.constant 16 : i32
      %mul3A_630 = arith.muli %scan3A_583, %mul3A_629 : i32
      %add3A_631 = arith.constant 1792 : i32
      %add3A_632 = arith.addi %add3A_631, %mul3A_630 : i32
      %get3A_633 = arith.index_cast %add3A_632 : i32 to index
      %get3A_634 = tpu.vector_load %arg12[%get3A_633] {strides = array<i32>} : memref<4096xf32, #tpu.memory_space<vmem>>, vector<16xf32>,
      %add3A_635 = arith.addf %add3A_628, %get3A_634 : vector<16xf32>
      %mul3A_636 = arith.constant 16 : i32
      %mul3A_637 = arith.muli %scan3A_583, %mul3A_636 : i32
      %add3A_638 = arith.constant 2048 : i32
      %add3A_639 = arith.addi %add3A_638, %mul3A_637 : i32
      %get3A_640 = arith.index_cast %add3A_639 : i32 to index
      %get3A_641 = tpu.vector_load %arg12[%get3A_640] {strides = array<i32>} : memref<4096xf32, #tpu.memory_space<vmem>>, vector<16xf32>,
      %add3A_642 = arith.addf %add3A_635, %get3A_641 : vector<16xf32>
      %mul3A_643 = arith.constant 16 : i32
      %mul3A_644 = arith.muli %scan3A_583, %mul3A_643 : i32
      %add3A_645 = arith.constant 2304 : i32
      %add3A_646 = arith.addi %add3A_645, %mul3A_644 : i32
      %get3A_647 = arith.index_cast %add3A_646 : i32 to index
      %get3A_648 = tpu.vector_load %arg12[%get3A_647] {strides = array<i32>} : memref<4096xf32, #tpu.memory_space<vmem>>, vector<16xf32>,
      %add3A_649 = arith.addf %add3A_642, %get3A_648 : vector<16xf32>
      %mul3A_650 = arith.constant 16 : i32
      %mul3A_651 = arith.muli %scan3A_583, %mul3A_650 : i32
      %add3A_652 = arith.constant 2560 : i32
      %add3A_653 = arith.addi %add3A_652, %mul3A_651 : i32
      %get3A_654 = arith.index_cast %add3A_653 : i32 to index
      %get3A_655 = tpu.vector_load %arg12[%get3A_654] {strides = array<i32>} : memref<4096xf32, #tpu.memory_space<vmem>>, vector<16xf32>,
      %add3A_656 = arith.addf %add3A_649, %get3A_655 : vector<16xf32>
      %mul3A_657 = arith.constant 16 : i32
      %mul3A_658 = arith.muli %scan3A_583, %mul3A_657 : i32
      %add3A_659 = arith.constant 2816 : i32
      %add3A_660 = arith.addi %add3A_659, %mul3A_658 : i32
      %get3A_661 = arith.index_cast %add3A_660 : i32 to index
      %get3A_662 = tpu.vector_load %arg12[%get3A_661] {strides = array<i32>} : memref<4096xf32, #tpu.memory_space<vmem>>, vector<16xf32>,
      %add3A_663 = arith.addf %add3A_656, %get3A_662 : vector<16xf32>
      %mul3A_664 = arith.constant 16 : i32
      %mul3A_665 = arith.muli %scan3A_583, %mul3A_664 : i32
      %add3A_666 = arith.constant 3072 : i32
      %add3A_667 = arith.addi %add3A_666, %mul3A_665 : i32
      %get3A_668 = arith.index_cast %add3A_667 : i32 to index
      %get3A_669 = tpu.vector_load %arg12[%get3A_668] {strides = array<i32>} : memref<4096xf32, #tpu.memory_space<vmem>>, vector<16xf32>,
      %add3A_670 = arith.addf %add3A_663, %get3A_669 : vector<16xf32>
      %mul3A_671 = arith.constant 16 : i32
      %mul3A_672 = arith.muli %scan3A_583, %mul3A_671 : i32
      %add3A_673 = arith.constant 3328 : i32
      %add3A_674 = arith.addi %add3A_673, %mul3A_672 : i32
      %get3A_675 = arith.index_cast %add3A_674 : i32 to index
      %get3A_676 = tpu.vector_load %arg12[%get3A_675] {strides = array<i32>} : memref<4096xf32, #tpu.memory_space<vmem>>, vector<16xf32>,
      %add3A_677 = arith.addf %add3A_670, %get3A_676 : vector<16xf32>
      %mul3A_678 = arith.constant 16 : i32
      %mul3A_679 = arith.muli %scan3A_583, %mul3A_678 : i32
      %add3A_680 = arith.constant 3584 : i32
      %add3A_681 = arith.addi %add3A_680, %mul3A_679 : i32
      %get3A_682 = arith.index_cast %add3A_681 : i32 to index
      %get3A_683 = tpu.vector_load %arg12[%get3A_682] {strides = array<i32>} : memref<4096xf32, #tpu.memory_space<vmem>>, vector<16xf32>,
      %add3A_684 = arith.addf %add3A_677, %get3A_683 : vector<16xf32>
      %mul3A_685 = arith.constant 16 : i32
      %mul3A_686 = arith.muli %scan3A_583, %mul3A_685 : i32
      %add3A_687 = arith.constant 3840 : i32
      %add3A_688 = arith.addi %add3A_687, %mul3A_686 : i32
      %get3A_689 = arith.index_cast %add3A_688 : i32 to index
      %get3A_690 = tpu.vector_load %arg12[%get3A_689] {strides = array<i32>} : memref<4096xf32, #tpu.memory_space<vmem>>, vector<16xf32>,
      %add3A_691 = arith.addf %add3A_684, %get3A_690 : vector<16xf32>
      %mul3A_692 = arith.constant 16 : i32
      %mul3A_693 = arith.muli %scan3A_583, %mul3A_692 : i32
      %swap3A = arith.index_cast %mul3A_693 : i32 to index
      %swap3A_694 = tpu.vector_load %arg13[%swap3A] {strides = array<i32>} : memref<256xf32, #tpu.memory_space<vmem>>, vector<16xf32>,
      tpu.vector_store %arg13[%swap3A], %add3A_691 {strides = array<i32>} : memref<256xf32, #tpu.memory_space<vmem>>, vector<16xf32>,
    }
    %scan3A_580 = arith.constant 16 : i32
    %mul3A_581 = arith.constant 256 : i32
    %mul3A_582 = arith.muli %arg1, %mul3A_581 : i32
    "tpu.region"() ({
      %run_scoped3A = tpu.sem_alloc : memref<!tpu.dma_semaphore, #tpu.memory_space<semaphore_mem>>
      %dma_start3A_583 = tpu.memref_slice %arg5[%arg0, %mul3A_582] : memref<2x4096xf32, #tpu.memory_space<hbm>> -> memref<1x256xf32, #tpu.memory_space<hbm>>
      %dma_start3A_584 = tpu.memref_squeeze %dma_start3A_583 : memref<1x256xf32, #tpu.memory_space<hbm>> -> memref<256xf32, #tpu.memory_space<hbm>>
      %dma_start3A_585 = tpu.memref_slice %arg5[%arg0, %mul3A_582] : memref<2x4096xf32, #tpu.memory_space<hbm>> -> memref<1x256xf32, #tpu.memory_space<hbm>>
      %dma_start3A_586 = tpu.memref_squeeze %dma_start3A_585 : memref<1x256xf32, #tpu.memory_space<hbm>> -> memref<256xf32, #tpu.memory_space<hbm>>
      tpu.enqueue_dma source(%arg13 : memref<256xf32, #tpu.memory_space<vmem>>) target(%dma_start3A_586 : memref<256xf32, #tpu.memory_space<hbm>>) target_semaphore(%run_scoped3A : memref<!tpu.dma_semaphore, #tpu.memory_space<semaphore_mem>>)
      %dma_wait3A_587 = tpu.memref_slice %arg5[%arg0, %mul3A_582] : memref<2x4096xf32, #tpu.memory_space<hbm>> -> memref<1x256xf32, #tpu.memory_space<hbm>>
      %dma_wait3A_588 = tpu.memref_squeeze %dma_wait3A_587 : memref<1x256xf32, #tpu.memory_space<hbm>> -> memref<256xf32, #tpu.memory_space<hbm>>
      %dma_wait3A_589 = tpu.memref_slice %arg5[%arg0, %mul3A_582] : memref<2x4096xf32, #tpu.memory_space<hbm>> -> memref<1x256xf32, #tpu.memory_space<hbm>>
      %dma_wait3A_590 = tpu.memref_squeeze %dma_wait3A_589 : memref<1x256xf32, #tpu.memory_space<hbm>> -> memref<256xf32, #tpu.memory_space<hbm>>
      tpu.wait_dma2 semaphore(%run_scoped3A : memref<!tpu.dma_semaphore, #tpu.memory_space<semaphore_mem>>) src(%arg13 : memref<256xf32, #tpu.memory_space<vmem>>) dst(%dma_wait3A_590 : memref<256xf32, #tpu.memory_space<hbm>>)
      tpu.yield
    }) : () -> ()
    "tpu.trace_stop"() : () -> ()
    return
  }
}

#map = affine_map<(d0, d1) -> (0, 0)>
module attributes {stable_mosaic.version = 14 : i64} {
  func.func @_sc_pass_body(%arg0: i32, %arg1: i32, %arg2: memref<1x4096xf32, #tpu.memory_space<hbm>>, %arg3: memref<2x262144xi32, #tpu.memory_space<hbm>>, %arg4: memref<2x4096xf32, #tpu.memory_space<hbm>>, %arg5: memref<4096xf32, #tpu.memory_space<vmem>>, %arg6: memref<8192xi32, #tpu.memory_space<vmem>>, %arg7: memref<8192xi32, #tpu.memory_space<vmem>>, %arg8: memref<8192xf32, #tpu.memory_space<vmem>>, %arg9: memref<4096xf32, #tpu.memory_space<vmem>>, %arg10: memref<4096xf32, #tpu.memory_space<vmem>>, %arg11: memref<256xf32, #tpu.memory_space<vmem>>, %arg12: memref<65536xf32, #tpu.memory_space<vmem_shared>>, %arg13: memref<!tpu.dma_semaphore, #tpu.memory_space<semaphore_mem>>) attributes {dimension_semantics = [#tpu.dimension_semantics<core_parallel>, #tpu.dimension_semantics<subcore_parallel>], iteration_bounds = array<i64: 2, 16>, scalar_prefetch = 0 : i64, scratch_operands = 9 : i64, tpu.core_type = #tpu.core_type<sc_vector_subcore>, window_params = [{transform_indices = #map}, {transform_indices = #map}, {transform_indices = #map}]} {
    %mul3A = arith.constant 16 : i32
    %mul3A_0 = arith.muli %arg0, %mul3A : i32
    %add3A = arith.addi %mul3A_0, %arg1 : i32
    %dma_start3A = arith.constant 0 : i32
    "tpu.trace_start"() <{level = 10 : i32, message = "sc_stage"}> : () -> ()
    %dma_start3A_1 = arith.constant 0 : i32
    %dma_start3A_2 = tpu.memref_slice %arg2[%dma_start3A, %dma_start3A_1] : memref<1x4096xf32, #tpu.memory_space<hbm>> -> memref<1x4096xf32, #tpu.memory_space<hbm>>
    %dma_start3A_3 = tpu.memref_squeeze %dma_start3A_2 : memref<1x4096xf32, #tpu.memory_space<hbm>> -> memref<4096xf32, #tpu.memory_space<hbm>>
    %dma_start3A_4 = arith.constant 0 : i32
    %dma_start3A_5 = tpu.memref_slice %arg2[%dma_start3A, %dma_start3A_4] : memref<1x4096xf32, #tpu.memory_space<hbm>> -> memref<1x4096xf32, #tpu.memory_space<hbm>>
    %dma_start3A_6 = tpu.memref_squeeze %dma_start3A_5 : memref<1x4096xf32, #tpu.memory_space<hbm>> -> memref<4096xf32, #tpu.memory_space<hbm>>
    tpu.enqueue_dma source(%dma_start3A_6 : memref<4096xf32, #tpu.memory_space<hbm>>) target(%arg5 : memref<4096xf32, #tpu.memory_space<vmem>>) target_semaphore(%arg13 : memref<!tpu.dma_semaphore, #tpu.memory_space<semaphore_mem>>)
    %mul3A_7 = arith.constant 8192 : i32
    %mul3A_8 = arith.muli %add3A, %mul3A_7 : i32
    %dma_start3A_9 = arith.constant 0 : i32
    %dma_start3A_10 = tpu.memref_slice %arg3[%dma_start3A_9, %mul3A_8] : memref<2x262144xi32, #tpu.memory_space<hbm>> -> memref<1x8192xi32, #tpu.memory_space<hbm>>
    %dma_start3A_11 = tpu.memref_squeeze %dma_start3A_10 : memref<1x8192xi32, #tpu.memory_space<hbm>> -> memref<8192xi32, #tpu.memory_space<hbm>>
    %dma_start3A_12 = tpu.memref_slice %arg3[%dma_start3A_9, %mul3A_8] : memref<2x262144xi32, #tpu.memory_space<hbm>> -> memref<1x8192xi32, #tpu.memory_space<hbm>>
    %dma_start3A_13 = tpu.memref_squeeze %dma_start3A_12 : memref<1x8192xi32, #tpu.memory_space<hbm>> -> memref<8192xi32, #tpu.memory_space<hbm>>
    tpu.enqueue_dma source(%dma_start3A_13 : memref<8192xi32, #tpu.memory_space<hbm>>) target(%arg6 : memref<8192xi32, #tpu.memory_space<vmem>>) target_semaphore(%arg13 : memref<!tpu.dma_semaphore, #tpu.memory_space<semaphore_mem>>)
    %mul3A_14 = arith.constant 8192 : i32
    %mul3A_15 = arith.muli %add3A, %mul3A_14 : i32
    %dma_start3A_16 = arith.constant 1 : i32
    %dma_start3A_17 = tpu.memref_slice %arg3[%dma_start3A_16, %mul3A_15] : memref<2x262144xi32, #tpu.memory_space<hbm>> -> memref<1x8192xi32, #tpu.memory_space<hbm>>
    %dma_start3A_18 = tpu.memref_squeeze %dma_start3A_17 : memref<1x8192xi32, #tpu.memory_space<hbm>> -> memref<8192xi32, #tpu.memory_space<hbm>>
    %dma_start3A_19 = tpu.memref_slice %arg3[%dma_start3A_16, %mul3A_15] : memref<2x262144xi32, #tpu.memory_space<hbm>> -> memref<1x8192xi32, #tpu.memory_space<hbm>>
    %dma_start3A_20 = tpu.memref_squeeze %dma_start3A_19 : memref<1x8192xi32, #tpu.memory_space<hbm>> -> memref<8192xi32, #tpu.memory_space<hbm>>
    tpu.enqueue_dma source(%dma_start3A_20 : memref<8192xi32, #tpu.memory_space<hbm>>) target(%arg7 : memref<8192xi32, #tpu.memory_space<vmem>>) target_semaphore(%arg13 : memref<!tpu.dma_semaphore, #tpu.memory_space<semaphore_mem>>)
    "tpu.trace_stop"() : () -> ()
    "tpu.trace_start"() <{level = 10 : i32, message = "sc_zero"}> : () -> ()
    %scan3A = arith.constant 0 : i32
    %scan3A_21 = arith.constant 0 : i32
    %scan3A_22 = arith.constant 256 : i32
    %scan3A_23 = arith.addi %scan3A_21, %scan3A_22 : i32
    %scan3A_24 = arith.constant 1 : i32
    scf.for %scan3A_317 = %scan3A_21 to %scan3A_23 step %scan3A_24  : i32 {
      %broadcast_in_dim3A_318 = arith.constant 0.000000e+00 : f32
      %broadcast_in_dim3A_319 = vector.broadcast %broadcast_in_dim3A_318 : f32 to vector<16xf32>
      %mul3A_320 = arith.constant 16 : i32
      %mul3A_321 = arith.muli %scan3A_317, %mul3A_320 : i32
      %swap3A = arith.index_cast %mul3A_321 : i32 to index
      %swap3A_322 = tpu.vector_load %arg9[%swap3A] {strides = array<i32>} : memref<4096xf32, #tpu.memory_space<vmem>>, vector<16xf32>,
      tpu.vector_store %arg9[%swap3A], %broadcast_in_dim3A_319 {strides = array<i32>} : memref<4096xf32, #tpu.memory_space<vmem>>, vector<16xf32>,
    }
    %scan3A_25 = arith.constant 256 : i32
    %dma_wait3A = arith.constant 0 : i32
    %dma_wait3A_26 = arith.constant 0 : i32
    %dma_wait3A_27 = tpu.memref_slice %arg2[%dma_wait3A, %dma_wait3A_26] : memref<1x4096xf32, #tpu.memory_space<hbm>> -> memref<1x4096xf32, #tpu.memory_space<hbm>>
    %dma_wait3A_28 = tpu.memref_squeeze %dma_wait3A_27 : memref<1x4096xf32, #tpu.memory_space<hbm>> -> memref<4096xf32, #tpu.memory_space<hbm>>
    %dma_wait3A_29 = arith.constant 0 : i32
    %dma_wait3A_30 = tpu.memref_slice %arg2[%dma_wait3A, %dma_wait3A_29] : memref<1x4096xf32, #tpu.memory_space<hbm>> -> memref<1x4096xf32, #tpu.memory_space<hbm>>
    %dma_wait3A_31 = tpu.memref_squeeze %dma_wait3A_30 : memref<1x4096xf32, #tpu.memory_space<hbm>> -> memref<4096xf32, #tpu.memory_space<hbm>>
    tpu.wait_dma2 semaphore(%arg13 : memref<!tpu.dma_semaphore, #tpu.memory_space<semaphore_mem>>) src(%dma_wait3A_31 : memref<4096xf32, #tpu.memory_space<hbm>>) dst(%arg5 : memref<4096xf32, #tpu.memory_space<vmem>>)
    %dma_wait3A_32 = arith.constant 0 : i32
    %dma_wait3A_33 = tpu.memref_slice %arg3[%dma_wait3A_32, %mul3A_8] : memref<2x262144xi32, #tpu.memory_space<hbm>> -> memref<1x8192xi32, #tpu.memory_space<hbm>>
    %dma_wait3A_34 = tpu.memref_squeeze %dma_wait3A_33 : memref<1x8192xi32, #tpu.memory_space<hbm>> -> memref<8192xi32, #tpu.memory_space<hbm>>
    %dma_wait3A_35 = tpu.memref_slice %arg3[%dma_wait3A_32, %mul3A_8] : memref<2x262144xi32, #tpu.memory_space<hbm>> -> memref<1x8192xi32, #tpu.memory_space<hbm>>
    %dma_wait3A_36 = tpu.memref_squeeze %dma_wait3A_35 : memref<1x8192xi32, #tpu.memory_space<hbm>> -> memref<8192xi32, #tpu.memory_space<hbm>>
    tpu.wait_dma2 semaphore(%arg13 : memref<!tpu.dma_semaphore, #tpu.memory_space<semaphore_mem>>) src(%dma_wait3A_36 : memref<8192xi32, #tpu.memory_space<hbm>>) dst(%arg6 : memref<8192xi32, #tpu.memory_space<vmem>>)
    %dma_wait3A_37 = arith.constant 1 : i32
    %dma_wait3A_38 = tpu.memref_slice %arg3[%dma_wait3A_37, %mul3A_15] : memref<2x262144xi32, #tpu.memory_space<hbm>> -> memref<1x8192xi32, #tpu.memory_space<hbm>>
    %dma_wait3A_39 = tpu.memref_squeeze %dma_wait3A_38 : memref<1x8192xi32, #tpu.memory_space<hbm>> -> memref<8192xi32, #tpu.memory_space<hbm>>
    %dma_wait3A_40 = tpu.memref_slice %arg3[%dma_wait3A_37, %mul3A_15] : memref<2x262144xi32, #tpu.memory_space<hbm>> -> memref<1x8192xi32, #tpu.memory_space<hbm>>
    %dma_wait3A_41 = tpu.memref_squeeze %dma_wait3A_40 : memref<1x8192xi32, #tpu.memory_space<hbm>> -> memref<8192xi32, #tpu.memory_space<hbm>>
    tpu.wait_dma2 semaphore(%arg13 : memref<!tpu.dma_semaphore, #tpu.memory_space<semaphore_mem>>) src(%dma_wait3A_41 : memref<8192xi32, #tpu.memory_space<hbm>>) dst(%arg7 : memref<8192xi32, #tpu.memory_space<vmem>>)
    %broadcast_in_dim3A = arith.constant 1.000000e+00 : f32
    "tpu.trace_stop"() : () -> ()
    %broadcast_in_dim3A_42 = vector.broadcast %broadcast_in_dim3A : f32 to vector<16xf32>
    %parallel_loop3A = arith.constant 0 : i32
    %parallel_loop3A_43 = arith.constant 512 : i32
    %parallel_loop3A_44 = arith.constant 1 : i32
    "tpu.trace_start"() <{level = 10 : i32, message = "sc_gather"}> : () -> ()
    scf.for %parallel_loop3A_317 = %parallel_loop3A to %parallel_loop3A_43 step %parallel_loop3A_44  : i32 {
      %parallel_loop3A_318 = arith.constant 16 : i32
      %parallel_loop3A_319 = arith.muli %parallel_loop3A_317, %parallel_loop3A_318 : i32
      %parallel_loop3A_320 = arith.index_cast %parallel_loop3A_319 : i32 to index
      %parallel_loop3A_321 = tpu.vector_load %arg6[%parallel_loop3A_320] {strides = array<i32>} : memref<8192xi32, #tpu.memory_space<vmem>>, vector<16xi32>,
      %parallel_loop3A_322 = tpu.vector_load_idx %arg5[%parallel_loop3A_321] : memref<4096xf32, #tpu.memory_space<vmem>>[vector<16xi32>], vector<16xf32>,
      %parallel_loop3A_323 = arith.constant 16 : i32
      %parallel_loop3A_324 = arith.muli %parallel_loop3A_317, %parallel_loop3A_323 : i32
      %parallel_loop3A_325 = arith.index_cast %parallel_loop3A_324 : i32 to index
      %parallel_loop3A_326 = tpu.vector_load %arg8[%parallel_loop3A_325] {strides = array<i32>} : memref<8192xf32, #tpu.memory_space<vmem>>, vector<16xf32>,
      tpu.vector_store %arg8[%parallel_loop3A_325], %parallel_loop3A_322 {strides = array<i32>} : memref<8192xf32, #tpu.memory_space<vmem>>, vector<16xf32>,
    } {sc.loop_unroll_factor = 4 : i64, sc.parallel_access}
    "tpu.trace_stop"() : () -> ()
    "tpu.trace_start"() <{level = 10 : i32, message = "sc_scatter"}> : () -> ()
    %scan3A_45 = arith.constant 0 : i32
    %scan3A_46 = arith.constant 0 : i32
    %scan3A_47 = arith.constant 64 : i32
    %scan3A_48 = arith.addi %scan3A_46, %scan3A_47 : i32
    %scan3A_49 = arith.constant 1 : i32
    scf.for %scan3A_317 = %scan3A_46 to %scan3A_48 step %scan3A_49  : i32 {
      %mul3A_318 = arith.constant 128 : i32
      %mul3A_319 = arith.muli %scan3A_317, %mul3A_318 : i32
      %add3A_320 = arith.constant 0 : i32
      %add3A_321 = arith.addi %mul3A_319, %add3A_320 : i32
      %get3A = arith.index_cast %add3A_321 : i32 to index
      %get3A_322 = tpu.vector_load %arg7[%get3A] {strides = array<i32>} : memref<8192xi32, #tpu.memory_space<vmem>>, vector<16xi32>,
      %get3A_323 = arith.index_cast %add3A_321 : i32 to index
      %get3A_324 = tpu.vector_load %arg8[%get3A_323] {strides = array<i32>} : memref<8192xf32, #tpu.memory_space<vmem>>, vector<16xf32>,
      tpu.vector_store_idx %arg9[%get3A_322], %get3A_324 {add = true} : memref<4096xf32, #tpu.memory_space<vmem>>[vector<16xi32>], vector<16xf32>,
      %mul3A_325 = arith.constant 128 : i32
      %mul3A_326 = arith.muli %scan3A_317, %mul3A_325 : i32
      %add3A_327 = arith.constant 16 : i32
      %add3A_328 = arith.addi %mul3A_326, %add3A_327 : i32
      %get3A_329 = arith.index_cast %add3A_328 : i32 to index
      %get3A_330 = tpu.vector_load %arg7[%get3A_329] {strides = array<i32>} : memref<8192xi32, #tpu.memory_space<vmem>>, vector<16xi32>,
      %get3A_331 = arith.index_cast %add3A_328 : i32 to index
      %get3A_332 = tpu.vector_load %arg8[%get3A_331] {strides = array<i32>} : memref<8192xf32, #tpu.memory_space<vmem>>, vector<16xf32>,
      tpu.vector_store_idx %arg9[%get3A_330], %get3A_332 {add = true} : memref<4096xf32, #tpu.memory_space<vmem>>[vector<16xi32>], vector<16xf32>,
      %mul3A_333 = arith.constant 128 : i32
      %mul3A_334 = arith.muli %scan3A_317, %mul3A_333 : i32
      %add3A_335 = arith.constant 32 : i32
      %add3A_336 = arith.addi %mul3A_334, %add3A_335 : i32
      %get3A_337 = arith.index_cast %add3A_336 : i32 to index
      %get3A_338 = tpu.vector_load %arg7[%get3A_337] {strides = array<i32>} : memref<8192xi32, #tpu.memory_space<vmem>>, vector<16xi32>,
      %get3A_339 = arith.index_cast %add3A_336 : i32 to index
      %get3A_340 = tpu.vector_load %arg8[%get3A_339] {strides = array<i32>} : memref<8192xf32, #tpu.memory_space<vmem>>, vector<16xf32>,
      tpu.vector_store_idx %arg9[%get3A_338], %get3A_340 {add = true} : memref<4096xf32, #tpu.memory_space<vmem>>[vector<16xi32>], vector<16xf32>,
      %mul3A_341 = arith.constant 128 : i32
      %mul3A_342 = arith.muli %scan3A_317, %mul3A_341 : i32
      %add3A_343 = arith.constant 48 : i32
      %add3A_344 = arith.addi %mul3A_342, %add3A_343 : i32
      %get3A_345 = arith.index_cast %add3A_344 : i32 to index
      %get3A_346 = tpu.vector_load %arg7[%get3A_345] {strides = array<i32>} : memref<8192xi32, #tpu.memory_space<vmem>>, vector<16xi32>,
      %get3A_347 = arith.index_cast %add3A_344 : i32 to index
      %get3A_348 = tpu.vector_load %arg8[%get3A_347] {strides = array<i32>} : memref<8192xf32, #tpu.memory_space<vmem>>, vector<16xf32>,
      tpu.vector_store_idx %arg9[%get3A_346], %get3A_348 {add = true} : memref<4096xf32, #tpu.memory_space<vmem>>[vector<16xi32>], vector<16xf32>,
      %mul3A_349 = arith.constant 128 : i32
      %mul3A_350 = arith.muli %scan3A_317, %mul3A_349 : i32
      %add3A_351 = arith.constant 64 : i32
      %add3A_352 = arith.addi %mul3A_350, %add3A_351 : i32
      %get3A_353 = arith.index_cast %add3A_352 : i32 to index
      %get3A_354 = tpu.vector_load %arg7[%get3A_353] {strides = array<i32>} : memref<8192xi32, #tpu.memory_space<vmem>>, vector<16xi32>,
      %get3A_355 = arith.index_cast %add3A_352 : i32 to index
      %get3A_356 = tpu.vector_load %arg8[%get3A_355] {strides = array<i32>} : memref<8192xf32, #tpu.memory_space<vmem>>, vector<16xf32>,
      tpu.vector_store_idx %arg9[%get3A_354], %get3A_356 {add = true} : memref<4096xf32, #tpu.memory_space<vmem>>[vector<16xi32>], vector<16xf32>,
      %mul3A_357 = arith.constant 128 : i32
      %mul3A_358 = arith.muli %scan3A_317, %mul3A_357 : i32
      %add3A_359 = arith.constant 80 : i32
      %add3A_360 = arith.addi %mul3A_358, %add3A_359 : i32
      %get3A_361 = arith.index_cast %add3A_360 : i32 to index
      %get3A_362 = tpu.vector_load %arg7[%get3A_361] {strides = array<i32>} : memref<8192xi32, #tpu.memory_space<vmem>>, vector<16xi32>,
      %get3A_363 = arith.index_cast %add3A_360 : i32 to index
      %get3A_364 = tpu.vector_load %arg8[%get3A_363] {strides = array<i32>} : memref<8192xf32, #tpu.memory_space<vmem>>, vector<16xf32>,
      tpu.vector_store_idx %arg9[%get3A_362], %get3A_364 {add = true} : memref<4096xf32, #tpu.memory_space<vmem>>[vector<16xi32>], vector<16xf32>,
      %mul3A_365 = arith.constant 128 : i32
      %mul3A_366 = arith.muli %scan3A_317, %mul3A_365 : i32
      %add3A_367 = arith.constant 96 : i32
      %add3A_368 = arith.addi %mul3A_366, %add3A_367 : i32
      %get3A_369 = arith.index_cast %add3A_368 : i32 to index
      %get3A_370 = tpu.vector_load %arg7[%get3A_369] {strides = array<i32>} : memref<8192xi32, #tpu.memory_space<vmem>>, vector<16xi32>,
      %get3A_371 = arith.index_cast %add3A_368 : i32 to index
      %get3A_372 = tpu.vector_load %arg8[%get3A_371] {strides = array<i32>} : memref<8192xf32, #tpu.memory_space<vmem>>, vector<16xf32>,
      tpu.vector_store_idx %arg9[%get3A_370], %get3A_372 {add = true} : memref<4096xf32, #tpu.memory_space<vmem>>[vector<16xi32>], vector<16xf32>,
      %mul3A_373 = arith.constant 128 : i32
      %mul3A_374 = arith.muli %scan3A_317, %mul3A_373 : i32
      %add3A_375 = arith.constant 112 : i32
      %add3A_376 = arith.addi %mul3A_374, %add3A_375 : i32
      %get3A_377 = arith.index_cast %add3A_376 : i32 to index
      %get3A_378 = tpu.vector_load %arg7[%get3A_377] {strides = array<i32>} : memref<8192xi32, #tpu.memory_space<vmem>>, vector<16xi32>,
      %get3A_379 = arith.index_cast %add3A_376 : i32 to index
      %get3A_380 = tpu.vector_load %arg8[%get3A_379] {strides = array<i32>} : memref<8192xf32, #tpu.memory_space<vmem>>, vector<16xf32>,
      tpu.vector_store_idx %arg9[%get3A_378], %get3A_380 {add = true} : memref<4096xf32, #tpu.memory_space<vmem>>[vector<16xi32>], vector<16xf32>,
    }
    %scan3A_50 = arith.constant 64 : i32
    "tpu.trace_stop"() : () -> ()
    "tpu.trace_start"() <{level = 10 : i32, message = "sc_publish"}> : () -> ()
    %mul3A_51 = arith.constant 4096 : i32
    %mul3A_52 = arith.muli %arg1, %mul3A_51 : i32
    "tpu.region"() ({
      %run_scoped3A = tpu.sem_alloc : memref<!tpu.dma_semaphore, #tpu.memory_space<semaphore_mem>>
      %dma_start3A_317 = tpu.memref_slice %arg12[%mul3A_52] : memref<65536xf32, #tpu.memory_space<vmem_shared>> -> memref<4096xf32, #tpu.memory_space<vmem_shared>>
      %dma_start3A_318 = tpu.memref_slice %arg12[%mul3A_52] : memref<65536xf32, #tpu.memory_space<vmem_shared>> -> memref<4096xf32, #tpu.memory_space<vmem_shared>>
      tpu.enqueue_dma source(%arg9 : memref<4096xf32, #tpu.memory_space<vmem>>) target(%dma_start3A_318 : memref<4096xf32, #tpu.memory_space<vmem_shared>>) target_semaphore(%run_scoped3A : memref<!tpu.dma_semaphore, #tpu.memory_space<semaphore_mem>>)
      %dma_wait3A_319 = tpu.memref_slice %arg12[%mul3A_52] : memref<65536xf32, #tpu.memory_space<vmem_shared>> -> memref<4096xf32, #tpu.memory_space<vmem_shared>>
      %dma_wait3A_320 = tpu.memref_slice %arg12[%mul3A_52] : memref<65536xf32, #tpu.memory_space<vmem_shared>> -> memref<4096xf32, #tpu.memory_space<vmem_shared>>
      tpu.wait_dma2 semaphore(%run_scoped3A : memref<!tpu.dma_semaphore, #tpu.memory_space<semaphore_mem>>) src(%arg9 : memref<4096xf32, #tpu.memory_space<vmem>>) dst(%dma_wait3A_320 : memref<4096xf32, #tpu.memory_space<vmem_shared>>)
      tpu.yield
    }) : () -> ()
    %barrier3A = arith.constant 0 : index
    tpu.barrier barrier_id(%barrier3A)
    "tpu.trace_stop"() : () -> ()
    "tpu.trace_start"() <{level = 10 : i32, message = "sc_reduce"}> : () -> ()
    %mul3A_53 = arith.constant 256 : i32
    %mul3A_54 = arith.muli %arg1, %mul3A_53 : i32
    %add3A_55 = arith.constant 0 : i32
    %add3A_56 = arith.addi %add3A_55, %mul3A_54 : i32
    %dma_start3A_57 = arith.constant 0 : i32
    %dma_start3A_58 = tpu.memref_slice %arg10[%dma_start3A_57] : memref<4096xf32, #tpu.memory_space<vmem>> -> memref<256xf32, #tpu.memory_space<vmem>>
    %dma_start3A_59 = tpu.memref_slice %arg12[%add3A_56] : memref<65536xf32, #tpu.memory_space<vmem_shared>> -> memref<256xf32, #tpu.memory_space<vmem_shared>>
    %dma_start3A_60 = arith.constant 0 : i32
    %dma_start3A_61 = tpu.memref_slice %arg10[%dma_start3A_60] : memref<4096xf32, #tpu.memory_space<vmem>> -> memref<256xf32, #tpu.memory_space<vmem>>
    %dma_start3A_62 = tpu.memref_slice %arg12[%add3A_56] : memref<65536xf32, #tpu.memory_space<vmem_shared>> -> memref<256xf32, #tpu.memory_space<vmem_shared>>
    tpu.enqueue_dma source(%dma_start3A_62 : memref<256xf32, #tpu.memory_space<vmem_shared>>) target(%dma_start3A_61 : memref<256xf32, #tpu.memory_space<vmem>>) target_semaphore(%arg13 : memref<!tpu.dma_semaphore, #tpu.memory_space<semaphore_mem>>)
    %mul3A_63 = arith.constant 256 : i32
    %mul3A_64 = arith.muli %arg1, %mul3A_63 : i32
    %add3A_65 = arith.constant 4096 : i32
    %add3A_66 = arith.addi %add3A_65, %mul3A_64 : i32
    %dma_start3A_67 = arith.constant 256 : i32
    %dma_start3A_68 = tpu.memref_slice %arg10[%dma_start3A_67] : memref<4096xf32, #tpu.memory_space<vmem>> -> memref<256xf32, #tpu.memory_space<vmem>>
    %dma_start3A_69 = tpu.memref_slice %arg12[%add3A_66] : memref<65536xf32, #tpu.memory_space<vmem_shared>> -> memref<256xf32, #tpu.memory_space<vmem_shared>>
    %dma_start3A_70 = arith.constant 256 : i32
    %dma_start3A_71 = tpu.memref_slice %arg10[%dma_start3A_70] : memref<4096xf32, #tpu.memory_space<vmem>> -> memref<256xf32, #tpu.memory_space<vmem>>
    %dma_start3A_72 = tpu.memref_slice %arg12[%add3A_66] : memref<65536xf32, #tpu.memory_space<vmem_shared>> -> memref<256xf32, #tpu.memory_space<vmem_shared>>
    tpu.enqueue_dma source(%dma_start3A_72 : memref<256xf32, #tpu.memory_space<vmem_shared>>) target(%dma_start3A_71 : memref<256xf32, #tpu.memory_space<vmem>>) target_semaphore(%arg13 : memref<!tpu.dma_semaphore, #tpu.memory_space<semaphore_mem>>)
    %mul3A_73 = arith.constant 256 : i32
    %mul3A_74 = arith.muli %arg1, %mul3A_73 : i32
    %add3A_75 = arith.constant 8192 : i32
    %add3A_76 = arith.addi %add3A_75, %mul3A_74 : i32
    %dma_start3A_77 = arith.constant 512 : i32
    %dma_start3A_78 = tpu.memref_slice %arg10[%dma_start3A_77] : memref<4096xf32, #tpu.memory_space<vmem>> -> memref<256xf32, #tpu.memory_space<vmem>>
    %dma_start3A_79 = tpu.memref_slice %arg12[%add3A_76] : memref<65536xf32, #tpu.memory_space<vmem_shared>> -> memref<256xf32, #tpu.memory_space<vmem_shared>>
    %dma_start3A_80 = arith.constant 512 : i32
    %dma_start3A_81 = tpu.memref_slice %arg10[%dma_start3A_80] : memref<4096xf32, #tpu.memory_space<vmem>> -> memref<256xf32, #tpu.memory_space<vmem>>
    %dma_start3A_82 = tpu.memref_slice %arg12[%add3A_76] : memref<65536xf32, #tpu.memory_space<vmem_shared>> -> memref<256xf32, #tpu.memory_space<vmem_shared>>
    tpu.enqueue_dma source(%dma_start3A_82 : memref<256xf32, #tpu.memory_space<vmem_shared>>) target(%dma_start3A_81 : memref<256xf32, #tpu.memory_space<vmem>>) target_semaphore(%arg13 : memref<!tpu.dma_semaphore, #tpu.memory_space<semaphore_mem>>)
    %mul3A_83 = arith.constant 256 : i32
    %mul3A_84 = arith.muli %arg1, %mul3A_83 : i32
    %add3A_85 = arith.constant 12288 : i32
    %add3A_86 = arith.addi %add3A_85, %mul3A_84 : i32
    %dma_start3A_87 = arith.constant 768 : i32
    %dma_start3A_88 = tpu.memref_slice %arg10[%dma_start3A_87] : memref<4096xf32, #tpu.memory_space<vmem>> -> memref<256xf32, #tpu.memory_space<vmem>>
    %dma_start3A_89 = tpu.memref_slice %arg12[%add3A_86] : memref<65536xf32, #tpu.memory_space<vmem_shared>> -> memref<256xf32, #tpu.memory_space<vmem_shared>>
    %dma_start3A_90 = arith.constant 768 : i32
    %dma_start3A_91 = tpu.memref_slice %arg10[%dma_start3A_90] : memref<4096xf32, #tpu.memory_space<vmem>> -> memref<256xf32, #tpu.memory_space<vmem>>
    %dma_start3A_92 = tpu.memref_slice %arg12[%add3A_86] : memref<65536xf32, #tpu.memory_space<vmem_shared>> -> memref<256xf32, #tpu.memory_space<vmem_shared>>
    tpu.enqueue_dma source(%dma_start3A_92 : memref<256xf32, #tpu.memory_space<vmem_shared>>) target(%dma_start3A_91 : memref<256xf32, #tpu.memory_space<vmem>>) target_semaphore(%arg13 : memref<!tpu.dma_semaphore, #tpu.memory_space<semaphore_mem>>)
    %mul3A_93 = arith.constant 256 : i32
    %mul3A_94 = arith.muli %arg1, %mul3A_93 : i32
    %add3A_95 = arith.constant 16384 : i32
    %add3A_96 = arith.addi %add3A_95, %mul3A_94 : i32
    %dma_start3A_97 = arith.constant 1024 : i32
    %dma_start3A_98 = tpu.memref_slice %arg10[%dma_start3A_97] : memref<4096xf32, #tpu.memory_space<vmem>> -> memref<256xf32, #tpu.memory_space<vmem>>
    %dma_start3A_99 = tpu.memref_slice %arg12[%add3A_96] : memref<65536xf32, #tpu.memory_space<vmem_shared>> -> memref<256xf32, #tpu.memory_space<vmem_shared>>
    %dma_start3A_100 = arith.constant 1024 : i32
    %dma_start3A_101 = tpu.memref_slice %arg10[%dma_start3A_100] : memref<4096xf32, #tpu.memory_space<vmem>> -> memref<256xf32, #tpu.memory_space<vmem>>
    %dma_start3A_102 = tpu.memref_slice %arg12[%add3A_96] : memref<65536xf32, #tpu.memory_space<vmem_shared>> -> memref<256xf32, #tpu.memory_space<vmem_shared>>
    tpu.enqueue_dma source(%dma_start3A_102 : memref<256xf32, #tpu.memory_space<vmem_shared>>) target(%dma_start3A_101 : memref<256xf32, #tpu.memory_space<vmem>>) target_semaphore(%arg13 : memref<!tpu.dma_semaphore, #tpu.memory_space<semaphore_mem>>)
    %mul3A_103 = arith.constant 256 : i32
    %mul3A_104 = arith.muli %arg1, %mul3A_103 : i32
    %add3A_105 = arith.constant 20480 : i32
    %add3A_106 = arith.addi %add3A_105, %mul3A_104 : i32
    %dma_start3A_107 = arith.constant 1280 : i32
    %dma_start3A_108 = tpu.memref_slice %arg10[%dma_start3A_107] : memref<4096xf32, #tpu.memory_space<vmem>> -> memref<256xf32, #tpu.memory_space<vmem>>
    %dma_start3A_109 = tpu.memref_slice %arg12[%add3A_106] : memref<65536xf32, #tpu.memory_space<vmem_shared>> -> memref<256xf32, #tpu.memory_space<vmem_shared>>
    %dma_start3A_110 = arith.constant 1280 : i32
    %dma_start3A_111 = tpu.memref_slice %arg10[%dma_start3A_110] : memref<4096xf32, #tpu.memory_space<vmem>> -> memref<256xf32, #tpu.memory_space<vmem>>
    %dma_start3A_112 = tpu.memref_slice %arg12[%add3A_106] : memref<65536xf32, #tpu.memory_space<vmem_shared>> -> memref<256xf32, #tpu.memory_space<vmem_shared>>
    tpu.enqueue_dma source(%dma_start3A_112 : memref<256xf32, #tpu.memory_space<vmem_shared>>) target(%dma_start3A_111 : memref<256xf32, #tpu.memory_space<vmem>>) target_semaphore(%arg13 : memref<!tpu.dma_semaphore, #tpu.memory_space<semaphore_mem>>)
    %mul3A_113 = arith.constant 256 : i32
    %mul3A_114 = arith.muli %arg1, %mul3A_113 : i32
    %add3A_115 = arith.constant 24576 : i32
    %add3A_116 = arith.addi %add3A_115, %mul3A_114 : i32
    %dma_start3A_117 = arith.constant 1536 : i32
    %dma_start3A_118 = tpu.memref_slice %arg10[%dma_start3A_117] : memref<4096xf32, #tpu.memory_space<vmem>> -> memref<256xf32, #tpu.memory_space<vmem>>
    %dma_start3A_119 = tpu.memref_slice %arg12[%add3A_116] : memref<65536xf32, #tpu.memory_space<vmem_shared>> -> memref<256xf32, #tpu.memory_space<vmem_shared>>
    %dma_start3A_120 = arith.constant 1536 : i32
    %dma_start3A_121 = tpu.memref_slice %arg10[%dma_start3A_120] : memref<4096xf32, #tpu.memory_space<vmem>> -> memref<256xf32, #tpu.memory_space<vmem>>
    %dma_start3A_122 = tpu.memref_slice %arg12[%add3A_116] : memref<65536xf32, #tpu.memory_space<vmem_shared>> -> memref<256xf32, #tpu.memory_space<vmem_shared>>
    tpu.enqueue_dma source(%dma_start3A_122 : memref<256xf32, #tpu.memory_space<vmem_shared>>) target(%dma_start3A_121 : memref<256xf32, #tpu.memory_space<vmem>>) target_semaphore(%arg13 : memref<!tpu.dma_semaphore, #tpu.memory_space<semaphore_mem>>)
    %mul3A_123 = arith.constant 256 : i32
    %mul3A_124 = arith.muli %arg1, %mul3A_123 : i32
    %add3A_125 = arith.constant 28672 : i32
    %add3A_126 = arith.addi %add3A_125, %mul3A_124 : i32
    %dma_start3A_127 = arith.constant 1792 : i32
    %dma_start3A_128 = tpu.memref_slice %arg10[%dma_start3A_127] : memref<4096xf32, #tpu.memory_space<vmem>> -> memref<256xf32, #tpu.memory_space<vmem>>
    %dma_start3A_129 = tpu.memref_slice %arg12[%add3A_126] : memref<65536xf32, #tpu.memory_space<vmem_shared>> -> memref<256xf32, #tpu.memory_space<vmem_shared>>
    %dma_start3A_130 = arith.constant 1792 : i32
    %dma_start3A_131 = tpu.memref_slice %arg10[%dma_start3A_130] : memref<4096xf32, #tpu.memory_space<vmem>> -> memref<256xf32, #tpu.memory_space<vmem>>
    %dma_start3A_132 = tpu.memref_slice %arg12[%add3A_126] : memref<65536xf32, #tpu.memory_space<vmem_shared>> -> memref<256xf32, #tpu.memory_space<vmem_shared>>
    tpu.enqueue_dma source(%dma_start3A_132 : memref<256xf32, #tpu.memory_space<vmem_shared>>) target(%dma_start3A_131 : memref<256xf32, #tpu.memory_space<vmem>>) target_semaphore(%arg13 : memref<!tpu.dma_semaphore, #tpu.memory_space<semaphore_mem>>)
    %mul3A_133 = arith.constant 256 : i32
    %mul3A_134 = arith.muli %arg1, %mul3A_133 : i32
    %add3A_135 = arith.constant 32768 : i32
    %add3A_136 = arith.addi %add3A_135, %mul3A_134 : i32
    %dma_start3A_137 = arith.constant 2048 : i32
    %dma_start3A_138 = tpu.memref_slice %arg10[%dma_start3A_137] : memref<4096xf32, #tpu.memory_space<vmem>> -> memref<256xf32, #tpu.memory_space<vmem>>
    %dma_start3A_139 = tpu.memref_slice %arg12[%add3A_136] : memref<65536xf32, #tpu.memory_space<vmem_shared>> -> memref<256xf32, #tpu.memory_space<vmem_shared>>
    %dma_start3A_140 = arith.constant 2048 : i32
    %dma_start3A_141 = tpu.memref_slice %arg10[%dma_start3A_140] : memref<4096xf32, #tpu.memory_space<vmem>> -> memref<256xf32, #tpu.memory_space<vmem>>
    %dma_start3A_142 = tpu.memref_slice %arg12[%add3A_136] : memref<65536xf32, #tpu.memory_space<vmem_shared>> -> memref<256xf32, #tpu.memory_space<vmem_shared>>
    tpu.enqueue_dma source(%dma_start3A_142 : memref<256xf32, #tpu.memory_space<vmem_shared>>) target(%dma_start3A_141 : memref<256xf32, #tpu.memory_space<vmem>>) target_semaphore(%arg13 : memref<!tpu.dma_semaphore, #tpu.memory_space<semaphore_mem>>)
    %mul3A_143 = arith.constant 256 : i32
    %mul3A_144 = arith.muli %arg1, %mul3A_143 : i32
    %add3A_145 = arith.constant 36864 : i32
    %add3A_146 = arith.addi %add3A_145, %mul3A_144 : i32
    %dma_start3A_147 = arith.constant 2304 : i32
    %dma_start3A_148 = tpu.memref_slice %arg10[%dma_start3A_147] : memref<4096xf32, #tpu.memory_space<vmem>> -> memref<256xf32, #tpu.memory_space<vmem>>
    %dma_start3A_149 = tpu.memref_slice %arg12[%add3A_146] : memref<65536xf32, #tpu.memory_space<vmem_shared>> -> memref<256xf32, #tpu.memory_space<vmem_shared>>
    %dma_start3A_150 = arith.constant 2304 : i32
    %dma_start3A_151 = tpu.memref_slice %arg10[%dma_start3A_150] : memref<4096xf32, #tpu.memory_space<vmem>> -> memref<256xf32, #tpu.memory_space<vmem>>
    %dma_start3A_152 = tpu.memref_slice %arg12[%add3A_146] : memref<65536xf32, #tpu.memory_space<vmem_shared>> -> memref<256xf32, #tpu.memory_space<vmem_shared>>
    tpu.enqueue_dma source(%dma_start3A_152 : memref<256xf32, #tpu.memory_space<vmem_shared>>) target(%dma_start3A_151 : memref<256xf32, #tpu.memory_space<vmem>>) target_semaphore(%arg13 : memref<!tpu.dma_semaphore, #tpu.memory_space<semaphore_mem>>)
    %mul3A_153 = arith.constant 256 : i32
    %mul3A_154 = arith.muli %arg1, %mul3A_153 : i32
    %add3A_155 = arith.constant 40960 : i32
    %add3A_156 = arith.addi %add3A_155, %mul3A_154 : i32
    %dma_start3A_157 = arith.constant 2560 : i32
    %dma_start3A_158 = tpu.memref_slice %arg10[%dma_start3A_157] : memref<4096xf32, #tpu.memory_space<vmem>> -> memref<256xf32, #tpu.memory_space<vmem>>
    %dma_start3A_159 = tpu.memref_slice %arg12[%add3A_156] : memref<65536xf32, #tpu.memory_space<vmem_shared>> -> memref<256xf32, #tpu.memory_space<vmem_shared>>
    %dma_start3A_160 = arith.constant 2560 : i32
    %dma_start3A_161 = tpu.memref_slice %arg10[%dma_start3A_160] : memref<4096xf32, #tpu.memory_space<vmem>> -> memref<256xf32, #tpu.memory_space<vmem>>
    %dma_start3A_162 = tpu.memref_slice %arg12[%add3A_156] : memref<65536xf32, #tpu.memory_space<vmem_shared>> -> memref<256xf32, #tpu.memory_space<vmem_shared>>
    tpu.enqueue_dma source(%dma_start3A_162 : memref<256xf32, #tpu.memory_space<vmem_shared>>) target(%dma_start3A_161 : memref<256xf32, #tpu.memory_space<vmem>>) target_semaphore(%arg13 : memref<!tpu.dma_semaphore, #tpu.memory_space<semaphore_mem>>)
    %mul3A_163 = arith.constant 256 : i32
    %mul3A_164 = arith.muli %arg1, %mul3A_163 : i32
    %add3A_165 = arith.constant 45056 : i32
    %add3A_166 = arith.addi %add3A_165, %mul3A_164 : i32
    %dma_start3A_167 = arith.constant 2816 : i32
    %dma_start3A_168 = tpu.memref_slice %arg10[%dma_start3A_167] : memref<4096xf32, #tpu.memory_space<vmem>> -> memref<256xf32, #tpu.memory_space<vmem>>
    %dma_start3A_169 = tpu.memref_slice %arg12[%add3A_166] : memref<65536xf32, #tpu.memory_space<vmem_shared>> -> memref<256xf32, #tpu.memory_space<vmem_shared>>
    %dma_start3A_170 = arith.constant 2816 : i32
    %dma_start3A_171 = tpu.memref_slice %arg10[%dma_start3A_170] : memref<4096xf32, #tpu.memory_space<vmem>> -> memref<256xf32, #tpu.memory_space<vmem>>
    %dma_start3A_172 = tpu.memref_slice %arg12[%add3A_166] : memref<65536xf32, #tpu.memory_space<vmem_shared>> -> memref<256xf32, #tpu.memory_space<vmem_shared>>
    tpu.enqueue_dma source(%dma_start3A_172 : memref<256xf32, #tpu.memory_space<vmem_shared>>) target(%dma_start3A_171 : memref<256xf32, #tpu.memory_space<vmem>>) target_semaphore(%arg13 : memref<!tpu.dma_semaphore, #tpu.memory_space<semaphore_mem>>)
    %mul3A_173 = arith.constant 256 : i32
    %mul3A_174 = arith.muli %arg1, %mul3A_173 : i32
    %add3A_175 = arith.constant 49152 : i32
    %add3A_176 = arith.addi %add3A_175, %mul3A_174 : i32
    %dma_start3A_177 = arith.constant 3072 : i32
    %dma_start3A_178 = tpu.memref_slice %arg10[%dma_start3A_177] : memref<4096xf32, #tpu.memory_space<vmem>> -> memref<256xf32, #tpu.memory_space<vmem>>
    %dma_start3A_179 = tpu.memref_slice %arg12[%add3A_176] : memref<65536xf32, #tpu.memory_space<vmem_shared>> -> memref<256xf32, #tpu.memory_space<vmem_shared>>
    %dma_start3A_180 = arith.constant 3072 : i32
    %dma_start3A_181 = tpu.memref_slice %arg10[%dma_start3A_180] : memref<4096xf32, #tpu.memory_space<vmem>> -> memref<256xf32, #tpu.memory_space<vmem>>
    %dma_start3A_182 = tpu.memref_slice %arg12[%add3A_176] : memref<65536xf32, #tpu.memory_space<vmem_shared>> -> memref<256xf32, #tpu.memory_space<vmem_shared>>
    tpu.enqueue_dma source(%dma_start3A_182 : memref<256xf32, #tpu.memory_space<vmem_shared>>) target(%dma_start3A_181 : memref<256xf32, #tpu.memory_space<vmem>>) target_semaphore(%arg13 : memref<!tpu.dma_semaphore, #tpu.memory_space<semaphore_mem>>)
    %mul3A_183 = arith.constant 256 : i32
    %mul3A_184 = arith.muli %arg1, %mul3A_183 : i32
    %add3A_185 = arith.constant 53248 : i32
    %add3A_186 = arith.addi %add3A_185, %mul3A_184 : i32
    %dma_start3A_187 = arith.constant 3328 : i32
    %dma_start3A_188 = tpu.memref_slice %arg10[%dma_start3A_187] : memref<4096xf32, #tpu.memory_space<vmem>> -> memref<256xf32, #tpu.memory_space<vmem>>
    %dma_start3A_189 = tpu.memref_slice %arg12[%add3A_186] : memref<65536xf32, #tpu.memory_space<vmem_shared>> -> memref<256xf32, #tpu.memory_space<vmem_shared>>
    %dma_start3A_190 = arith.constant 3328 : i32
    %dma_start3A_191 = tpu.memref_slice %arg10[%dma_start3A_190] : memref<4096xf32, #tpu.memory_space<vmem>> -> memref<256xf32, #tpu.memory_space<vmem>>
    %dma_start3A_192 = tpu.memref_slice %arg12[%add3A_186] : memref<65536xf32, #tpu.memory_space<vmem_shared>> -> memref<256xf32, #tpu.memory_space<vmem_shared>>
    tpu.enqueue_dma source(%dma_start3A_192 : memref<256xf32, #tpu.memory_space<vmem_shared>>) target(%dma_start3A_191 : memref<256xf32, #tpu.memory_space<vmem>>) target_semaphore(%arg13 : memref<!tpu.dma_semaphore, #tpu.memory_space<semaphore_mem>>)
    %mul3A_193 = arith.constant 256 : i32
    %mul3A_194 = arith.muli %arg1, %mul3A_193 : i32
    %add3A_195 = arith.constant 57344 : i32
    %add3A_196 = arith.addi %add3A_195, %mul3A_194 : i32
    %dma_start3A_197 = arith.constant 3584 : i32
    %dma_start3A_198 = tpu.memref_slice %arg10[%dma_start3A_197] : memref<4096xf32, #tpu.memory_space<vmem>> -> memref<256xf32, #tpu.memory_space<vmem>>
    %dma_start3A_199 = tpu.memref_slice %arg12[%add3A_196] : memref<65536xf32, #tpu.memory_space<vmem_shared>> -> memref<256xf32, #tpu.memory_space<vmem_shared>>
    %dma_start3A_200 = arith.constant 3584 : i32
    %dma_start3A_201 = tpu.memref_slice %arg10[%dma_start3A_200] : memref<4096xf32, #tpu.memory_space<vmem>> -> memref<256xf32, #tpu.memory_space<vmem>>
    %dma_start3A_202 = tpu.memref_slice %arg12[%add3A_196] : memref<65536xf32, #tpu.memory_space<vmem_shared>> -> memref<256xf32, #tpu.memory_space<vmem_shared>>
    tpu.enqueue_dma source(%dma_start3A_202 : memref<256xf32, #tpu.memory_space<vmem_shared>>) target(%dma_start3A_201 : memref<256xf32, #tpu.memory_space<vmem>>) target_semaphore(%arg13 : memref<!tpu.dma_semaphore, #tpu.memory_space<semaphore_mem>>)
    %mul3A_203 = arith.constant 256 : i32
    %mul3A_204 = arith.muli %arg1, %mul3A_203 : i32
    %add3A_205 = arith.constant 61440 : i32
    %add3A_206 = arith.addi %add3A_205, %mul3A_204 : i32
    %dma_start3A_207 = arith.constant 3840 : i32
    %dma_start3A_208 = tpu.memref_slice %arg10[%dma_start3A_207] : memref<4096xf32, #tpu.memory_space<vmem>> -> memref<256xf32, #tpu.memory_space<vmem>>
    %dma_start3A_209 = tpu.memref_slice %arg12[%add3A_206] : memref<65536xf32, #tpu.memory_space<vmem_shared>> -> memref<256xf32, #tpu.memory_space<vmem_shared>>
    %dma_start3A_210 = arith.constant 3840 : i32
    %dma_start3A_211 = tpu.memref_slice %arg10[%dma_start3A_210] : memref<4096xf32, #tpu.memory_space<vmem>> -> memref<256xf32, #tpu.memory_space<vmem>>
    %dma_start3A_212 = tpu.memref_slice %arg12[%add3A_206] : memref<65536xf32, #tpu.memory_space<vmem_shared>> -> memref<256xf32, #tpu.memory_space<vmem_shared>>
    tpu.enqueue_dma source(%dma_start3A_212 : memref<256xf32, #tpu.memory_space<vmem_shared>>) target(%dma_start3A_211 : memref<256xf32, #tpu.memory_space<vmem>>) target_semaphore(%arg13 : memref<!tpu.dma_semaphore, #tpu.memory_space<semaphore_mem>>)
    %dma_wait3A_213 = arith.constant 0 : i32
    %dma_wait3A_214 = tpu.memref_slice %arg10[%dma_wait3A_213] : memref<4096xf32, #tpu.memory_space<vmem>> -> memref<256xf32, #tpu.memory_space<vmem>>
    %dma_wait3A_215 = tpu.memref_slice %arg12[%add3A_56] : memref<65536xf32, #tpu.memory_space<vmem_shared>> -> memref<256xf32, #tpu.memory_space<vmem_shared>>
    %dma_wait3A_216 = arith.constant 0 : i32
    %dma_wait3A_217 = tpu.memref_slice %arg10[%dma_wait3A_216] : memref<4096xf32, #tpu.memory_space<vmem>> -> memref<256xf32, #tpu.memory_space<vmem>>
    %dma_wait3A_218 = tpu.memref_slice %arg12[%add3A_56] : memref<65536xf32, #tpu.memory_space<vmem_shared>> -> memref<256xf32, #tpu.memory_space<vmem_shared>>
    tpu.wait_dma2 semaphore(%arg13 : memref<!tpu.dma_semaphore, #tpu.memory_space<semaphore_mem>>) src(%dma_wait3A_218 : memref<256xf32, #tpu.memory_space<vmem_shared>>) dst(%dma_wait3A_217 : memref<256xf32, #tpu.memory_space<vmem>>)
    %dma_wait3A_219 = arith.constant 256 : i32
    %dma_wait3A_220 = tpu.memref_slice %arg10[%dma_wait3A_219] : memref<4096xf32, #tpu.memory_space<vmem>> -> memref<256xf32, #tpu.memory_space<vmem>>
    %dma_wait3A_221 = tpu.memref_slice %arg12[%add3A_66] : memref<65536xf32, #tpu.memory_space<vmem_shared>> -> memref<256xf32, #tpu.memory_space<vmem_shared>>
    %dma_wait3A_222 = arith.constant 256 : i32
    %dma_wait3A_223 = tpu.memref_slice %arg10[%dma_wait3A_222] : memref<4096xf32, #tpu.memory_space<vmem>> -> memref<256xf32, #tpu.memory_space<vmem>>
    %dma_wait3A_224 = tpu.memref_slice %arg12[%add3A_66] : memref<65536xf32, #tpu.memory_space<vmem_shared>> -> memref<256xf32, #tpu.memory_space<vmem_shared>>
    tpu.wait_dma2 semaphore(%arg13 : memref<!tpu.dma_semaphore, #tpu.memory_space<semaphore_mem>>) src(%dma_wait3A_224 : memref<256xf32, #tpu.memory_space<vmem_shared>>) dst(%dma_wait3A_223 : memref<256xf32, #tpu.memory_space<vmem>>)
    %dma_wait3A_225 = arith.constant 512 : i32
    %dma_wait3A_226 = tpu.memref_slice %arg10[%dma_wait3A_225] : memref<4096xf32, #tpu.memory_space<vmem>> -> memref<256xf32, #tpu.memory_space<vmem>>
    %dma_wait3A_227 = tpu.memref_slice %arg12[%add3A_76] : memref<65536xf32, #tpu.memory_space<vmem_shared>> -> memref<256xf32, #tpu.memory_space<vmem_shared>>
    %dma_wait3A_228 = arith.constant 512 : i32
    %dma_wait3A_229 = tpu.memref_slice %arg10[%dma_wait3A_228] : memref<4096xf32, #tpu.memory_space<vmem>> -> memref<256xf32, #tpu.memory_space<vmem>>
    %dma_wait3A_230 = tpu.memref_slice %arg12[%add3A_76] : memref<65536xf32, #tpu.memory_space<vmem_shared>> -> memref<256xf32, #tpu.memory_space<vmem_shared>>
    tpu.wait_dma2 semaphore(%arg13 : memref<!tpu.dma_semaphore, #tpu.memory_space<semaphore_mem>>) src(%dma_wait3A_230 : memref<256xf32, #tpu.memory_space<vmem_shared>>) dst(%dma_wait3A_229 : memref<256xf32, #tpu.memory_space<vmem>>)
    %dma_wait3A_231 = arith.constant 768 : i32
    %dma_wait3A_232 = tpu.memref_slice %arg10[%dma_wait3A_231] : memref<4096xf32, #tpu.memory_space<vmem>> -> memref<256xf32, #tpu.memory_space<vmem>>
    %dma_wait3A_233 = tpu.memref_slice %arg12[%add3A_86] : memref<65536xf32, #tpu.memory_space<vmem_shared>> -> memref<256xf32, #tpu.memory_space<vmem_shared>>
    %dma_wait3A_234 = arith.constant 768 : i32
    %dma_wait3A_235 = tpu.memref_slice %arg10[%dma_wait3A_234] : memref<4096xf32, #tpu.memory_space<vmem>> -> memref<256xf32, #tpu.memory_space<vmem>>
    %dma_wait3A_236 = tpu.memref_slice %arg12[%add3A_86] : memref<65536xf32, #tpu.memory_space<vmem_shared>> -> memref<256xf32, #tpu.memory_space<vmem_shared>>
    tpu.wait_dma2 semaphore(%arg13 : memref<!tpu.dma_semaphore, #tpu.memory_space<semaphore_mem>>) src(%dma_wait3A_236 : memref<256xf32, #tpu.memory_space<vmem_shared>>) dst(%dma_wait3A_235 : memref<256xf32, #tpu.memory_space<vmem>>)
    %dma_wait3A_237 = arith.constant 1024 : i32
    %dma_wait3A_238 = tpu.memref_slice %arg10[%dma_wait3A_237] : memref<4096xf32, #tpu.memory_space<vmem>> -> memref<256xf32, #tpu.memory_space<vmem>>
    %dma_wait3A_239 = tpu.memref_slice %arg12[%add3A_96] : memref<65536xf32, #tpu.memory_space<vmem_shared>> -> memref<256xf32, #tpu.memory_space<vmem_shared>>
    %dma_wait3A_240 = arith.constant 1024 : i32
    %dma_wait3A_241 = tpu.memref_slice %arg10[%dma_wait3A_240] : memref<4096xf32, #tpu.memory_space<vmem>> -> memref<256xf32, #tpu.memory_space<vmem>>
    %dma_wait3A_242 = tpu.memref_slice %arg12[%add3A_96] : memref<65536xf32, #tpu.memory_space<vmem_shared>> -> memref<256xf32, #tpu.memory_space<vmem_shared>>
    tpu.wait_dma2 semaphore(%arg13 : memref<!tpu.dma_semaphore, #tpu.memory_space<semaphore_mem>>) src(%dma_wait3A_242 : memref<256xf32, #tpu.memory_space<vmem_shared>>) dst(%dma_wait3A_241 : memref<256xf32, #tpu.memory_space<vmem>>)
    %dma_wait3A_243 = arith.constant 1280 : i32
    %dma_wait3A_244 = tpu.memref_slice %arg10[%dma_wait3A_243] : memref<4096xf32, #tpu.memory_space<vmem>> -> memref<256xf32, #tpu.memory_space<vmem>>
    %dma_wait3A_245 = tpu.memref_slice %arg12[%add3A_106] : memref<65536xf32, #tpu.memory_space<vmem_shared>> -> memref<256xf32, #tpu.memory_space<vmem_shared>>
    %dma_wait3A_246 = arith.constant 1280 : i32
    %dma_wait3A_247 = tpu.memref_slice %arg10[%dma_wait3A_246] : memref<4096xf32, #tpu.memory_space<vmem>> -> memref<256xf32, #tpu.memory_space<vmem>>
    %dma_wait3A_248 = tpu.memref_slice %arg12[%add3A_106] : memref<65536xf32, #tpu.memory_space<vmem_shared>> -> memref<256xf32, #tpu.memory_space<vmem_shared>>
    tpu.wait_dma2 semaphore(%arg13 : memref<!tpu.dma_semaphore, #tpu.memory_space<semaphore_mem>>) src(%dma_wait3A_248 : memref<256xf32, #tpu.memory_space<vmem_shared>>) dst(%dma_wait3A_247 : memref<256xf32, #tpu.memory_space<vmem>>)
    %dma_wait3A_249 = arith.constant 1536 : i32
    %dma_wait3A_250 = tpu.memref_slice %arg10[%dma_wait3A_249] : memref<4096xf32, #tpu.memory_space<vmem>> -> memref<256xf32, #tpu.memory_space<vmem>>
    %dma_wait3A_251 = tpu.memref_slice %arg12[%add3A_116] : memref<65536xf32, #tpu.memory_space<vmem_shared>> -> memref<256xf32, #tpu.memory_space<vmem_shared>>
    %dma_wait3A_252 = arith.constant 1536 : i32
    %dma_wait3A_253 = tpu.memref_slice %arg10[%dma_wait3A_252] : memref<4096xf32, #tpu.memory_space<vmem>> -> memref<256xf32, #tpu.memory_space<vmem>>
    %dma_wait3A_254 = tpu.memref_slice %arg12[%add3A_116] : memref<65536xf32, #tpu.memory_space<vmem_shared>> -> memref<256xf32, #tpu.memory_space<vmem_shared>>
    tpu.wait_dma2 semaphore(%arg13 : memref<!tpu.dma_semaphore, #tpu.memory_space<semaphore_mem>>) src(%dma_wait3A_254 : memref<256xf32, #tpu.memory_space<vmem_shared>>) dst(%dma_wait3A_253 : memref<256xf32, #tpu.memory_space<vmem>>)
    %dma_wait3A_255 = arith.constant 1792 : i32
    %dma_wait3A_256 = tpu.memref_slice %arg10[%dma_wait3A_255] : memref<4096xf32, #tpu.memory_space<vmem>> -> memref<256xf32, #tpu.memory_space<vmem>>
    %dma_wait3A_257 = tpu.memref_slice %arg12[%add3A_126] : memref<65536xf32, #tpu.memory_space<vmem_shared>> -> memref<256xf32, #tpu.memory_space<vmem_shared>>
    %dma_wait3A_258 = arith.constant 1792 : i32
    %dma_wait3A_259 = tpu.memref_slice %arg10[%dma_wait3A_258] : memref<4096xf32, #tpu.memory_space<vmem>> -> memref<256xf32, #tpu.memory_space<vmem>>
    %dma_wait3A_260 = tpu.memref_slice %arg12[%add3A_126] : memref<65536xf32, #tpu.memory_space<vmem_shared>> -> memref<256xf32, #tpu.memory_space<vmem_shared>>
    tpu.wait_dma2 semaphore(%arg13 : memref<!tpu.dma_semaphore, #tpu.memory_space<semaphore_mem>>) src(%dma_wait3A_260 : memref<256xf32, #tpu.memory_space<vmem_shared>>) dst(%dma_wait3A_259 : memref<256xf32, #tpu.memory_space<vmem>>)
    %dma_wait3A_261 = arith.constant 2048 : i32
    %dma_wait3A_262 = tpu.memref_slice %arg10[%dma_wait3A_261] : memref<4096xf32, #tpu.memory_space<vmem>> -> memref<256xf32, #tpu.memory_space<vmem>>
    %dma_wait3A_263 = tpu.memref_slice %arg12[%add3A_136] : memref<65536xf32, #tpu.memory_space<vmem_shared>> -> memref<256xf32, #tpu.memory_space<vmem_shared>>
    %dma_wait3A_264 = arith.constant 2048 : i32
    %dma_wait3A_265 = tpu.memref_slice %arg10[%dma_wait3A_264] : memref<4096xf32, #tpu.memory_space<vmem>> -> memref<256xf32, #tpu.memory_space<vmem>>
    %dma_wait3A_266 = tpu.memref_slice %arg12[%add3A_136] : memref<65536xf32, #tpu.memory_space<vmem_shared>> -> memref<256xf32, #tpu.memory_space<vmem_shared>>
    tpu.wait_dma2 semaphore(%arg13 : memref<!tpu.dma_semaphore, #tpu.memory_space<semaphore_mem>>) src(%dma_wait3A_266 : memref<256xf32, #tpu.memory_space<vmem_shared>>) dst(%dma_wait3A_265 : memref<256xf32, #tpu.memory_space<vmem>>)
    %dma_wait3A_267 = arith.constant 2304 : i32
    %dma_wait3A_268 = tpu.memref_slice %arg10[%dma_wait3A_267] : memref<4096xf32, #tpu.memory_space<vmem>> -> memref<256xf32, #tpu.memory_space<vmem>>
    %dma_wait3A_269 = tpu.memref_slice %arg12[%add3A_146] : memref<65536xf32, #tpu.memory_space<vmem_shared>> -> memref<256xf32, #tpu.memory_space<vmem_shared>>
    %dma_wait3A_270 = arith.constant 2304 : i32
    %dma_wait3A_271 = tpu.memref_slice %arg10[%dma_wait3A_270] : memref<4096xf32, #tpu.memory_space<vmem>> -> memref<256xf32, #tpu.memory_space<vmem>>
    %dma_wait3A_272 = tpu.memref_slice %arg12[%add3A_146] : memref<65536xf32, #tpu.memory_space<vmem_shared>> -> memref<256xf32, #tpu.memory_space<vmem_shared>>
    tpu.wait_dma2 semaphore(%arg13 : memref<!tpu.dma_semaphore, #tpu.memory_space<semaphore_mem>>) src(%dma_wait3A_272 : memref<256xf32, #tpu.memory_space<vmem_shared>>) dst(%dma_wait3A_271 : memref<256xf32, #tpu.memory_space<vmem>>)
    %dma_wait3A_273 = arith.constant 2560 : i32
    %dma_wait3A_274 = tpu.memref_slice %arg10[%dma_wait3A_273] : memref<4096xf32, #tpu.memory_space<vmem>> -> memref<256xf32, #tpu.memory_space<vmem>>
    %dma_wait3A_275 = tpu.memref_slice %arg12[%add3A_156] : memref<65536xf32, #tpu.memory_space<vmem_shared>> -> memref<256xf32, #tpu.memory_space<vmem_shared>>
    %dma_wait3A_276 = arith.constant 2560 : i32
    %dma_wait3A_277 = tpu.memref_slice %arg10[%dma_wait3A_276] : memref<4096xf32, #tpu.memory_space<vmem>> -> memref<256xf32, #tpu.memory_space<vmem>>
    %dma_wait3A_278 = tpu.memref_slice %arg12[%add3A_156] : memref<65536xf32, #tpu.memory_space<vmem_shared>> -> memref<256xf32, #tpu.memory_space<vmem_shared>>
    tpu.wait_dma2 semaphore(%arg13 : memref<!tpu.dma_semaphore, #tpu.memory_space<semaphore_mem>>) src(%dma_wait3A_278 : memref<256xf32, #tpu.memory_space<vmem_shared>>) dst(%dma_wait3A_277 : memref<256xf32, #tpu.memory_space<vmem>>)
    %dma_wait3A_279 = arith.constant 2816 : i32
    %dma_wait3A_280 = tpu.memref_slice %arg10[%dma_wait3A_279] : memref<4096xf32, #tpu.memory_space<vmem>> -> memref<256xf32, #tpu.memory_space<vmem>>
    %dma_wait3A_281 = tpu.memref_slice %arg12[%add3A_166] : memref<65536xf32, #tpu.memory_space<vmem_shared>> -> memref<256xf32, #tpu.memory_space<vmem_shared>>
    %dma_wait3A_282 = arith.constant 2816 : i32
    %dma_wait3A_283 = tpu.memref_slice %arg10[%dma_wait3A_282] : memref<4096xf32, #tpu.memory_space<vmem>> -> memref<256xf32, #tpu.memory_space<vmem>>
    %dma_wait3A_284 = tpu.memref_slice %arg12[%add3A_166] : memref<65536xf32, #tpu.memory_space<vmem_shared>> -> memref<256xf32, #tpu.memory_space<vmem_shared>>
    tpu.wait_dma2 semaphore(%arg13 : memref<!tpu.dma_semaphore, #tpu.memory_space<semaphore_mem>>) src(%dma_wait3A_284 : memref<256xf32, #tpu.memory_space<vmem_shared>>) dst(%dma_wait3A_283 : memref<256xf32, #tpu.memory_space<vmem>>)
    %dma_wait3A_285 = arith.constant 3072 : i32
    %dma_wait3A_286 = tpu.memref_slice %arg10[%dma_wait3A_285] : memref<4096xf32, #tpu.memory_space<vmem>> -> memref<256xf32, #tpu.memory_space<vmem>>
    %dma_wait3A_287 = tpu.memref_slice %arg12[%add3A_176] : memref<65536xf32, #tpu.memory_space<vmem_shared>> -> memref<256xf32, #tpu.memory_space<vmem_shared>>
    %dma_wait3A_288 = arith.constant 3072 : i32
    %dma_wait3A_289 = tpu.memref_slice %arg10[%dma_wait3A_288] : memref<4096xf32, #tpu.memory_space<vmem>> -> memref<256xf32, #tpu.memory_space<vmem>>
    %dma_wait3A_290 = tpu.memref_slice %arg12[%add3A_176] : memref<65536xf32, #tpu.memory_space<vmem_shared>> -> memref<256xf32, #tpu.memory_space<vmem_shared>>
    tpu.wait_dma2 semaphore(%arg13 : memref<!tpu.dma_semaphore, #tpu.memory_space<semaphore_mem>>) src(%dma_wait3A_290 : memref<256xf32, #tpu.memory_space<vmem_shared>>) dst(%dma_wait3A_289 : memref<256xf32, #tpu.memory_space<vmem>>)
    %dma_wait3A_291 = arith.constant 3328 : i32
    %dma_wait3A_292 = tpu.memref_slice %arg10[%dma_wait3A_291] : memref<4096xf32, #tpu.memory_space<vmem>> -> memref<256xf32, #tpu.memory_space<vmem>>
    %dma_wait3A_293 = tpu.memref_slice %arg12[%add3A_186] : memref<65536xf32, #tpu.memory_space<vmem_shared>> -> memref<256xf32, #tpu.memory_space<vmem_shared>>
    %dma_wait3A_294 = arith.constant 3328 : i32
    %dma_wait3A_295 = tpu.memref_slice %arg10[%dma_wait3A_294] : memref<4096xf32, #tpu.memory_space<vmem>> -> memref<256xf32, #tpu.memory_space<vmem>>
    %dma_wait3A_296 = tpu.memref_slice %arg12[%add3A_186] : memref<65536xf32, #tpu.memory_space<vmem_shared>> -> memref<256xf32, #tpu.memory_space<vmem_shared>>
    tpu.wait_dma2 semaphore(%arg13 : memref<!tpu.dma_semaphore, #tpu.memory_space<semaphore_mem>>) src(%dma_wait3A_296 : memref<256xf32, #tpu.memory_space<vmem_shared>>) dst(%dma_wait3A_295 : memref<256xf32, #tpu.memory_space<vmem>>)
    %dma_wait3A_297 = arith.constant 3584 : i32
    %dma_wait3A_298 = tpu.memref_slice %arg10[%dma_wait3A_297] : memref<4096xf32, #tpu.memory_space<vmem>> -> memref<256xf32, #tpu.memory_space<vmem>>
    %dma_wait3A_299 = tpu.memref_slice %arg12[%add3A_196] : memref<65536xf32, #tpu.memory_space<vmem_shared>> -> memref<256xf32, #tpu.memory_space<vmem_shared>>
    %dma_wait3A_300 = arith.constant 3584 : i32
    %dma_wait3A_301 = tpu.memref_slice %arg10[%dma_wait3A_300] : memref<4096xf32, #tpu.memory_space<vmem>> -> memref<256xf32, #tpu.memory_space<vmem>>
    %dma_wait3A_302 = tpu.memref_slice %arg12[%add3A_196] : memref<65536xf32, #tpu.memory_space<vmem_shared>> -> memref<256xf32, #tpu.memory_space<vmem_shared>>
    tpu.wait_dma2 semaphore(%arg13 : memref<!tpu.dma_semaphore, #tpu.memory_space<semaphore_mem>>) src(%dma_wait3A_302 : memref<256xf32, #tpu.memory_space<vmem_shared>>) dst(%dma_wait3A_301 : memref<256xf32, #tpu.memory_space<vmem>>)
    %dma_wait3A_303 = arith.constant 3840 : i32
    %dma_wait3A_304 = tpu.memref_slice %arg10[%dma_wait3A_303] : memref<4096xf32, #tpu.memory_space<vmem>> -> memref<256xf32, #tpu.memory_space<vmem>>
    %dma_wait3A_305 = tpu.memref_slice %arg12[%add3A_206] : memref<65536xf32, #tpu.memory_space<vmem_shared>> -> memref<256xf32, #tpu.memory_space<vmem_shared>>
    %dma_wait3A_306 = arith.constant 3840 : i32
    %dma_wait3A_307 = tpu.memref_slice %arg10[%dma_wait3A_306] : memref<4096xf32, #tpu.memory_space<vmem>> -> memref<256xf32, #tpu.memory_space<vmem>>
    %dma_wait3A_308 = tpu.memref_slice %arg12[%add3A_206] : memref<65536xf32, #tpu.memory_space<vmem_shared>> -> memref<256xf32, #tpu.memory_space<vmem_shared>>
    tpu.wait_dma2 semaphore(%arg13 : memref<!tpu.dma_semaphore, #tpu.memory_space<semaphore_mem>>) src(%dma_wait3A_308 : memref<256xf32, #tpu.memory_space<vmem_shared>>) dst(%dma_wait3A_307 : memref<256xf32, #tpu.memory_space<vmem>>)
    %scan3A_309 = arith.constant 0 : i32
    %scan3A_310 = arith.constant 0 : i32
    %scan3A_311 = arith.constant 16 : i32
    %scan3A_312 = arith.addi %scan3A_310, %scan3A_311 : i32
    %scan3A_313 = arith.constant 1 : i32
    scf.for %scan3A_317 = %scan3A_310 to %scan3A_312 step %scan3A_313  : i32 {
      %mul3A_318 = arith.constant 16 : i32
      %mul3A_319 = arith.muli %scan3A_317, %mul3A_318 : i32
      %get3A = arith.index_cast %mul3A_319 : i32 to index
      %get3A_320 = tpu.vector_load %arg10[%get3A] {strides = array<i32>} : memref<4096xf32, #tpu.memory_space<vmem>>, vector<16xf32>,
      %mul3A_321 = arith.constant 16 : i32
      %mul3A_322 = arith.muli %scan3A_317, %mul3A_321 : i32
      %add3A_323 = arith.constant 256 : i32
      %add3A_324 = arith.addi %add3A_323, %mul3A_322 : i32
      %get3A_325 = arith.index_cast %add3A_324 : i32 to index
      %get3A_326 = tpu.vector_load %arg10[%get3A_325] {strides = array<i32>} : memref<4096xf32, #tpu.memory_space<vmem>>, vector<16xf32>,
      %add3A_327 = arith.addf %get3A_320, %get3A_326 : vector<16xf32>
      %mul3A_328 = arith.constant 16 : i32
      %mul3A_329 = arith.muli %scan3A_317, %mul3A_328 : i32
      %add3A_330 = arith.constant 512 : i32
      %add3A_331 = arith.addi %add3A_330, %mul3A_329 : i32
      %get3A_332 = arith.index_cast %add3A_331 : i32 to index
      %get3A_333 = tpu.vector_load %arg10[%get3A_332] {strides = array<i32>} : memref<4096xf32, #tpu.memory_space<vmem>>, vector<16xf32>,
      %add3A_334 = arith.addf %add3A_327, %get3A_333 : vector<16xf32>
      %mul3A_335 = arith.constant 16 : i32
      %mul3A_336 = arith.muli %scan3A_317, %mul3A_335 : i32
      %add3A_337 = arith.constant 768 : i32
      %add3A_338 = arith.addi %add3A_337, %mul3A_336 : i32
      %get3A_339 = arith.index_cast %add3A_338 : i32 to index
      %get3A_340 = tpu.vector_load %arg10[%get3A_339] {strides = array<i32>} : memref<4096xf32, #tpu.memory_space<vmem>>, vector<16xf32>,
      %add3A_341 = arith.addf %add3A_334, %get3A_340 : vector<16xf32>
      %mul3A_342 = arith.constant 16 : i32
      %mul3A_343 = arith.muli %scan3A_317, %mul3A_342 : i32
      %add3A_344 = arith.constant 1024 : i32
      %add3A_345 = arith.addi %add3A_344, %mul3A_343 : i32
      %get3A_346 = arith.index_cast %add3A_345 : i32 to index
      %get3A_347 = tpu.vector_load %arg10[%get3A_346] {strides = array<i32>} : memref<4096xf32, #tpu.memory_space<vmem>>, vector<16xf32>,
      %add3A_348 = arith.addf %add3A_341, %get3A_347 : vector<16xf32>
      %mul3A_349 = arith.constant 16 : i32
      %mul3A_350 = arith.muli %scan3A_317, %mul3A_349 : i32
      %add3A_351 = arith.constant 1280 : i32
      %add3A_352 = arith.addi %add3A_351, %mul3A_350 : i32
      %get3A_353 = arith.index_cast %add3A_352 : i32 to index
      %get3A_354 = tpu.vector_load %arg10[%get3A_353] {strides = array<i32>} : memref<4096xf32, #tpu.memory_space<vmem>>, vector<16xf32>,
      %add3A_355 = arith.addf %add3A_348, %get3A_354 : vector<16xf32>
      %mul3A_356 = arith.constant 16 : i32
      %mul3A_357 = arith.muli %scan3A_317, %mul3A_356 : i32
      %add3A_358 = arith.constant 1536 : i32
      %add3A_359 = arith.addi %add3A_358, %mul3A_357 : i32
      %get3A_360 = arith.index_cast %add3A_359 : i32 to index
      %get3A_361 = tpu.vector_load %arg10[%get3A_360] {strides = array<i32>} : memref<4096xf32, #tpu.memory_space<vmem>>, vector<16xf32>,
      %add3A_362 = arith.addf %add3A_355, %get3A_361 : vector<16xf32>
      %mul3A_363 = arith.constant 16 : i32
      %mul3A_364 = arith.muli %scan3A_317, %mul3A_363 : i32
      %add3A_365 = arith.constant 1792 : i32
      %add3A_366 = arith.addi %add3A_365, %mul3A_364 : i32
      %get3A_367 = arith.index_cast %add3A_366 : i32 to index
      %get3A_368 = tpu.vector_load %arg10[%get3A_367] {strides = array<i32>} : memref<4096xf32, #tpu.memory_space<vmem>>, vector<16xf32>,
      %add3A_369 = arith.addf %add3A_362, %get3A_368 : vector<16xf32>
      %mul3A_370 = arith.constant 16 : i32
      %mul3A_371 = arith.muli %scan3A_317, %mul3A_370 : i32
      %add3A_372 = arith.constant 2048 : i32
      %add3A_373 = arith.addi %add3A_372, %mul3A_371 : i32
      %get3A_374 = arith.index_cast %add3A_373 : i32 to index
      %get3A_375 = tpu.vector_load %arg10[%get3A_374] {strides = array<i32>} : memref<4096xf32, #tpu.memory_space<vmem>>, vector<16xf32>,
      %add3A_376 = arith.addf %add3A_369, %get3A_375 : vector<16xf32>
      %mul3A_377 = arith.constant 16 : i32
      %mul3A_378 = arith.muli %scan3A_317, %mul3A_377 : i32
      %add3A_379 = arith.constant 2304 : i32
      %add3A_380 = arith.addi %add3A_379, %mul3A_378 : i32
      %get3A_381 = arith.index_cast %add3A_380 : i32 to index
      %get3A_382 = tpu.vector_load %arg10[%get3A_381] {strides = array<i32>} : memref<4096xf32, #tpu.memory_space<vmem>>, vector<16xf32>,
      %add3A_383 = arith.addf %add3A_376, %get3A_382 : vector<16xf32>
      %mul3A_384 = arith.constant 16 : i32
      %mul3A_385 = arith.muli %scan3A_317, %mul3A_384 : i32
      %add3A_386 = arith.constant 2560 : i32
      %add3A_387 = arith.addi %add3A_386, %mul3A_385 : i32
      %get3A_388 = arith.index_cast %add3A_387 : i32 to index
      %get3A_389 = tpu.vector_load %arg10[%get3A_388] {strides = array<i32>} : memref<4096xf32, #tpu.memory_space<vmem>>, vector<16xf32>,
      %add3A_390 = arith.addf %add3A_383, %get3A_389 : vector<16xf32>
      %mul3A_391 = arith.constant 16 : i32
      %mul3A_392 = arith.muli %scan3A_317, %mul3A_391 : i32
      %add3A_393 = arith.constant 2816 : i32
      %add3A_394 = arith.addi %add3A_393, %mul3A_392 : i32
      %get3A_395 = arith.index_cast %add3A_394 : i32 to index
      %get3A_396 = tpu.vector_load %arg10[%get3A_395] {strides = array<i32>} : memref<4096xf32, #tpu.memory_space<vmem>>, vector<16xf32>,
      %add3A_397 = arith.addf %add3A_390, %get3A_396 : vector<16xf32>
      %mul3A_398 = arith.constant 16 : i32
      %mul3A_399 = arith.muli %scan3A_317, %mul3A_398 : i32
      %add3A_400 = arith.constant 3072 : i32
      %add3A_401 = arith.addi %add3A_400, %mul3A_399 : i32
      %get3A_402 = arith.index_cast %add3A_401 : i32 to index
      %get3A_403 = tpu.vector_load %arg10[%get3A_402] {strides = array<i32>} : memref<4096xf32, #tpu.memory_space<vmem>>, vector<16xf32>,
      %add3A_404 = arith.addf %add3A_397, %get3A_403 : vector<16xf32>
      %mul3A_405 = arith.constant 16 : i32
      %mul3A_406 = arith.muli %scan3A_317, %mul3A_405 : i32
      %add3A_407 = arith.constant 3328 : i32
      %add3A_408 = arith.addi %add3A_407, %mul3A_406 : i32
      %get3A_409 = arith.index_cast %add3A_408 : i32 to index
      %get3A_410 = tpu.vector_load %arg10[%get3A_409] {strides = array<i32>} : memref<4096xf32, #tpu.memory_space<vmem>>, vector<16xf32>,
      %add3A_411 = arith.addf %add3A_404, %get3A_410 : vector<16xf32>
      %mul3A_412 = arith.constant 16 : i32
      %mul3A_413 = arith.muli %scan3A_317, %mul3A_412 : i32
      %add3A_414 = arith.constant 3584 : i32
      %add3A_415 = arith.addi %add3A_414, %mul3A_413 : i32
      %get3A_416 = arith.index_cast %add3A_415 : i32 to index
      %get3A_417 = tpu.vector_load %arg10[%get3A_416] {strides = array<i32>} : memref<4096xf32, #tpu.memory_space<vmem>>, vector<16xf32>,
      %add3A_418 = arith.addf %add3A_411, %get3A_417 : vector<16xf32>
      %mul3A_419 = arith.constant 16 : i32
      %mul3A_420 = arith.muli %scan3A_317, %mul3A_419 : i32
      %add3A_421 = arith.constant 3840 : i32
      %add3A_422 = arith.addi %add3A_421, %mul3A_420 : i32
      %get3A_423 = arith.index_cast %add3A_422 : i32 to index
      %get3A_424 = tpu.vector_load %arg10[%get3A_423] {strides = array<i32>} : memref<4096xf32, #tpu.memory_space<vmem>>, vector<16xf32>,
      %add3A_425 = arith.addf %add3A_418, %get3A_424 : vector<16xf32>
      %mul3A_426 = arith.constant 16 : i32
      %mul3A_427 = arith.muli %scan3A_317, %mul3A_426 : i32
      %swap3A = arith.index_cast %mul3A_427 : i32 to index
      %swap3A_428 = tpu.vector_load %arg11[%swap3A] {strides = array<i32>} : memref<256xf32, #tpu.memory_space<vmem>>, vector<16xf32>,
      tpu.vector_store %arg11[%swap3A], %add3A_425 {strides = array<i32>} : memref<256xf32, #tpu.memory_space<vmem>>, vector<16xf32>,
    }
    %scan3A_314 = arith.constant 16 : i32
    %mul3A_315 = arith.constant 256 : i32
    %mul3A_316 = arith.muli %arg1, %mul3A_315 : i32
    "tpu.region"() ({
      %run_scoped3A = tpu.sem_alloc : memref<!tpu.dma_semaphore, #tpu.memory_space<semaphore_mem>>
      %dma_start3A_317 = tpu.memref_slice %arg4[%arg0, %mul3A_316] : memref<2x4096xf32, #tpu.memory_space<hbm>> -> memref<1x256xf32, #tpu.memory_space<hbm>>
      %dma_start3A_318 = tpu.memref_squeeze %dma_start3A_317 : memref<1x256xf32, #tpu.memory_space<hbm>> -> memref<256xf32, #tpu.memory_space<hbm>>
      %dma_start3A_319 = tpu.memref_slice %arg4[%arg0, %mul3A_316] : memref<2x4096xf32, #tpu.memory_space<hbm>> -> memref<1x256xf32, #tpu.memory_space<hbm>>
      %dma_start3A_320 = tpu.memref_squeeze %dma_start3A_319 : memref<1x256xf32, #tpu.memory_space<hbm>> -> memref<256xf32, #tpu.memory_space<hbm>>
      tpu.enqueue_dma source(%arg11 : memref<256xf32, #tpu.memory_space<vmem>>) target(%dma_start3A_320 : memref<256xf32, #tpu.memory_space<hbm>>) target_semaphore(%run_scoped3A : memref<!tpu.dma_semaphore, #tpu.memory_space<semaphore_mem>>)
      %dma_wait3A_321 = tpu.memref_slice %arg4[%arg0, %mul3A_316] : memref<2x4096xf32, #tpu.memory_space<hbm>> -> memref<1x256xf32, #tpu.memory_space<hbm>>
      %dma_wait3A_322 = tpu.memref_squeeze %dma_wait3A_321 : memref<1x256xf32, #tpu.memory_space<hbm>> -> memref<256xf32, #tpu.memory_space<hbm>>
      %dma_wait3A_323 = tpu.memref_slice %arg4[%arg0, %mul3A_316] : memref<2x4096xf32, #tpu.memory_space<hbm>> -> memref<1x256xf32, #tpu.memory_space<hbm>>
      %dma_wait3A_324 = tpu.memref_squeeze %dma_wait3A_323 : memref<1x256xf32, #tpu.memory_space<hbm>> -> memref<256xf32, #tpu.memory_space<hbm>>
      tpu.wait_dma2 semaphore(%run_scoped3A : memref<!tpu.dma_semaphore, #tpu.memory_space<semaphore_mem>>) src(%arg11 : memref<256xf32, #tpu.memory_space<vmem>>) dst(%dma_wait3A_324 : memref<256xf32, #tpu.memory_space<hbm>>)
      tpu.yield
    }) : () -> ()
    "tpu.trace_stop"() : () -> ()
    return
  }
}

module attributes {stable_mosaic.version = 14 : i64} {
  func.func @body(%arg0: i32, %arg1: memref<1x4096xf32, #tpu.memory_space<vmem>>, %arg2: memref<1x4096xf32, #tpu.memory_space<vmem>>, %arg3: memref<512x4096xf32, #tpu.memory_space<vmem>>, %arg4: memref<1x4096xf32, #tpu.memory_space<vmem>>, %arg5: memref<1x4096xf32, #tpu.memory_space<vmem>>) attributes {dimension_semantics = [#tpu.dimension_semantics<arbitrary>], iteration_bounds = array<i64: 4>, scalar_prefetch = 0 : i64, scratch_operands = 1 : i64, tpu.core_type = #tpu.core_type<tc>, window_params = [{pipeline_mode = #tpu.pipeline_mode<synchronous>, transform_indices = @transform_0, window_bounds = array<i64: 1, 4096>}, {pipeline_mode = #tpu.pipeline_mode<synchronous>, transform_indices = @transform_1, window_bounds = array<i64: 1, 4096>}, {transform_indices = @transform_2, window_bounds = array<i64: 512, 4096>}, {pipeline_mode = #tpu.pipeline_mode<synchronous>, transform_indices = @transform_3, window_bounds = array<i64: 1, 4096>}]} {
    %eq3A = arith.constant 0 : i32
    %eq3A_0 = arith.cmpi eq, %arg0, %eq3A : i32
    %convert_element_type3A = arith.extui %eq3A_0 : i1 to i32
    %cond3A = arith.constant 0 : i32
    %cond3A_1 = arith.cmpi ne, %convert_element_type3A, %cond3A : i32
    scf.if %cond3A_1 {
      %get3A_16 = arith.constant 0 : index
      %get3A_17 = arith.constant 0 : index
      %get3A_18 = vector.load %arg1[%get3A_16, %get3A_17] : memref<1x4096xf32, #tpu.memory_space<vmem>>, vector<1x4096xf32>
      %tanh3A = math.tanh %get3A_18 : vector<1x4096xf32>
      %swap3A_19 = arith.constant 0 : index
      %swap3A_20 = arith.constant 0 : index
      %swap3A_21 = vector.load %arg5[%swap3A_19, %swap3A_20] : memref<1x4096xf32, #tpu.memory_space<vmem>>, vector<1x4096xf32>
      tpu.vector_store %arg5[%swap3A_19, %swap3A_20], %tanh3A {strides = array<i32>} : memref<1x4096xf32, #tpu.memory_space<vmem>>, vector<1x4096xf32>,
      %get3A_22 = arith.constant 0 : index
      %get3A_23 = arith.constant 0 : index
      %get3A_24 = vector.load %arg2[%get3A_22, %get3A_23] : memref<1x4096xf32, #tpu.memory_space<vmem>>, vector<1x4096xf32>
      %swap3A_25 = arith.constant 0 : index
      %swap3A_26 = arith.constant 0 : index
      %swap3A_27 = vector.load %arg4[%swap3A_25, %swap3A_26] : memref<1x4096xf32, #tpu.memory_space<vmem>>, vector<1x4096xf32>
      tpu.vector_store %arg4[%swap3A_25, %swap3A_26], %get3A_24 {strides = array<i32>} : memref<1x4096xf32, #tpu.memory_space<vmem>>, vector<1x4096xf32>,
    } else {
    }
    %add3A = arith.constant 0 : i32
    %add3A_2 = arith.addi %add3A, %arg0 : i32
    %mul3A = arith.constant 512 : i32
    %mul3A_3 = arith.muli %add3A_2, %mul3A : i32
    %get3A = arith.constant 0 : index
    %get3A_4 = arith.index_cast %mul3A_3 : i32 to index
    %get3A_5 = vector.load %arg5[%get3A, %get3A_4] : memref<1x4096xf32, #tpu.memory_space<vmem>>, vector<1x512xf32>
    %get3A_6 = arith.constant 0 : index
    %get3A_7 = arith.constant 0 : index
    %get3A_8 = vector.load %arg4[%get3A_6, %get3A_7] : memref<1x4096xf32, #tpu.memory_space<vmem>>, vector<1x4096xf32>
    %get3A_9 = arith.constant 0 : index
    %get3A_10 = arith.constant 0 : index
    %get3A_11 = vector.load %arg3[%get3A_9, %get3A_10] : memref<512x4096xf32, #tpu.memory_space<vmem>>, vector<512x4096xf32>
    %dot_general3A = arith.constant dense<0.000000e+00> : vector<1x4096xf32>
    %dot_general3A_12 = tpu.matmul %get3A_5, %get3A_11, %dot_general3A {dimension_numbers = #tpu.dot_dimension_numbers<[1], [0], [0], [1], [0, 0, 1, 1], [], []>, transpose_lhs_hint = false} : vector<1x512xf32>, vector<512x4096xf32>, vector<1x4096xf32> -> vector<1x4096xf32>
    %add3A_13 = arith.addf %get3A_8, %dot_general3A_12 : vector<1x4096xf32>
    %swap3A = arith.constant 0 : index
    %swap3A_14 = arith.constant 0 : index
    %swap3A_15 = vector.load %arg4[%swap3A, %swap3A_14] : memref<1x4096xf32, #tpu.memory_space<vmem>>, vector<1x4096xf32>
    tpu.vector_store %arg4[%swap3A, %swap3A_14], %add3A_13 {strides = array<i32>} : memref<1x4096xf32, #tpu.memory_space<vmem>>, vector<1x4096xf32>,
    return
  }
  func.func @transform_0(%arg0: i32) -> (i32, i32) {
    %c0_i32 = arith.constant 0 : i32
    %c0_i32_0 = arith.constant 0 : i32
    %c0_i32_1 = arith.constant 0 : i32
    return %c0_i32, %c0_i32_0 : i32, i32
  }
  func.func @transform_1(%arg0: i32) -> (i32, i32) {
    %c0_i32 = arith.constant 0 : i32
    %c0_i32_0 = arith.constant 0 : i32
    %c0_i32_1 = arith.constant 0 : i32
    return %c0_i32, %c0_i32_0 : i32, i32
  }
  func.func @transform_2(%arg0: i32) -> (i32, i32) {
    %add3A = arith.constant 8 : i32
    %add3A_0 = arith.addi %add3A, %arg0 : i32
    %c0_i32 = arith.constant 0 : i32
    %c0_i32_1 = arith.constant 0 : i32
    return %add3A_0, %c0_i32 : i32, i32
  }
  func.func @transform_3(%arg0: i32) -> (i32, i32) {
    %c0_i32 = arith.constant 0 : i32
    %c0_i32_0 = arith.constant 0 : i32
    %c0_i32_1 = arith.constant 0 : i32
    return %c0_i32, %c0_i32_0 : i32, i32
  }
}

module attributes {stable_mosaic.version = 14 : i64} {
  func.func @body(%arg0: i32, %arg1: memref<1x4096xf32, #tpu.memory_space<vmem>>, %arg2: memref<1x4096xf32, #tpu.memory_space<vmem>>, %arg3: memref<512x4096xf32, #tpu.memory_space<vmem>>, %arg4: memref<1x4096xf32, #tpu.memory_space<vmem>>, %arg5: memref<1x4096xf32, #tpu.memory_space<vmem>>) attributes {dimension_semantics = [#tpu.dimension_semantics<arbitrary>], iteration_bounds = array<i64: 4>, scalar_prefetch = 0 : i64, scratch_operands = 1 : i64, tpu.core_type = #tpu.core_type<tc>, window_params = [{pipeline_mode = #tpu.pipeline_mode<synchronous>, transform_indices = @transform_0, window_bounds = array<i64: 1, 4096>}, {pipeline_mode = #tpu.pipeline_mode<synchronous>, transform_indices = @transform_1, window_bounds = array<i64: 1, 4096>}, {transform_indices = @transform_2, window_bounds = array<i64: 512, 4096>}, {pipeline_mode = #tpu.pipeline_mode<synchronous>, transform_indices = @transform_3, window_bounds = array<i64: 1, 4096>}]} {
    %eq3A = arith.constant 0 : i32
    %eq3A_0 = arith.cmpi eq, %arg0, %eq3A : i32
    %convert_element_type3A = arith.extui %eq3A_0 : i1 to i32
    %cond3A = arith.constant 0 : i32
    %cond3A_1 = arith.cmpi ne, %convert_element_type3A, %cond3A : i32
    scf.if %cond3A_1 {
      %get3A_16 = arith.constant 0 : index
      %get3A_17 = arith.constant 0 : index
      %get3A_18 = vector.load %arg1[%get3A_16, %get3A_17] : memref<1x4096xf32, #tpu.memory_space<vmem>>, vector<1x4096xf32>
      %tanh3A = math.tanh %get3A_18 : vector<1x4096xf32>
      %swap3A_19 = arith.constant 0 : index
      %swap3A_20 = arith.constant 0 : index
      %swap3A_21 = vector.load %arg5[%swap3A_19, %swap3A_20] : memref<1x4096xf32, #tpu.memory_space<vmem>>, vector<1x4096xf32>
      tpu.vector_store %arg5[%swap3A_19, %swap3A_20], %tanh3A {strides = array<i32>} : memref<1x4096xf32, #tpu.memory_space<vmem>>, vector<1x4096xf32>,
      %get3A_22 = arith.constant 0 : index
      %get3A_23 = arith.constant 0 : index
      %get3A_24 = vector.load %arg2[%get3A_22, %get3A_23] : memref<1x4096xf32, #tpu.memory_space<vmem>>, vector<1x4096xf32>
      %swap3A_25 = arith.constant 0 : index
      %swap3A_26 = arith.constant 0 : index
      %swap3A_27 = vector.load %arg4[%swap3A_25, %swap3A_26] : memref<1x4096xf32, #tpu.memory_space<vmem>>, vector<1x4096xf32>
      tpu.vector_store %arg4[%swap3A_25, %swap3A_26], %get3A_24 {strides = array<i32>} : memref<1x4096xf32, #tpu.memory_space<vmem>>, vector<1x4096xf32>,
    } else {
    }
    %add3A = arith.constant 4 : i32
    %add3A_2 = arith.addi %add3A, %arg0 : i32
    %mul3A = arith.constant 512 : i32
    %mul3A_3 = arith.muli %add3A_2, %mul3A : i32
    %get3A = arith.constant 0 : index
    %get3A_4 = arith.index_cast %mul3A_3 : i32 to index
    %get3A_5 = vector.load %arg5[%get3A, %get3A_4] : memref<1x4096xf32, #tpu.memory_space<vmem>>, vector<1x512xf32>
    %get3A_6 = arith.constant 0 : index
    %get3A_7 = arith.constant 0 : index
    %get3A_8 = vector.load %arg4[%get3A_6, %get3A_7] : memref<1x4096xf32, #tpu.memory_space<vmem>>, vector<1x4096xf32>
    %get3A_9 = arith.constant 0 : index
    %get3A_10 = arith.constant 0 : index
    %get3A_11 = vector.load %arg3[%get3A_9, %get3A_10] : memref<512x4096xf32, #tpu.memory_space<vmem>>, vector<512x4096xf32>
    %dot_general3A = arith.constant dense<0.000000e+00> : vector<1x4096xf32>
    %dot_general3A_12 = tpu.matmul %get3A_5, %get3A_11, %dot_general3A {dimension_numbers = #tpu.dot_dimension_numbers<[1], [0], [0], [1], [0, 0, 1, 1], [], []>, transpose_lhs_hint = false} : vector<1x512xf32>, vector<512x4096xf32>, vector<1x4096xf32> -> vector<1x4096xf32>
    %add3A_13 = arith.addf %get3A_8, %dot_general3A_12 : vector<1x4096xf32>
    %swap3A = arith.constant 0 : index
    %swap3A_14 = arith.constant 0 : index
    %swap3A_15 = vector.load %arg4[%swap3A, %swap3A_14] : memref<1x4096xf32, #tpu.memory_space<vmem>>, vector<1x4096xf32>
    tpu.vector_store %arg4[%swap3A, %swap3A_14], %add3A_13 {strides = array<i32>} : memref<1x4096xf32, #tpu.memory_space<vmem>>, vector<1x4096xf32>,
    return
  }
  func.func @transform_0(%arg0: i32) -> (i32, i32) {
    %c0_i32 = arith.constant 0 : i32
    %c0_i32_0 = arith.constant 0 : i32
    %c0_i32_1 = arith.constant 0 : i32
    return %c0_i32, %c0_i32_0 : i32, i32
  }
  func.func @transform_1(%arg0: i32) -> (i32, i32) {
    %c0_i32 = arith.constant 0 : i32
    %c0_i32_0 = arith.constant 0 : i32
    %c0_i32_1 = arith.constant 0 : i32
    return %c0_i32, %c0_i32_0 : i32, i32
  }
  func.func @transform_2(%arg0: i32) -> (i32, i32) {
    %add3A = arith.constant 12 : i32
    %add3A_0 = arith.addi %add3A, %arg0 : i32
    %c0_i32 = arith.constant 0 : i32
    %c0_i32_1 = arith.constant 0 : i32
    return %add3A_0, %c0_i32 : i32, i32
  }
  func.func @transform_3(%arg0: i32) -> (i32, i32) {
    %c0_i32 = arith.constant 0 : i32
    %c0_i32_0 = arith.constant 0 : i32
    %c0_i32_1 = arith.constant 0 : i32
    return %c0_i32, %c0_i32_0 : i32, i32
  }
}

module attributes {stable_mosaic.version = 14 : i64} {
  func.func @_tc_mid_body(%arg0: memref<1x4096xf32, #tpu.memory_space<vmem>>, %arg1: memref<2x4096xf32, #tpu.memory_space<vmem>>, %arg2: memref<2x4096xf32, #tpu.memory_space<vmem>>, %arg3: memref<128x1xf32, #tpu.memory_space<vmem>>, %arg4: memref<128x1xf32, #tpu.memory_space<vmem>>, %arg5: memref<128x1xf32, #tpu.memory_space<vmem>>, %arg6: memref<1x128xf32, #tpu.memory_space<vmem>>, %arg7: memref<1x128xf32, #tpu.memory_space<vmem>>, %arg8: memref<1x4096xf32, #tpu.memory_space<vmem>>, %arg9: memref<1x4096xf32, #tpu.memory_space<vmem>>, %arg10: memref<1x4096xf32, #tpu.memory_space<vmem>>) attributes {dimension_semantics = [], scalar_prefetch = 0 : i64, scratch_operands = 0 : i64, tpu.core_type = #tpu.core_type<tc>} {
    %get3A = arith.constant 0 : index
    %get3A_0 = arith.constant 0 : index
    %get3A_1 = vector.load %arg0[%get3A, %get3A_0] : memref<1x4096xf32, #tpu.memory_space<vmem>>, vector<1x4096xf32>
    %get3A_2 = arith.constant 0 : index
    %get3A_3 = arith.constant 0 : index
    %get3A_4 = vector.load %arg2[%get3A_2, %get3A_3] : memref<2x4096xf32, #tpu.memory_space<vmem>>, vector<1x4096xf32>
    %get3A_5 = arith.constant 1 : index
    %get3A_6 = arith.constant 0 : index
    %get3A_7 = vector.load %arg2[%get3A_5, %get3A_6] : memref<2x4096xf32, #tpu.memory_space<vmem>>, vector<1x4096xf32>
    %add3A = arith.addf %get3A_4, %get3A_7 : vector<1x4096xf32>
    %get3A_8 = arith.constant 0 : index
    %get3A_9 = arith.constant 0 : index
    %get3A_10 = vector.load %arg1[%get3A_8, %get3A_9] : memref<2x4096xf32, #tpu.memory_space<vmem>>, vector<1x4096xf32>
    %get3A_11 = arith.constant 1 : index
    %get3A_12 = arith.constant 0 : index
    %get3A_13 = vector.load %arg1[%get3A_11, %get3A_12] : memref<2x4096xf32, #tpu.memory_space<vmem>>, vector<1x4096xf32>
    %add3A_14 = arith.addf %get3A_10, %get3A_13 : vector<1x4096xf32>
    %max3A = arith.constant 1.000000e+00 : f32
    %max3A_15 = vector.broadcast %max3A : f32 to vector<1x4096xf32>
    %max3A_16 = arith.maximumf %add3A, %max3A_15 : vector<1x4096xf32>
    %div3A = arith.divf %add3A_14, %max3A_16 : vector<1x4096xf32>
    %get3A_17 = arith.constant 0 : index
    %get3A_18 = arith.constant 0 : index
    %get3A_19 = vector.load %arg3[%get3A_17, %get3A_18] : memref<128x1xf32, #tpu.memory_space<vmem>>, vector<128x1xf32>
    %mul3A = vector.broadcast %get3A_19 : vector<128x1xf32> to vector<128x4096xf32>
    %mul3A_20 = vector.broadcast %get3A_1 : vector<1x4096xf32> to vector<128x4096xf32>
    %mul3A_21 = arith.mulf %mul3A, %mul3A_20 : vector<128x4096xf32>
    %get3A_22 = arith.constant 0 : index
    %get3A_23 = arith.constant 0 : index
    %get3A_24 = vector.load %arg4[%get3A_22, %get3A_23] : memref<128x1xf32, #tpu.memory_space<vmem>>, vector<128x1xf32>
    %mul3A_25 = vector.broadcast %get3A_24 : vector<128x1xf32> to vector<128x4096xf32>
    %mul3A_26 = vector.broadcast %div3A : vector<1x4096xf32> to vector<128x4096xf32>
    %mul3A_27 = arith.mulf %mul3A_25, %mul3A_26 : vector<128x4096xf32>
    %add3A_28 = arith.addf %mul3A_21, %mul3A_27 : vector<128x4096xf32>
    %get3A_29 = arith.constant 0 : index
    %get3A_30 = arith.constant 0 : index
    %get3A_31 = vector.load %arg5[%get3A_29, %get3A_30] : memref<128x1xf32, #tpu.memory_space<vmem>>, vector<128x1xf32>
    %add3A_32 = vector.broadcast %get3A_31 : vector<128x1xf32> to vector<128x4096xf32>
    %add3A_33 = arith.addf %add3A_28, %add3A_32 : vector<128x4096xf32>
    %tanh3A = math.tanh %add3A_33 : vector<128x4096xf32>
    %get3A_34 = arith.constant 0 : index
    %get3A_35 = arith.constant 0 : index
    %get3A_36 = vector.load %arg6[%get3A_34, %get3A_35] : memref<1x128xf32, #tpu.memory_space<vmem>>, vector<1x128xf32>
    %dot_general3A = arith.constant dense<0.000000e+00> : vector<1x4096xf32>
    %dot_general3A_37 = tpu.matmul %get3A_36, %tanh3A, %dot_general3A {dimension_numbers = #tpu.dot_dimension_numbers<[1], [0], [0], [1], [0, 0, 1, 1], [], []>, transpose_lhs_hint = false} : vector<1x128xf32>, vector<128x4096xf32>, vector<1x4096xf32> -> vector<1x4096xf32>
    %swap3A = arith.constant 0 : index
    %swap3A_38 = arith.constant 0 : index
    %swap3A_39 = vector.load %arg9[%swap3A, %swap3A_38] : memref<1x4096xf32, #tpu.memory_space<vmem>>, vector<1x4096xf32>
    tpu.vector_store %arg9[%swap3A, %swap3A_38], %dot_general3A_37 {strides = array<i32>} : memref<1x4096xf32, #tpu.memory_space<vmem>>, vector<1x4096xf32>,
    %get3A_40 = arith.constant 0 : index
    %get3A_41 = arith.constant 0 : index
    %get3A_42 = vector.load %arg7[%get3A_40, %get3A_41] : memref<1x128xf32, #tpu.memory_space<vmem>>, vector<1x128xf32>
    %dot_general3A_43 = arith.constant dense<0.000000e+00> : vector<1x4096xf32>
    %dot_general3A_44 = tpu.matmul %get3A_42, %tanh3A, %dot_general3A_43 {dimension_numbers = #tpu.dot_dimension_numbers<[1], [0], [0], [1], [0, 0, 1, 1], [], []>, transpose_lhs_hint = false} : vector<1x128xf32>, vector<128x4096xf32>, vector<1x4096xf32> -> vector<1x4096xf32>
    %swap3A_45 = arith.constant 0 : index
    %swap3A_46 = arith.constant 0 : index
    %swap3A_47 = vector.load %arg8[%swap3A_45, %swap3A_46] : memref<1x4096xf32, #tpu.memory_space<vmem>>, vector<1x4096xf32>
    tpu.vector_store %arg8[%swap3A_45, %swap3A_46], %dot_general3A_44 {strides = array<i32>} : memref<1x4096xf32, #tpu.memory_space<vmem>>, vector<1x4096xf32>,
    %swap3A_48 = arith.constant 0 : index
    %swap3A_49 = arith.constant 0 : index
    %swap3A_50 = vector.load %arg10[%swap3A_48, %swap3A_49] : memref<1x4096xf32, #tpu.memory_space<vmem>>, vector<1x4096xf32>
    tpu.vector_store %arg10[%swap3A_48, %swap3A_49], %add3A {strides = array<i32>} : memref<1x4096xf32, #tpu.memory_space<vmem>>, vector<1x4096xf32>,
    return
  }
}

module attributes {stable_mosaic.version = 14 : i64} {
  func.func @_tc_top_body(%arg0: i32, %arg1: memref<1x4096xf32, #tpu.memory_space<vmem>>, %arg2: memref<2x4096xf32, #tpu.memory_space<vmem>>, %arg3: memref<1x4096xf32, #tpu.memory_space<vmem>>, %arg4: memref<1x1xf32, #tpu.memory_space<vmem>>, %arg5: memref<1x4096xf32, #tpu.memory_space<vmem>>, %arg6: memref<512x4096xf32, #tpu.memory_space<vmem>>, %arg7: memref<1x4096xf32, #tpu.memory_space<vmem>>, %arg8: memref<1x4096xf32, #tpu.memory_space<vmem>>, %arg9: memref<1x4096xf32, #tpu.memory_space<vmem>>) attributes {dimension_semantics = [#tpu.dimension_semantics<arbitrary>], iteration_bounds = array<i64: 8>, scalar_prefetch = 0 : i64, scratch_operands = 1 : i64, tpu.core_type = #tpu.core_type<tc>, window_params = [{pipeline_mode = #tpu.pipeline_mode<synchronous>, transform_indices = @transform_0, window_bounds = array<i64: 1, 4096>}, {pipeline_mode = #tpu.pipeline_mode<synchronous>, transform_indices = @transform_1, window_bounds = array<i64: 2, 4096>}, {pipeline_mode = #tpu.pipeline_mode<synchronous>, transform_indices = @transform_2, window_bounds = array<i64: 1, 4096>}, {pipeline_mode = #tpu.pipeline_mode<synchronous>, transform_indices = @transform_3, window_bounds = array<i64: 1, 1>}, {pipeline_mode = #tpu.pipeline_mode<synchronous>, transform_indices = @transform_4, window_bounds = array<i64: 1, 4096>}, {transform_indices = @transform_5, window_bounds = array<i64: 512, 4096>}, {pipeline_mode = #tpu.pipeline_mode<synchronous>, transform_indices = @transform_6, window_bounds = array<i64: 1, 4096>}, {pipeline_mode = #tpu.pipeline_mode<synchronous>, transform_indices = @transform_7, window_bounds = array<i64: 1, 4096>}]} {
    %eq3A = arith.constant 0 : i32
    %eq3A_0 = arith.cmpi eq, %arg0, %eq3A : i32
    %convert_element_type3A = arith.extui %eq3A_0 : i1 to i32
    %cond3A = arith.constant 0 : i32
    %cond3A_1 = arith.cmpi ne, %convert_element_type3A, %cond3A : i32
    scf.if %cond3A_1 {
      %get3A_14 = arith.constant 0 : index
      %get3A_15 = arith.constant 0 : index
      %get3A_16 = vector.load %arg3[%get3A_14, %get3A_15] : memref<1x4096xf32, #tpu.memory_space<vmem>>, vector<1x4096xf32>
      %get3A_17 = arith.constant 0 : index
      %get3A_18 = arith.constant 0 : index
      %get3A_19 = vector.load %arg2[%get3A_17, %get3A_18] : memref<2x4096xf32, #tpu.memory_space<vmem>>, vector<1x4096xf32>
      %get3A_20 = arith.constant 1 : index
      %get3A_21 = arith.constant 0 : index
      %get3A_22 = vector.load %arg2[%get3A_20, %get3A_21] : memref<2x4096xf32, #tpu.memory_space<vmem>>, vector<1x4096xf32>
      %add3A_23 = arith.addf %get3A_19, %get3A_22 : vector<1x4096xf32>
      %max3A = arith.constant 1.000000e+00 : f32
      %max3A_24 = vector.broadcast %max3A : f32 to vector<1x4096xf32>
      %max3A_25 = arith.maximumf %get3A_16, %max3A_24 : vector<1x4096xf32>
      %div3A = arith.divf %add3A_23, %max3A_25 : vector<1x4096xf32>
      %get3A_26 = arith.constant 0 : index
      %get3A_27 = arith.constant 0 : index
      %get3A_28 = vector.load %arg1[%get3A_26, %get3A_27] : memref<1x4096xf32, #tpu.memory_space<vmem>>, vector<1x4096xf32>
      %add3A_29 = arith.addf %get3A_28, %div3A : vector<1x4096xf32>
      %get3A_30 = arith.constant 0 : index
      %get3A_31 = arith.constant 0 : index
      %get3A_32 = vector.load %arg4[%get3A_30, %get3A_31] : memref<1x1xf32, #tpu.memory_space<vmem>>, vector<1x1xf32>
      %get3A_33 = vector.extract %get3A_32[0, 0] : f32 from vector<1x1xf32>
      %add3A_34 = vector.broadcast %get3A_33 : f32 to vector<1x4096xf32>
      %add3A_35 = arith.addf %add3A_29, %add3A_34 : vector<1x4096xf32>
      %swap3A_36 = arith.constant 0 : index
      %swap3A_37 = arith.constant 0 : index
      %swap3A_38 = vector.load %arg7[%swap3A_36, %swap3A_37] : memref<1x4096xf32, #tpu.memory_space<vmem>>, vector<1x4096xf32>
      tpu.vector_store %arg7[%swap3A_36, %swap3A_37], %add3A_35 {strides = array<i32>} : memref<1x4096xf32, #tpu.memory_space<vmem>>, vector<1x4096xf32>,
      %tanh3A = math.tanh %add3A_35 : vector<1x4096xf32>
      %swap3A_39 = arith.constant 0 : index
      %swap3A_40 = arith.constant 0 : index
      %swap3A_41 = vector.load %arg9[%swap3A_39, %swap3A_40] : memref<1x4096xf32, #tpu.memory_space<vmem>>, vector<1x4096xf32>
      tpu.vector_store %arg9[%swap3A_39, %swap3A_40], %tanh3A {strides = array<i32>} : memref<1x4096xf32, #tpu.memory_space<vmem>>, vector<1x4096xf32>,
      %get3A_42 = arith.constant 0 : index
      %get3A_43 = arith.constant 0 : index
      %get3A_44 = vector.load %arg5[%get3A_42, %get3A_43] : memref<1x4096xf32, #tpu.memory_space<vmem>>, vector<1x4096xf32>
      %swap3A_45 = arith.constant 0 : index
      %swap3A_46 = arith.constant 0 : index
      %swap3A_47 = vector.load %arg8[%swap3A_45, %swap3A_46] : memref<1x4096xf32, #tpu.memory_space<vmem>>, vector<1x4096xf32>
      tpu.vector_store %arg8[%swap3A_45, %swap3A_46], %get3A_44 {strides = array<i32>} : memref<1x4096xf32, #tpu.memory_space<vmem>>, vector<1x4096xf32>,
    } else {
    }
    %mul3A = arith.constant 512 : i32
    %mul3A_2 = arith.muli %arg0, %mul3A : i32
    %get3A = arith.constant 0 : index
    %get3A_3 = arith.index_cast %mul3A_2 : i32 to index
    %get3A_4 = vector.load %arg9[%get3A, %get3A_3] : memref<1x4096xf32, #tpu.memory_space<vmem>>, vector<1x512xf32>
    %get3A_5 = arith.constant 0 : index
    %get3A_6 = arith.constant 0 : index
    %get3A_7 = vector.load %arg8[%get3A_5, %get3A_6] : memref<1x4096xf32, #tpu.memory_space<vmem>>, vector<1x4096xf32>
    %get3A_8 = arith.constant 0 : index
    %get3A_9 = arith.constant 0 : index
    %get3A_10 = vector.load %arg6[%get3A_8, %get3A_9] : memref<512x4096xf32, #tpu.memory_space<vmem>>, vector<512x4096xf32>
    %dot_general3A = arith.constant dense<0.000000e+00> : vector<1x4096xf32>
    %dot_general3A_11 = tpu.matmul %get3A_4, %get3A_10, %dot_general3A {dimension_numbers = #tpu.dot_dimension_numbers<[1], [0], [0], [1], [0, 0, 1, 1], [], []>, transpose_lhs_hint = false} : vector<1x512xf32>, vector<512x4096xf32>, vector<1x4096xf32> -> vector<1x4096xf32>
    %add3A = arith.addf %get3A_7, %dot_general3A_11 : vector<1x4096xf32>
    %swap3A = arith.constant 0 : index
    %swap3A_12 = arith.constant 0 : index
    %swap3A_13 = vector.load %arg8[%swap3A, %swap3A_12] : memref<1x4096xf32, #tpu.memory_space<vmem>>, vector<1x4096xf32>
    tpu.vector_store %arg8[%swap3A, %swap3A_12], %add3A {strides = array<i32>} : memref<1x4096xf32, #tpu.memory_space<vmem>>, vector<1x4096xf32>,
    return
  }
  func.func @transform_0(%arg0: i32) -> (i32, i32) {
    %c0_i32 = arith.constant 0 : i32
    %c0_i32_0 = arith.constant 0 : i32
    %c0_i32_1 = arith.constant 0 : i32
    return %c0_i32, %c0_i32_0 : i32, i32
  }
  func.func @transform_1(%arg0: i32) -> (i32, i32) {
    %c0_i32 = arith.constant 0 : i32
    %c0_i32_0 = arith.constant 0 : i32
    %c0_i32_1 = arith.constant 0 : i32
    return %c0_i32, %c0_i32_0 : i32, i32
  }
  func.func @transform_2(%arg0: i32) -> (i32, i32) {
    %c0_i32 = arith.constant 0 : i32
    %c0_i32_0 = arith.constant 0 : i32
    %c0_i32_1 = arith.constant 0 : i32
    return %c0_i32, %c0_i32_0 : i32, i32
  }
  func.func @transform_3(%arg0: i32) -> (i32, i32) {
    %c0_i32 = arith.constant 0 : i32
    %c0_i32_0 = arith.constant 0 : i32
    %c0_i32_1 = arith.constant 0 : i32
    return %c0_i32, %c0_i32_0 : i32, i32
  }
  func.func @transform_4(%arg0: i32) -> (i32, i32) {
    %c0_i32 = arith.constant 0 : i32
    %c0_i32_0 = arith.constant 0 : i32
    %c0_i32_1 = arith.constant 0 : i32
    return %c0_i32, %c0_i32_0 : i32, i32
  }
  func.func @transform_5(%arg0: i32) -> (i32, i32) {
    %c0_i32 = arith.constant 0 : i32
    %c0_i32_0 = arith.constant 0 : i32
    return %arg0, %c0_i32 : i32, i32
  }
  func.func @transform_6(%arg0: i32) -> (i32, i32) {
    %c0_i32 = arith.constant 0 : i32
    %c0_i32_0 = arith.constant 0 : i32
    %c0_i32_1 = arith.constant 0 : i32
    return %c0_i32, %c0_i32_0 : i32, i32
  }
  func.func @transform_7(%arg0: i32) -> (i32, i32) {
    %c0_i32 = arith.constant 0 : i32
    %c0_i32_0 = arith.constant 0 : i32
    %c0_i32_1 = arith.constant 0 : i32
    return %c0_i32, %c0_i32_0 : i32, i32
  }
}

</mosaic_0001>

<sc_bundles>
// kernel: kernel.11.cloned.1.call-start
scs
__scs_entry_jumppad:
0x0: {  	(pc) =	sbr.rel $0x88, $3  }
0x1: {  	(tag) =	ssettag $0x0;
	lr =	simm.s32 $0x1  }
0x2: {  	[smem:$0x3F97] =	sst lr;
	_ =	strace $0xD0000000  }
0x3: {  	_ = 	snop  }
0x4: {  	_ = 	snop  }
0x5: {  	_ = 	snop  }
0x6: {  	_ = 	snop  }
0x7: {  	_ = 	snop  }
__scs_overlays_trampoline_lowered:
0x8: {  	[smem:$0x3FA6] =	sst s0  }
0x9: {  	[smem:$0x3FA7] =	sst s1  }
0xa: {  	[smem:$0x3FA8] =	sst s2  }
0xb: {  	[smem:$0x3FA9] =	sst s3  }
0xc: {  	[smem:$0x3FAA] =	sst s4  }
0xd: {  	[smem:$0x3FAB] =	sst s5  }
0xe: {  	[smem:$0x3FAC] =	sst s6  }
0xf: {  	[smem:$0x3FAD] =	sst s7  }
0x10: {  	[smem:$0x3FAE] =	sst s8  }
0x11: {  	[smem:$0x3FAF] =	sst s9;
	s0 =	simm.s32 @!p0 $0x0  }
0x12: {  	s1 =	sld [smem:$0x3F95];
	s0 =	simm.s32 @p0 $0x1  }
0x13: {  	[smem:$0x3FB0] =	sst s0;
	s0 =	simm.s32 @!p1 $0x0  }
0x14: {  	s2 =	sld [smem:$0x3F94];
	s0 =	simm.s32 @p1 $0x1  }
0x15: {  	[smem:$0x3FB1] =	sst s0;
	s0 =	simm.s32 @!p2 $0x0  }
0x16: {  	s3 =	sld [smem:$0x3FDB];
	s0 =	simm.s32 @p2 $0x1  }
0x17: {  	s4 =	simm.s32 $0x1BF5;
	[smem:$0x3FB3] =	sst s0  }
0x18: {  	s0 =	sld [smem:$0x3F96];
	_ =	swait.ge [sflag:s4], $0x0  }
0x19: {  	s7 =	sld [smem:$0x3F97]  }
0x1a: {  	s8 =	sadd.s32 $0xFFFFE003, lr  }
0x1b: {  	s9 =	sadd.s32 $0xFFFFFEF7, lr;
	s5 =	simm.s32 $0xFFFFFFFF;
	p2 =	slt.u32 s8, $0xFFFFF086  }
0x1c: {  	p1 =	slt.u32 s9, $0xF7A;
	s5 =	simm.s32 @!p2 $0x0  }
0x1d: {  	s5 =	simm.s32 @p1 $0x1;
	p0 =	seq.s32 s7, s2  }
0x1e: {  	s7 =	smul.u32 @!p0 $0xF7A, s2;
	p2 =	seq.s32 @!p0 s5, $0x0  }
0x1f: {  	s9 =	smul.u32 $0xF7A, s1;
	s8 =	simm.s32 @!p0 $0x1BF5;
	p2 =	por !p2, p0  }
0x20: {  	[sflag:s8] =	ssyncset.s32 @!p0 $0xFFFFF086;
	s6 =	sadd.s32 @!p0 s3, s7;
	s7 =	simm.s32 @!p0 $0x108  }
0x21: {  	s3 =	sadd.s32 s3, s9;
	s6 =	sadd.s32 @!p0 $0x88, s6;
	s7 =	simm.s32 @p2 $0x1082  }
0x22: {  	[simem:s7], [sflag:s8] =	dma.local @!p0 [hbm:s6], $0xF7A  }
0x23: {  	s9 =	sor.u32 $0xD0000000, s2;
	s6 =	simm.s32 $0x108;
	_ =	swait.ge @!p0 [sflag:s8], $0x0  }
0x24: {  	s3 =	sadd.s32 $0x88, s3;
	s6 =	simm.s32 @!p1 $0x1082;
	[sflag:s4] =	ssyncset.s32 $0xFFFFF086  }
0x25: {  	[simem:s6], [sflag:s4] =	dma.local [hbm:s3], $0xF7A  }
0x26: {  	[smem:$0x3F97] =	sst s1;
	(tag) =	ssettag s2;
	_ =	strace s9  }
0x27: {  	s1 =	sld [smem:$0x3FA7]  }
0x28: {  	s2 =	sld [smem:$0x3FA8]  }
0x29: {  	s4 =	sld [smem:$0x3FAA]  }
0x2a: {  	p0 =	seq.s32 s5, $0x0;
	s5 =	sld [smem:$0x3FAB]  }
0x2b: {  	s6 =	sld [smem:$0x3FAC]  }
0x2c: {  	s7 =	sld [smem:$0x3FAD]  }
0x2d: {  	s3 =	simm.s32 $0x108;
	s8 =	sld [smem:$0x3FAE]  }
0x2e: {  	s3 =	simm.s32 @!p0 $0x1082;
	s9 =	sld [smem:$0x3FAF]  }
0x2f: {  	lr =	sadd.s32 s0, s3;
	s0 =	sld [smem:$0x3FA6]  }
0x30: {  	s3 =	sld [smem:$0x3FA9]  }
0x31: {  	[smem:$0x3FB2] =	sst s10  }
0x32: {  	s10 =	sld [smem:$0x3FB0];
	_ =	sdelay $0x3  }
0x33: {  	p0 =	seq.s32 s10, $0x1;
	s10 =	sld [smem:$0x3FB2];
	_ =	sdelay $0x3  }
0x34: {  	[smem:$0x3FB2] =	sst s10  }
0x35: {  	s10 =	sld [smem:$0x3FB1];
	_ =	sdelay $0x3  }
0x36: {  	p1 =	seq.s32 s10, $0x1;
	s10 =	sld [smem:$0x3FB2];
	_ =	sdelay $0x3  }
0x37: {  	[smem:$0x3FB2] =	sst s10  }
0x38: {  	s10 =	sld [smem:$0x3FB3]  }
0x39: {  	_ = 	snop;
	(pc) =	sbr.ind lr, $3  }
0x3a: {  	_ = 	snop  }
0x3b: {  	_ = 	snop  }
0x3c: {  	p2 =	seq.s32 s10, $0x1;
	s10 =	sld [smem:$0x3FB2]  }
0x3d: {  	_ =	shalt  }
0x3e: {  	_ =	shalt  }
0x3f: {  	_ =	shalt  }
0x40: {  	_ =	shalt  }
0x41: {  	_ =	shalt  }
0x42: {  	_ =	shalt  }
0x43: {  	_ =	shalt  }
0x44: {  	_ =	shalt  }
0x45: {  	_ =	shalt  }
0x46: {  	_ =	shalt  }
0x47: {  	_ =	shalt  }
0x48: {  	_ =	shalt  }
0x49: {  	_ =	shalt  }
0x4a: {  	_ =	shalt  }
0x4b: {  	_ =	shalt  }
0x4c: {  	_ =	shalt  }
0x4d: {  	_ =	shalt  }
0x4e: {  	_ =	shalt  }
0x4f: {  	_ =	shalt  }
0x50: {  	_ =	shalt  }
0x51: {  	_ =	shalt  }
0x52: {  	_ =	shalt  }
0x53: {  	_ =	shalt  }
0x54: {  	_ =	shalt  }
0x55: {  	_ =	shalt  }
0x56: {  	_ =	shalt  }
0x57: {  	_ =	shalt  }
0x58: {  	_ =	shalt  }
0x59: {  	_ =	shalt  }
0x5a: {  	_ =	shalt  }
0x5b: {  	_ =	shalt  }
0x5c: {  	_ =	shalt  }
0x5d: {  	_ =	shalt  }
0x5e: {  	_ =	shalt  }
0x5f: {  	_ =	shalt  }
0x60: {  	_ =	shalt  }
0x61: {  	_ =	shalt  }
0x62: {  	_ =	shalt  }
0x63: {  	_ =	shalt  }
0x64: {  	_ =	shalt  }
0x65: {  	_ =	shalt  }
0x66: {  	_ =	shalt  }
0x67: {  	_ =	shalt  }
0x68: {  	_ =	shalt  }
0x69: {  	_ =	shalt  }
0x6a: {  	_ =	shalt  }
0x6b: {  	_ =	shalt  }
0x6c: {  	_ =	shalt  }
0x6d: {  	_ =	shalt  }
0x6e: {  	_ =	shalt  }
0x6f: {  	_ =	shalt  }
0x70: {  	_ =	shalt  }
0x71: {  	_ =	shalt  }
0x72: {  	_ =	shalt  }
0x73: {  	_ =	shalt  }
0x74: {  	_ =	shalt  }
0x75: {  	_ =	shalt  }
0x76: {  	_ =	shalt  }
0x77: {  	_ =	shalt  }
0x78: {  	_ =	shalt  }
0x79: {  	_ =	shalt  }
0x7a: {  	_ =	shalt  }
0x7b: {  	_ =	shalt  }
0x7c: {  	_ =	shalt  }
0x7d: {  	_ =	shalt  }
0x7e: {  	_ =	shalt  }
0x7f: {  	_ =	shalt  }
0x80: {  	_ =	shalt  }
0x81: {  	_ =	shalt  }
0x82: {  	_ =	shalt  }
0x83: {  	_ =	shalt  }
0x84: {  	_ =	shalt  }
0x85: {  	_ =	shalt  }
0x86: {  	_ =	shalt  }
0x87: {  	_ =	shalt  }
.Lfunc_end0:
.L_simem_size_0:
called_computation.1_lowered:
.L_overlay_start_0:
0x88: {  	s2 =	sld [smem:$0x3FD9]  }
0x89: {  	s3 =	sld [smem:$0x3FFE];
	_ =	sdelay $0x1  }
0x8a: {  	s1 =	srdreg.scid  }
0x8b: {  	s0 =	sand.u32 $0x1, s1  }
0x8c: {  	s14 =	sshll.u32 s0, $0xA;
	s2 =	sadd.s32 s3, s2  }
0x8d: {  	s2 =	sadd.s32 s2, s14  }
0x8e: {  	[smem:$0x3FBE] =	sst s2  }
0x8f: {  	_ = 	snop  }
0x90: {  	s2 =	sld [smem:$0x3FD0];
	_ =	sdelay $0x2  }
0x91: {  	s4 =	simm.s32 $0xA;
	s5 =	simm.s32 $0x10;
	s15 =	sld [smem:$0x3FC8]  }
0x92: {  	[smem:s5], [sflag:s4] =	dma.local [hbm:s2], $0x1  }
0x93: {  	_ =	swait.eq [sflag:s4], $0x1  }
0x94: {  	[sflag:s4] =	ssyncset.done $0x0  }
0x95: {  	[sflag:s4] =	ssyncadd.s32 $0xFFFFFFFF  }
0x96: {  	s16 =	sld [smem:$0x11];
	(tm) =	ssettm $0x1  }
0x97: {  	s17 =	sld [smem:$0x3FFB];
	_ =	sdelay $0x3  }
0x98: {  	_ =	strace s17  }
0x99: {  	s4 =	sld [smem:$0x3FFC];
	_ =	sdelay $0x3  }
0x9a: {  	_ =	strace s4  }
0x9b: {  	s4 =	sld [smem:$0x3FFD];
	_ =	sdelay $0x3  }
0x9c: {  	_ =	strace s4  }
0x9d: {  	_ =	strace $0x8FFFFFFF  }
0x9e: {  	s18 =	sld [smem:$0x3FDB];
	_ =	sdelay $0x1  }
0x9f: {  	s19 =	simm.s32 $_scs_section_size  }
0xa0: {  	s6 =	simm.s32 $_size__tile_overlayer_lowered;
	s7 =	simm.s32 $_tile_overlayer_lowered  }
0xa1: {  	s22 =	simm.s32 $0x1BFF;
	s21 =	sshll.u32 s7, $0x1;
	s4 =	sadd.s32 s19, s18  }
0xa2: {  	s8 =	simm.s32 $0x0;
	s20 =	sshll.u32 s6, $0x1;
	s6 =	sadd.s32 s21, s4  }
0xa3: {  	[timem:s8], [sflag:s22] =	dma.local [hbm:s6], s20  }
0xa4: {  	_ =	swait.ge [sflag:s22], s20  }
0xa5: {  	s5 =	ssub.s32 $0x0, s20;
	[sflag:s22] =	ssyncset.done $0x0  }
0xa6: {  	[sflag:s22] =	ssyncadd.s32 s5;
	_ =	sdelay $0x1  }
0xa7: {  	s23 =	simm.s32 $0x1B8B  }
0xa8: {  	_ =	swait.ge [sflag:s23], $0x1  }
0xa9: {  	[sflag:s23] =	ssyncset.done $0x0  }
0xaa: {  	s25 =	simm.s32 $0x1B8E;
	s24 =	sld [smem:$0x3FFE];
	[sflag:s23] =	ssyncadd.s32 $0xFFFFFFFF  }
0xab: {  	s26 =	simm.s32 $execute0_lowered;
	[smem:$0x3FD2] =	sst s25  }
0xac: {  	s6 =	sshll.u32 s26, $0x1;
	_ =	strace $0x8000004F;
	[dreg:$0x1] =	wrdreg $0xFFFFFFFF  }
0xad: {  	s28 =	simm.s32 $_size_execute0_lowered;
	s4 =	sadd.s32 s4, s6;
	[dreg:$0x0] =	wrdreg $0x0  }
0xae: {  	s6 =	sshll.u32 s28, $0x1;
	[dreg:$0x2] =	wrdreg s4  }
0xaf: {  	[dreg:$0x3] =	wrdreg s6  }
0xb0: {  	[dreg:$0x4] =	wrdreg $0xC0  }
0xb1: {  	_ =	task [dreg:s8], $0x5FFFF  }
0xb2: {  	[dreg:$0x1] =	wrdreg $0xFFFFFFFF  }
0xb3: {  	[dreg:$0x0] =	wrdreg $0x60  }
0xb4: {  	[dreg:$0x2] =	wrdreg s16  }
0xb5: {  	[dreg:$0x3] =	wrdreg s15  }
0xb6: {  	[dreg:$0x4] =	wrdreg s24  }
0xb7: {  	[dreg:$0x5] =	wrdreg $0x91000  }
0xb8: {  	[dreg:$0x6] =	wrdreg $0x9  }
0xb9: {  	_ =	task.clear_ibuf [dreg:s8], $0x7FFFF;
	_ =	strace $0x9000004F  }
0xba: {  	s29 =	simm.s32 $0x9;
	_ =	strace $0x80000057  }
0xbb: {  	_ =	swait.ge [sflag:s29], $0x1  }
0xbc: {  	[sflag:s29] =	ssyncadd.s32 $0xFFFFFFFF  }
0xbd: {  	_ =	strace $0x90000057  }
0xbe: {  	_ =	sfence  }
0xbf: {  	s30 =	sld [smem:$0x0];
	_ =	sdelay $0x2  }
0xc0: {  	s31 =	sshll.u32 s1, $0xD;
	s1 =	sshrl.u32 s1, $0x2  }
0xc1: {  	s3 =	sand.u32 $0x4000, s31;
	s1 =	sadd.s32 s1, s30  }
0xc2: {  	s0 =	sor.u32 s3, s0;
	s1 =	sshll.u32 s1, $0x11  }
0xc3: {  	s0 =	sor.u32 s1, s0  }
0xc4: {  	s0 =	sadd.s32 $0x8F2B, s0  }
0xc5: {  	[sflag:s0] =	ssyncadd.remote.s32 $0x1  }
0xc6: {  	_ =	sfence.sel $0xFFFF  }
0xc7: {  	[dreg:$0x0] =	wrdreg $0xFFFFFFFF;
	(pc) =	sbr.abs _section_cstart, $3  }
0xc8: {  	[dreg:$0x1] =	wrdreg $0xFFFFFFFF  }
0xc9: {  	_ =	task.clear_ibuf [dreg:s8], $0x2FFFF;
	_ =	strace $0x9FFFFFFF  }
0xca: {  	(tm) =	ssettm $0x7FFFFFFF  }
0xcb: {  	_ =	shalt  }
tec
execute0_lowered:
.L_overlay_start_1:
0x0: {  	(tag) =	ssettag $0x1  }
0x1: {  	s0 =	rddreg [dreg:$0x1]  }
0x2: {  	s1 =	rddreg [dreg:$0x2]  }
0x3: {  	s3 =	rddreg [dreg:$0x3];
	s2 =	simm.s32 $0x0;
	s4 =	srdreg.scid  }
0x4: {  	s20 =	stileid.u32;
	s30 =	simm.s32 $0x1;
	s31 =	simm.s32 $0x7000  }
0x5: {  	[smem:$0x7FF] =	sst s2;
	s4 =	sand.u32 $0x1, s4;
	s7 =	sshll.u32 s20, $0xE  }
0x6: {  	s25 =	sshll.u32 s20, $0x8;
	s29 =	sshll.u32 s20, $0x6;
	_ =	strace $0x80000050  }
0x7: {  	s5 =	sshll.u32 s4, $0x4;
	s6 =	ssub.s32 $0x2, s4;
	s4 =	sshll.u32 s4, $0x12  }
0x8: {  	s26 =	sshrl.u32 s7, $0x2;
	s1 =	sadd.s32 s5, s1;
	s24 =	sshrl.u32 s6, $0x1  }
0x9: {  	s4 =	sor.u32 s7, s4;
	s5 =	sadd.s32 s25, s3;
	s7 =	sadd.s32 s26, s3  }
0xa: {  	s25 =	simm.s32 $0x80;
	s26 =	simm.s32 $0x100;
	s3 =	simm.s32 $0x0  }
0xb: {  	s6 =	ssub.s32 s6, s24;
	s4 =	sshrl.u32 s4, $0x3;
	s8 =	sadd.s32 $0x1000, s5  }
0xc: {  	s9 =	sadd.s32 $0x2000, s5;
	s10 =	sadd.s32 $0x3000, s5;
	s11 =	sadd.s32 $0x4000, s5  }
0xd: {  	s12 =	sadd.s32 $0x5000, s5;
	s13 =	sadd.s32 $0x6000, s5;
	s14 =	sadd.s32 $0x7000, s5  }
0xe: {  	s15 =	sadd.s32 $0x8000, s5;
	s16 =	sadd.s32 $0x9000, s5;
	s17 =	sadd.s32 $0xA000, s5  }
0xf: {  	s18 =	sadd.s32 $0xB000, s5;
	s19 =	sadd.s32 $0xC000, s5;
	s20 =	sadd.s32 $0xD000, s5  }
0x10: {  	s21 =	sadd.s32 $0xE000, s5;
	s22 =	sadd.s32 $0xF000, s5;
	s4 =	sadd.s32 s0, s4  }
0x11: {  	s0 =	sadd.s32 s29, s1;
	s24 =	smax.u32 s6, $0x1;
	s28 =	sadd.s32 $0x10, s4  }
0x12: {  	v0 =	vimm.f32 $0.0e+00;
	s23 =	sadd.s32 $0x1E00, s0;
	s0 =	simm.s32 $0x2;
	[dreg:$0x5] =	wrdreg s28  }
.LBB2_1:
0x13: {  	_ =	strace $0x80000051  }
0x14: {  	s1 =	rddreg [dreg:$0x0]  }
0x15: {  	[tilespmem:s2], [sflag:$0x1] =	stream.linear.gather [hbm4b:s1+s2], $0x1000, $0x200038;
	[tilespmem:$0xA100] =	vst v63  }
0x16: {  	s28 =	simm.s32 $0x1000  }
0x17: {  	[tilespmem:s28], [sflag:$0x1] =	stream.strided.gather [hbm4b:s4+s25], $0x2000, s26, s25, $0x200038;
	[tilespmem:$0xA100] =	vst v63  }
0x18: {  	s6 =	simm.s32 $0x3000;
	s29 =	rddreg [dreg:$0x5]  }
0x19: {  	[tilespmem:s6], [sflag:$0x1] =	stream.strided.gather [hbm4b:s29+s25], $0x2000, s26, s25, $0x200038;
	[tilespmem:$0xA100] =	vst v63  }
0x1a: {  	_ =	strace $0x90000051  }
0x1b: {  	s1 =	simm.s32 $0x40;
	s6 =	simm.s32 $0x0;
	_ =	strace $0x80000052  }
.LBB2_2:
0x1c: {  	p0 =	sne.s32 s1, $0x3FC0;
	[tilespmem:s6+$0x7000] =	vst v0;
	s6 =	smov.u32 s1;
	s1 =	sadd.s32 $0x40, s1  }
.Ltmp0:
0x1d: {  	(pc) =	sbr.rel @p0 .LBB2_2-.Ltmp0, $2  }
0x1e: {  	_ =	sdelay $0x2  }
0x1f: {  	s6 =	sshra.s32 s6, $0x2  }
0x20: {  	[tilespmem:s6+$0x7000] =	vst v0  }
0x21: {  	_ =	swait.ge [sflag:s30], $0x1000  }
0x22: {  	[sflag:s30] =	ssyncset.done $0x0  }
0x23: {  	[sflag:s30] =	ssyncadd.s32 $0xFFFFF000  }
0x24: {  	_ =	swait.ge [sflag:s30], $0x2000  }
0x25: {  	[sflag:s30] =	ssyncset.done $0x0  }
0x26: {  	[sflag:s30] =	ssyncadd.s32 $0xFFFFE000  }
0x27: {  	_ =	swait.ge [sflag:s30], $0x2000  }
0x28: {  	[sflag:s30] =	ssyncset.done $0x0  }
0x29: {  	[sflag:s30] =	ssyncadd.s32 $0xFFFFE000  }
0x2a: {  	_ =	strace $0x90000052  }
0x2b: {  	s1 =	simm.s32 $0x1020;
	_ =	strace $0x80000053  }
0x2c: {  	v1 =	vld [tilespmem:s1+$0x10];
	_ =	sdelay $0x1  }
0x2d: {  	v3 =	vld [tilespmem:s1+$0xFFFFFFE0]  }
0x2e: {  	v4 =	vld [tilespmem:s1+$0xFFFFFFF0]  }
0x2f: {  	s29 =	simm.s32 $0x1060;
	v5 =	vld [tilespmem:s1+$0x0]  }
0x30: {  	v8 =	vld [tilespmem:s29+$0x10]  }
0x31: {  	v2 =	vld [tilespmem:s29+$0xFFFFFFF0]  }
0x32: {  	v7 =	vld [tilespmem:s29+$0xFFFFFFE0]  }
0x33: {  	v9 =	vld.idx.msk [tilespmem:v1+s2+$0x0], $0xffff  }
0x34: {  	v1 =	vld [tilespmem:s29+$0x0]  }
0x35: {  	v6 =	vld.idx.msk [tilespmem:v3+s2+$0x0], $0xffff  }
0x36: {  	v3 =	vld.idx.msk [tilespmem:v4+s2+$0x0], $0xffff  }
0x37: {  	s1 =	simm.s32 $0x5020;
	v4 =	vld.idx.msk [tilespmem:v5+s2+$0x0], $0xffff  }
0x38: {  	s6 =	simm.s32 $0x4;
	s28 =	simm.s32 $0x10A0;
	v5 =	vld.idx.msk [tilespmem:v8+s2+$0x0], $0xffff;
	[tilespmem:s1+$0x10] =	vst v9  }
.LBB2_4:
0x39: {  	v8 =	vld [tilespmem:s28+$0x10];
	s6 =	sadd.s32 $0x4, s6  }
0x3a: {  	v9 =	vld [tilespmem:s28+$0xFFFFFFF0];
	p0 =	slt.u32 s6, $0x1FC;
	[tilespmem:s1+$0xFFFFFFE0] =	vst v6  }
0x3b: {  	v10 =	vld [tilespmem:s28+$0x0];
	[tilespmem:s1+$0xFFFFFFF0] =	vst v3  }
0x3c: {  	v11 =	vld [tilespmem:s28+$0xFFFFFFE0];
	[tilespmem:s1+$0x0] =	vst v4  }
.Ltmp1:
0x3d: {  	s1 =	sadd.s32 $0x40, s1;
	v6 =	vld.idx.msk [tilespmem:v7+s2+$0x0], $0xffff;
	(pc) =	sbr.rel @p0 .LBB2_4-.Ltmp1, $4  }
0x3e: {  	v3 =	vld.idx.msk [tilespmem:v2+s2+$0x0], $0xffff;
	[tilespmem:s1+$0x10] =	vst v5  }
0x3f: {  	v4 =	vld.idx.msk [tilespmem:v1+s2+$0x0], $0xffff;
	v2 =	vmov v9  }
0x40: {  	v1 =	vmov v10  }
0x41: {  	s28 =	sadd.s32 $0x40, s28;
	v5 =	vld.idx.msk [tilespmem:v8+s2+$0x0], $0xffff;
	v7 =	vmov v11  }
0x42: {  	_ =	sdelay $0x3  }
0x43: {  	v7 =	vld.idx.msk [tilespmem:v7+s2+$0x0], $0xffff  }
0x44: {  	[tilespmem:s1+$0xFFFFFFE0] =	vst v6;
	v2 =	vld.idx.msk [tilespmem:v2+s2+$0x0], $0xffff  }
0x45: {  	v1 =	vld.idx.msk [tilespmem:v1+s2+$0x0], $0xffff;
	[tilespmem:s1+$0xFFFFFFF0] =	vst v3  }
0x46: {  	s29 =	sadd.s32 $0x40, s1;
	[tilespmem:s1+$0x0] =	vst v4  }
0x47: {  	[tilespmem:s29+$0x10] =	vst v5  }
0x48: {  	[tilespmem:s29+$0xFFFFFFE0] =	vst v7  }
0x49: {  	[tilespmem:s29+$0xFFFFFFF0] =	vst v2  }
0x4a: {  	[tilespmem:s29+$0x0] =	vst v1  }
0x4b: {  	_ =	strace $0x90000053  }
0x4c: {  	s1 =	simm.s32 $0x0;
	_ =	strace $0x80000054  }
.LBB2_6:
0x4d: {  	s6 =	sshra.s32 s1, $0x2  }
0x4e: {  	v1 =	vld [tilespmem:s6+$0x3000];
	_ =	sdelay $0x2  }
0x4f: {  	v2 =	vld [tilespmem:s6+$0x5000];
	_ =	sdelay $0x4  }
0x50: {  	[tilespmem:v1+s31+$0x0] =	vst.idx.add.f32.msk $0xffff, v2  }
0x51: {  	v1 =	vld [tilespmem:s6+$0x3010];
	_ =	sdelay $0x2  }
0x52: {  	v2 =	vld [tilespmem:s6+$0x5010];
	_ =	sdelay $0x4  }
0x53: {  	[tilespmem:v1+s31+$0x0] =	vst.idx.add.f32.msk $0xffff, v2  }
0x54: {  	v1 =	vld [tilespmem:s6+$0x3020];
	_ =	sdelay $0x2  }
0x55: {  	v2 =	vld [tilespmem:s6+$0x5020];
	_ =	sdelay $0x4  }
0x56: {  	[tilespmem:v1+s31+$0x0] =	vst.idx.add.f32.msk $0xffff, v2  }
0x57: {  	v1 =	vld [tilespmem:s6+$0x3030];
	_ =	sdelay $0x2  }
0x58: {  	v2 =	vld [tilespmem:s6+$0x5030];
	_ =	sdelay $0x4  }
0x59: {  	[tilespmem:v1+s31+$0x0] =	vst.idx.add.f32.msk $0xffff, v2  }
0x5a: {  	v1 =	vld [tilespmem:s6+$0x3040];
	_ =	sdelay $0x2  }
0x5b: {  	v2 =	vld [tilespmem:s6+$0x5040];
	_ =	sdelay $0x4  }
0x5c: {  	[tilespmem:v1+s31+$0x0] =	vst.idx.add.f32.msk $0xffff, v2  }
0x5d: {  	v1 =	vld [tilespmem:s6+$0x3050];
	_ =	sdelay $0x2  }
0x5e: {  	v2 =	vld [tilespmem:s6+$0x5050];
	_ =	sdelay $0x4  }
0x5f: {  	[tilespmem:v1+s31+$0x0] =	vst.idx.add.f32.msk $0xffff, v2  }
0x60: {  	v1 =	vld [tilespmem:s6+$0x3060];
	_ =	sdelay $0x2  }
0x61: {  	v2 =	vld [tilespmem:s6+$0x5060];
	_ =	sdelay $0x4  }
0x62: {  	[tilespmem:v1+s31+$0x0] =	vst.idx.add.f32.msk $0xffff, v2  }
0x63: {  	v1 =	vld [tilespmem:s6+$0x3070];
	_ =	sdelay $0x2  }
0x64: {  	p0 =	sne.s32 s1, $0x7E00;
	v2 =	vld [tilespmem:s6+$0x5070]  }
.Ltmp2:
0x65: {  	_ = 	snop;
	(pc) =	sbr.rel @p0 .LBB2_6-.Ltmp2, $2  }
0x66: {  	_ =	sdelay $0x2  }
0x67: {  	s1 =	sadd.s32 $0x200, s1;
	[tilespmem:v1+s31+$0x0] =	vst.idx.add.f32.msk $0xffff, v2  }
0x68: {  	_ =	strace $0x90000054  }
0x69: {  	_ =	strace $0x80000055  }
0x6a: {  	[spmem:s7] =	stream.linear.scatter [tilespmem:s31], [sflag:$0x2], $0x1000, $0x200038;
	[tilespmem:$0xA100] =	vst v63  }
0x6b: {  	_ =	swait.ge [sflag:s0], $0x1000  }
0x6c: {  	[sflag:s0] =	ssyncset.done $0x0  }
0x6d: {  	[sflag:s0] =	ssyncadd.s32 $0xFFFFF000  }
0x6e: {  	[bflag:$0x0] =	sbarrier.arrive $0xFFFF  }
0x6f: {  	_ =	strace $0x90000055  }
0x70: {  	s1 =	simm.s32 $0x8000;
	_ =	strace $0x80000056  }
0x71: {  	[tilespmem:s1], [sflag:$0x1] =	stream.linear.gather [spmem:s5], $0x100, $0x200038;
	[tilespmem:$0xA100] =	vst v63  }
0x72: {  	s6 =	simm.s32 $0x8100  }
0x73: {  	[tilespmem:s6], [sflag:$0x1] =	stream.linear.gather [spmem:s8], $0x100, $0x200038;
	[tilespmem:$0xA100] =	vst v63  }
0x74: {  	s6 =	simm.s32 $0x8200  }
0x75: {  	[tilespmem:s6], [sflag:$0x1] =	stream.linear.gather [spmem:s9], $0x100, $0x200038;
	[tilespmem:$0xA100] =	vst v63  }
0x76: {  	s6 =	simm.s32 $0x8300  }
0x77: {  	[tilespmem:s6], [sflag:$0x1] =	stream.linear.gather [spmem:s10], $0x100, $0x200038;
	[tilespmem:$0xA100] =	vst v63  }
0x78: {  	s6 =	simm.s32 $0x8400  }
0x79: {  	[tilespmem:s6], [sflag:$0x1] =	stream.linear.gather [spmem:s11], $0x100, $0x200038;
	[tilespmem:$0xA100] =	vst v63  }
0x7a: {  	s6 =	simm.s32 $0x8500  }
0x7b: {  	[tilespmem:s6], [sflag:$0x1] =	stream.linear.gather [spmem:s12], $0x100, $0x200038;
	[tilespmem:$0xA100] =	vst v63  }
0x7c: {  	s6 =	simm.s32 $0x8600  }
0x7d: {  	[tilespmem:s6], [sflag:$0x1] =	stream.linear.gather [spmem:s13], $0x100, $0x200038;
	[tilespmem:$0xA100] =	vst v63  }
0x7e: {  	s6 =	simm.s32 $0x8700  }
0x7f: {  	[tilespmem:s6], [sflag:$0x1] =	stream.linear.gather [spmem:s14], $0x100, $0x200038;
	[tilespmem:$0xA100] =	vst v63  }
0x80: {  	s6 =	simm.s32 $0x8800  }
0x81: {  	[tilespmem:s6], [sflag:$0x1] =	stream.linear.gather [spmem:s15], $0x100, $0x200038;
	[tilespmem:$0xA100] =	vst v63  }
0x82: {  	s6 =	simm.s32 $0x8900  }
0x83: {  	[tilespmem:s6], [sflag:$0x1] =	stream.linear.gather [spmem:s16], $0x100, $0x200038;
	[tilespmem:$0xA100] =	vst v63  }
0x84: {  	s6 =	simm.s32 $0x8A00  }
0x85: {  	[tilespmem:s6], [sflag:$0x1] =	stream.linear.gather [spmem:s17], $0x100, $0x200038;
	[tilespmem:$0xA100] =	vst v63  }
0x86: {  	s6 =	simm.s32 $0x8B00  }
0x87: {  	[tilespmem:s6], [sflag:$0x1] =	stream.linear.gather [spmem:s18], $0x100, $0x200038;
	[tilespmem:$0xA100] =	vst v63  }
0x88: {  	s6 =	simm.s32 $0x8C00  }
0x89: {  	[tilespmem:s6], [sflag:$0x1] =	stream.linear.gather [spmem:s19], $0x100, $0x200038;
	[tilespmem:$0xA100] =	vst v63  }
0x8a: {  	s6 =	simm.s32 $0x8D00  }
0x8b: {  	[tilespmem:s6], [sflag:$0x1] =	stream.linear.gather [spmem:s20], $0x100, $0x200038;
	[tilespmem:$0xA100] =	vst v63  }
0x8c: {  	s6 =	simm.s32 $0x8E00  }
0x8d: {  	[tilespmem:s6], [sflag:$0x1] =	stream.linear.gather [spmem:s21], $0x100, $0x200038;
	[tilespmem:$0xA100] =	vst v63  }
0x8e: {  	s6 =	simm.s32 $0x8F00  }
0x8f: {  	[tilespmem:s6], [sflag:$0x1] =	stream.linear.gather [spmem:s22], $0x100, $0x200038;
	[tilespmem:$0xA100] =	vst v63  }
0x90: {  	_ =	swait.ge [sflag:s30], $0x100  }
0x91: {  	[sflag:s30] =	ssyncset.done $0x0  }
0x92: {  	[sflag:s30] =	ssyncadd.s32 $0xFFFFFF00  }
0x93: {  	_ =	swait.ge [sflag:s30], $0x100  }
0x94: {  	[sflag:s30] =	ssyncset.done $0x0  }
0x95: {  	[sflag:s30] =	ssyncadd.s32 $0xFFFFFF00  }
0x96: {  	_ =	swait.ge [sflag:s30], $0x100  }
0x97: {  	[sflag:s30] =	ssyncset.done $0x0  }
0x98: {  	[sflag:s30] =	ssyncadd.s32 $0xFFFFFF00  }
0x99: {  	_ =	swait.ge [sflag:s30], $0x100  }
0x9a: {  	[sflag:s30] =	ssyncset.done $0x0  }
0x9b: {  	[sflag:s30] =	ssyncadd.s32 $0xFFFFFF00  }
0x9c: {  	_ =	swait.ge [sflag:s30], $0x100  }
0x9d: {  	[sflag:s30] =	ssyncset.done $0x0  }
0x9e: {  	[sflag:s30] =	ssyncadd.s32 $0xFFFFFF00  }
0x9f: {  	_ =	swait.ge [sflag:s30], $0x100  }
0xa0: {  	[sflag:s30] =	ssyncset.done $0x0  }
0xa1: {  	[sflag:s30] =	ssyncadd.s32 $0xFFFFFF00  }
0xa2: {  	_ =	swait.ge [sflag:s30], $0x100  }
0xa3: {  	[sflag:s30] =	ssyncset.done $0x0  }
0xa4: {  	[sflag:s30] =	ssyncadd.s32 $0xFFFFFF00  }
0xa5: {  	_ =	swait.ge [sflag:s30], $0x100  }
0xa6: {  	[sflag:s30] =	ssyncset.done $0x0  }
0xa7: {  	[sflag:s30] =	ssyncadd.s32 $0xFFFFFF00  }
0xa8: {  	_ =	swait.ge [sflag:s30], $0x100  }
0xa9: {  	[sflag:s30] =	ssyncset.done $0x0  }
0xaa: {  	[sflag:s30] =	ssyncadd.s32 $0xFFFFFF00  }
0xab: {  	_ =	swait.ge [sflag:s30], $0x100  }
0xac: {  	[sflag:s30] =	ssyncset.done $0x0  }
0xad: {  	[sflag:s30] =	ssyncadd.s32 $0xFFFFFF00  }
0xae: {  	_ =	swait.ge [sflag:s30], $0x100  }
0xaf: {  	[sflag:s30] =	ssyncset.done $0x0  }
0xb0: {  	[sflag:s30] =	ssyncadd.s32 $0xFFFFFF00  }
0xb1: {  	_ =	swait.ge [sflag:s30], $0x100  }
0xb2: {  	[sflag:s30] =	ssyncset.done $0x0  }
0xb3: {  	[sflag:s30] =	ssyncadd.s32 $0xFFFFFF00  }
0xb4: {  	_ =	swait.ge [sflag:s30], $0x100  }
0xb5: {  	[sflag:s30] =	ssyncset.done $0x0  }
0xb6: {  	[sflag:s30] =	ssyncadd.s32 $0xFFFFFF00  }
0xb7: {  	_ =	swait.ge [sflag:s30], $0x100  }
0xb8: {  	[sflag:s30] =	ssyncset.done $0x0  }
0xb9: {  	[sflag:s30] =	ssyncadd.s32 $0xFFFFFF00  }
0xba: {  	_ =	swait.ge [sflag:s30], $0x100  }
0xbb: {  	[sflag:s30] =	ssyncset.done $0x0  }
0xbc: {  	[sflag:s30] =	ssyncadd.s32 $0xFFFFFF00  }
0xbd: {  	_ =	swait.ge [sflag:s30], $0x100  }
0xbe: {  	s6 =	simm.s32 $0x0;
	[sflag:s30] =	ssyncset.done $0x0  }
0xbf: {  	s6 =	sand.u32 $0xF0, s6;
	[sflag:s30] =	ssyncadd.s32 $0xFFFFFF00  }
0xc0: {  	v1 =	vld [tilespmem:s6+$0x8100]  }
0xc1: {  	v2 =	vld [tilespmem:s1+$0x0];
	_ =	sdelay $0x1  }
0xc2: {  	v3 =	vld [tilespmem:s6+$0x8200];
	_ =	sdelay $0x1  }
0xc3: {  	v4 =	vld [tilespmem:s6+$0x8300]  }
0xc4: {  	v1 =	vadd.f32 v1, v2  }
0xc5: {  	v2 =	vld [tilespmem:s6+$0x8400]  }
0xc6: {  	v1 =	vadd.f32 v3, v1  }
0xc7: {  	v3 =	vld [tilespmem:s6+$0x8500]  }
0xc8: {  	v1 =	vadd.f32 v4, v1  }
0xc9: {  	v60 =	vld [tilespmem:s6+$0x8600]  }
0xca: {  	v1 =	vadd.f32 v2, v1  }
0xcb: {  	v2 =	vld [tilespmem:s6+$0x8700]  }
0xcc: {  	v1 =	vadd.f32 v3, v1  }
0xcd: {  	v3 =	vld [tilespmem:s6+$0x8800]  }
0xce: {  	v1 =	vadd.f32 v60, v1  }
0xcf: {  	v61 =	vld [tilespmem:s6+$0x8900]  }
0xd0: {  	v1 =	vadd.f32 v2, v1  }
0xd1: {  	v2 =	vld [tilespmem:s6+$0x8A00]  }
0xd2: {  	v1 =	vadd.f32 v3, v1  }
0xd3: {  	v3 =	vld [tilespmem:s6+$0x8B00]  }
0xd4: {  	v1 =	vadd.f32 v61, v1  }
0xd5: {  	v62 =	vld [tilespmem:s6+$0x8C00]  }
0xd6: {  	v1 =	vadd.f32 v2, v1  }
0xd7: {  	v2 =	vld [tilespmem:s6+$0x8D00]  }
0xd8: {  	v1 =	vadd.f32 v3, v1  }
0xd9: {  	v3 =	vld [tilespmem:s6+$0x8E00]  }
0xda: {  	v1 =	vadd.f32 v62, v1  }
0xdb: {  	v63 =	vld [tilespmem:s6+$0x8F00]  }
0xdc: {  	v1 =	vadd.f32 v2, v1;
	_ =	sdelay $0x1  }
0xdd: {  	v1 =	vadd.f32 v3, v1;
	_ =	sdelay $0x1  }
0xde: {  	v1 =	vadd.f32 v63, v1  }
0xdf: {  	s1 =	simm.s32 $0x9000;
	s6 =	simm.s32 $0x10  }
0xe0: {  	s28 =	sand.u32 $0xF0, s6;
	[tilespmem:s1+$0x0] =	vst v1  }
0xe1: {  	s29 =	simm.s32 $0x8010;
	s6 =	simm.s32 $0x20;
	v1 =	vld [tilespmem:s28+$0x8100]  }
.LBB2_8:
0xe2: {  	p0 =	sne.s32 s6, $0xF0;
	v2 =	vld [tilespmem:s29+$0x0];
	_ =	sdelay $0x1  }
0xe3: {  	v3 =	vld [tilespmem:s28+$0x8200];
	_ =	sdelay $0x1  }
0xe4: {  	v4 =	vld [tilespmem:s28+$0x8300]  }
0xe5: {  	v1 =	vadd.f32 v1, v2  }
0xe6: {  	v2 =	vld [tilespmem:s28+$0x8400]  }
0xe7: {  	v1 =	vadd.f32 v3, v1  }
0xe8: {  	v3 =	vld [tilespmem:s28+$0x8500]  }
0xe9: {  	v1 =	vadd.f32 v4, v1  }
0xea: {  	v4 =	vld [tilespmem:s28+$0x8600]  }
0xeb: {  	v1 =	vadd.f32 v2, v1  }
0xec: {  	v2 =	vld [tilespmem:s28+$0x8700]  }
0xed: {  	v1 =	vadd.f32 v3, v1  }
0xee: {  	v3 =	vld [tilespmem:s28+$0x8800]  }
0xef: {  	v1 =	vadd.f32 v4, v1  }
0xf0: {  	v4 =	vld [tilespmem:s28+$0x8900]  }
0xf1: {  	v1 =	vadd.f32 v2, v1  }
0xf2: {  	v2 =	vld [tilespmem:s28+$0x8A00]  }
0xf3: {  	v1 =	vadd.f32 v3, v1  }
0xf4: {  	v3 =	vld [tilespmem:s28+$0x8B00]  }
0xf5: {  	v1 =	vadd.f32 v4, v1  }
0xf6: {  	v4 =	vld [tilespmem:s28+$0x8C00]  }
0xf7: {  	v1 =	vadd.f32 v2, v1  }
0xf8: {  	v2 =	vld [tilespmem:s28+$0x8D00]  }
0xf9: {  	v1 =	vadd.f32 v3, v1  }
0xfa: {  	v3 =	vld [tilespmem:s28+$0x8E00]  }
0xfb: {  	v1 =	vadd.f32 v4, v1  }
0xfc: {  	v4 =	vld [tilespmem:s28+$0x8F00]  }
0xfd: {  	v1 =	vadd.f32 v2, v1;
	_ =	sdelay $0x1  }
0xfe: {  	v1 =	vadd.f32 v3, v1  }
.Ltmp3:
0xff: {  	(pc) =	sbr.rel @p0 .LBB2_8-.Ltmp3, $4  }
0x100: {  	v1 =	vadd.f32 v4, v1  }
0x101: {  	s1 =	sadd.s32 $0x10, s1  }
0x102: {  	s28 =	sand.u32 $0xF0, s6;
	[tilespmem:s1+$0x0] =	vst v1  }
0x103: {  	s29 =	sadd.s32 $0x10, s29;
	s6 =	sadd.s32 $0x10, s6;
	v1 =	vld [tilespmem:s28+$0x8100]  }
0x104: {  	v2 =	vld [tilespmem:s29+$0x0];
	_ =	sdelay $0x1  }
0x105: {  	v3 =	vld [tilespmem:s28+$0x8200];
	_ =	sdelay $0x1  }
0x106: {  	v4 =	vld [tilespmem:s28+$0x8300]  }
0x107: {  	v1 =	vadd.f32 v1, v2  }
0x108: {  	v2 =	vld [tilespmem:s28+$0x8400]  }
0x109: {  	v1 =	vadd.f32 v3, v1  }
0x10a: {  	v3 =	vld [tilespmem:s28+$0x8500]  }
0x10b: {  	v1 =	vadd.f32 v4, v1  }
0x10c: {  	v60 =	vld [tilespmem:s28+$0x8600]  }
0x10d: {  	v1 =	vadd.f32 v2, v1  }
0x10e: {  	v2 =	vld [tilespmem:s28+$0x8700]  }
0x10f: {  	v1 =	vadd.f32 v3, v1  }
0x110: {  	v3 =	vld [tilespmem:s28+$0x8800]  }
0x111: {  	v1 =	vadd.f32 v60, v1  }
0x112: {  	v61 =	vld [tilespmem:s28+$0x8900]  }
0x113: {  	v1 =	vadd.f32 v2, v1  }
0x114: {  	v2 =	vld [tilespmem:s28+$0x8A00]  }
0x115: {  	v1 =	vadd.f32 v3, v1  }
0x116: {  	v3 =	vld [tilespmem:s28+$0x8B00]  }
0x117: {  	v1 =	vadd.f32 v61, v1  }
0x118: {  	v62 =	vld [tilespmem:s28+$0x8C00]  }
0x119: {  	v1 =	vadd.f32 v2, v1  }
0x11a: {  	v2 =	vld [tilespmem:s28+$0x8D00]  }
0x11b: {  	v1 =	vadd.f32 v3, v1  }
0x11c: {  	v3 =	vld [tilespmem:s28+$0x8E00]  }
0x11d: {  	v1 =	vadd.f32 v62, v1  }
0x11e: {  	v63 =	vld [tilespmem:s28+$0x8F00]  }
0x11f: {  	v1 =	vadd.f32 v2, v1;
	_ =	sdelay $0x1  }
0x120: {  	v1 =	vadd.f32 v3, v1;
	_ =	sdelay $0x1  }
0x121: {  	v1 =	vadd.f32 v63, v1  }
0x122: {  	s1 =	sadd.s32 $0x10, s1;
	s3 =	sadd.s32 $0x1, s3  }
0x123: {  	s29 =	simm.s32 $0x9000;
	p0 =	sne.s32 s3, s24;
	[tilespmem:s1+$0x0] =	vst v1  }
0x124: {  	[hbm4b:s23+s25] =	stream.strided.scatter [tilespmem:s29], [sflag:$0x2], $0x100, s26, s25, $0x200038;
	[tilespmem:$0xA100] =	vst v63  }
.Ltmp4:
0x125: {  	_ = 	snop;
	(pc) =	sbr.rel @p0 .LBB2_1-.Ltmp4, $4  }
0x126: {  	_ =	swait.ge [sflag:s0], $0x100  }
0x127: {  	[sflag:s0] =	ssyncset.done $0x0  }
0x128: {  	[sflag:s0] =	ssyncadd.s32 $0xFFFFFF00  }
0x129: {  	_ =	strace $0x90000056  }
0x12a: {  	_ =	sfence.sel $0x180000  }
0x12b: {  	[bflag:$0x0] =	sbarrier.arrive $0xFFFF  }
0x12c: {  	_ =	strace $0x90000050  }
0x12d: {  	s0 =	stileid.u32;
	[bflag:$0x2] =	sbarrier.arrive $0xFFFF  }
0x12e: {  	p0 =	sne.s32 s0, $0x0;
	s0 =	rddreg [dreg:$0x4]  }
0x12f: {  	s0 =	sadd.s32 @!p0 $0x100000, s0  }
0x130: {  	[sflag:s0] =	ssyncadd.tile.s32 @!p0 $0x1;
	_ =	shalt  }
.Lfunc_end2:
_tile_overlayer_lowered:
.L_overlay_start_2:
0x131: {  	(tag) =	ssettag $0x2  }
0x132: {  	s0 =	rddreg [dreg:$0x0];
	s2 =	stileid.u32  }
0x133: {  	s1 =	rddreg [dreg:$0x1];
	p0 =	sne.s32 s2, $0x0  }
0x134: {  	s3 =	rddreg [dreg:$0x2];
	[bflag:$0x3] =	sbarrier.arrive $0xFFFF;
	s2 =	simm.s32 @!p0 $0x1C02  }
0x135: {  	[timem:s3], [sflag:s2] =	dma.local @!p0 [hbm:s0], s1  }
0x136: {  	s0 =	simm.s32 @!p0 $0x2  }
0x137: {  	_ =	swait.ge @!p0 [sflag:s0], s1  }
0x138: {  	s1 =	ssub.s32 @!p0 $0x0, s1;
	[sflag:s0] =	ssyncset.done @!p0 $0x0  }
0x139: {  	[sflag:s0] =	ssyncadd.s32 @!p0 s1  }
0x13a: {  	[bflag:$0x3] =	sbarrier.arrive $0xFFFF  }
0x13b: {  	_ =	shalt  }

// kernel: kernel.8.cloned.1.call-start
scs
__scs_entry_jumppad:
0x0: {  	(pc) =	sbr.rel $0x88, $3  }
0x1: {  	(tag) =	ssettag $0x0;
	lr =	simm.s32 $0x1  }
0x2: {  	[smem:$0x3F97] =	sst lr;
	_ =	strace $0xD0000000  }
0x3: {  	_ = 	snop  }
0x4: {  	_ = 	snop  }
0x5: {  	_ = 	snop  }
0x6: {  	_ = 	snop  }
0x7: {  	_ = 	snop  }
__scs_overlays_trampoline_lowered:
0x8: {  	[smem:$0x3FA6] =	sst s0  }
0x9: {  	[smem:$0x3FA7] =	sst s1  }
0xa: {  	[smem:$0x3FA8] =	sst s2  }
0xb: {  	[smem:$0x3FA9] =	sst s3  }
0xc: {  	[smem:$0x3FAA] =	sst s4  }
0xd: {  	[smem:$0x3FAB] =	sst s5  }
0xe: {  	[smem:$0x3FAC] =	sst s6  }
0xf: {  	[smem:$0x3FAD] =	sst s7  }
0x10: {  	[smem:$0x3FAE] =	sst s8  }
0x11: {  	[smem:$0x3FAF] =	sst s9;
	s0 =	simm.s32 @!p0 $0x0  }
0x12: {  	s1 =	sld [smem:$0x3F95];
	s0 =	simm.s32 @p0 $0x1  }
0x13: {  	[smem:$0x3FB0] =	sst s0;
	s0 =	simm.s32 @!p1 $0x0  }
0x14: {  	s2 =	sld [smem:$0x3F94];
	s0 =	simm.s32 @p1 $0x1  }
0x15: {  	[smem:$0x3FB1] =	sst s0;
	s0 =	simm.s32 @!p2 $0x0  }
0x16: {  	s3 =	sld [smem:$0x3FDB];
	s0 =	simm.s32 @p2 $0x1  }
0x17: {  	s4 =	simm.s32 $0x1BF5;
	[smem:$0x3FB3] =	sst s0  }
0x18: {  	s0 =	sld [smem:$0x3F96];
	_ =	swait.ge [sflag:s4], $0x0  }
0x19: {  	s7 =	sld [smem:$0x3F97]  }
0x1a: {  	s8 =	sadd.s32 $0xFFFFE003, lr  }
0x1b: {  	s9 =	sadd.s32 $0xFFFFFEF7, lr;
	s5 =	simm.s32 $0xFFFFFFFF;
	p2 =	slt.u32 s8, $0xFFFFF086  }
0x1c: {  	p1 =	slt.u32 s9, $0xF7A;
	s5 =	simm.s32 @!p2 $0x0  }
0x1d: {  	s5 =	simm.s32 @p1 $0x1;
	p0 =	seq.s32 s7, s2  }
0x1e: {  	s7 =	smul.u32 @!p0 $0xF7A, s2;
	p2 =	seq.s32 @!p0 s5, $0x0  }
0x1f: {  	s9 =	smul.u32 $0xF7A, s1;
	s8 =	simm.s32 @!p0 $0x1BF5;
	p2 =	por !p2, p0  }
0x20: {  	[sflag:s8] =	ssyncset.s32 @!p0 $0xFFFFF086;
	s6 =	sadd.s32 @!p0 s3, s7;
	s7 =	simm.s32 @!p0 $0x108  }
0x21: {  	s3 =	sadd.s32 s3, s9;
	s6 =	sadd.s32 @!p0 $0x88, s6;
	s7 =	simm.s32 @p2 $0x1082  }
0x22: {  	[simem:s7], [sflag:s8] =	dma.local @!p0 [hbm:s6], $0xF7A  }
0x23: {  	s9 =	sor.u32 $0xD0000000, s2;
	s6 =	simm.s32 $0x108;
	_ =	swait.ge @!p0 [sflag:s8], $0x0  }
0x24: {  	s3 =	sadd.s32 $0x88, s3;
	s6 =	simm.s32 @!p1 $0x1082;
	[sflag:s4] =	ssyncset.s32 $0xFFFFF086  }
0x25: {  	[simem:s6], [sflag:s4] =	dma.local [hbm:s3], $0xF7A  }
0x26: {  	[smem:$0x3F97] =	sst s1;
	(tag) =	ssettag s2;
	_ =	strace s9  }
0x27: {  	s1 =	sld [smem:$0x3FA7]  }
0x28: {  	s2 =	sld [smem:$0x3FA8]  }
0x29: {  	s4 =	sld [smem:$0x3FAA]  }
0x2a: {  	p0 =	seq.s32 s5, $0x0;
	s5 =	sld [smem:$0x3FAB]  }
0x2b: {  	s6 =	sld [smem:$0x3FAC]  }
0x2c: {  	s7 =	sld [smem:$0x3FAD]  }
0x2d: {  	s3 =	simm.s32 $0x108;
	s8 =	sld [smem:$0x3FAE]  }
0x2e: {  	s3 =	simm.s32 @!p0 $0x1082;
	s9 =	sld [smem:$0x3FAF]  }
0x2f: {  	lr =	sadd.s32 s0, s3;
	s0 =	sld [smem:$0x3FA6]  }
0x30: {  	s3 =	sld [smem:$0x3FA9]  }
0x31: {  	[smem:$0x3FB2] =	sst s10  }
0x32: {  	s10 =	sld [smem:$0x3FB0];
	_ =	sdelay $0x3  }
0x33: {  	p0 =	seq.s32 s10, $0x1;
	s10 =	sld [smem:$0x3FB2];
	_ =	sdelay $0x3  }
0x34: {  	[smem:$0x3FB2] =	sst s10  }
0x35: {  	s10 =	sld [smem:$0x3FB1];
	_ =	sdelay $0x3  }
0x36: {  	p1 =	seq.s32 s10, $0x1;
	s10 =	sld [smem:$0x3FB2];
	_ =	sdelay $0x3  }
0x37: {  	[smem:$0x3FB2] =	sst s10  }
0x38: {  	s10 =	sld [smem:$0x3FB3]  }
0x39: {  	_ = 	snop;
	(pc) =	sbr.ind lr, $3  }
0x3a: {  	_ = 	snop  }
0x3b: {  	_ = 	snop  }
0x3c: {  	p2 =	seq.s32 s10, $0x1;
	s10 =	sld [smem:$0x3FB2]  }
0x3d: {  	_ =	shalt  }
0x3e: {  	_ =	shalt  }
0x3f: {  	_ =	shalt  }
0x40: {  	_ =	shalt  }
0x41: {  	_ =	shalt  }
0x42: {  	_ =	shalt  }
0x43: {  	_ =	shalt  }
0x44: {  	_ =	shalt  }
0x45: {  	_ =	shalt  }
0x46: {  	_ =	shalt  }
0x47: {  	_ =	shalt  }
0x48: {  	_ =	shalt  }
0x49: {  	_ =	shalt  }
0x4a: {  	_ =	shalt  }
0x4b: {  	_ =	shalt  }
0x4c: {  	_ =	shalt  }
0x4d: {  	_ =	shalt  }
0x4e: {  	_ =	shalt  }
0x4f: {  	_ =	shalt  }
0x50: {  	_ =	shalt  }
0x51: {  	_ =	shalt  }
0x52: {  	_ =	shalt  }
0x53: {  	_ =	shalt  }
0x54: {  	_ =	shalt  }
0x55: {  	_ =	shalt  }
0x56: {  	_ =	shalt  }
0x57: {  	_ =	shalt  }
0x58: {  	_ =	shalt  }
0x59: {  	_ =	shalt  }
0x5a: {  	_ =	shalt  }
0x5b: {  	_ =	shalt  }
0x5c: {  	_ =	shalt  }
0x5d: {  	_ =	shalt  }
0x5e: {  	_ =	shalt  }
0x5f: {  	_ =	shalt  }
0x60: {  	_ =	shalt  }
0x61: {  	_ =	shalt  }
0x62: {  	_ =	shalt  }
0x63: {  	_ =	shalt  }
0x64: {  	_ =	shalt  }
0x65: {  	_ =	shalt  }
0x66: {  	_ =	shalt  }
0x67: {  	_ =	shalt  }
0x68: {  	_ =	shalt  }
0x69: {  	_ =	shalt  }
0x6a: {  	_ =	shalt  }
0x6b: {  	_ =	shalt  }
0x6c: {  	_ =	shalt  }
0x6d: {  	_ =	shalt  }
0x6e: {  	_ =	shalt  }
0x6f: {  	_ =	shalt  }
0x70: {  	_ =	shalt  }
0x71: {  	_ =	shalt  }
0x72: {  	_ =	shalt  }
0x73: {  	_ =	shalt  }
0x74: {  	_ =	shalt  }
0x75: {  	_ =	shalt  }
0x76: {  	_ =	shalt  }
0x77: {  	_ =	shalt  }
0x78: {  	_ =	shalt  }
0x79: {  	_ =	shalt  }
0x7a: {  	_ =	shalt  }
0x7b: {  	_ =	shalt  }
0x7c: {  	_ =	shalt  }
0x7d: {  	_ =	shalt  }
0x7e: {  	_ =	shalt  }
0x7f: {  	_ =	shalt  }
0x80: {  	_ =	shalt  }
0x81: {  	_ =	shalt  }
0x82: {  	_ =	shalt  }
0x83: {  	_ =	shalt  }
0x84: {  	_ =	shalt  }
0x85: {  	_ =	shalt  }
0x86: {  	_ =	shalt  }
0x87: {  	_ =	shalt  }
.Lfunc_end0:
.L_simem_size_0:
called_computation_lowered:
.L_overlay_start_0:
0x88: {  	s2 =	sld [smem:$0x3FD9]  }
0x89: {  	s3 =	sld [smem:$0x3FFE];
	_ =	sdelay $0x1  }
0x8a: {  	s1 =	srdreg.scid  }
0x8b: {  	s0 =	sand.u32 $0x1, s1  }
0x8c: {  	s17 =	sshll.u32 s0, $0xA;
	s2 =	sadd.s32 s3, s2  }
0x8d: {  	s2 =	sadd.s32 s2, s17  }
0x8e: {  	[smem:$0x3FBE] =	sst s2  }
0x8f: {  	_ = 	snop  }
0x90: {  	s2 =	sld [smem:$0x3FC9]  }
0x91: {  	s18 =	sld [smem:$0x3FC8];
	(tm) =	ssettm $0x1  }
0x92: {  	s4 =	sld [smem:$0x3FFB];
	_ =	sdelay $0x3  }
0x93: {  	_ =	strace s4  }
0x94: {  	s4 =	sld [smem:$0x3FFC];
	_ =	sdelay $0x3  }
0x95: {  	_ =	strace s4  }
0x96: {  	s4 =	sld [smem:$0x3FFD];
	_ =	sdelay $0x3  }
0x97: {  	_ =	strace s4  }
0x98: {  	_ =	strace $0x8FFFFFFF  }
0x99: {  	s19 =	sld [smem:$0x3FDB];
	_ =	sdelay $0x1  }
0x9a: {  	s5 =	simm.s32 $_scs_section_size  }
0x9b: {  	s6 =	simm.s32 $_size__tile_overlayer_lowered;
	s7 =	simm.s32 $_tile_overlayer_lowered  }
0x9c: {  	s22 =	simm.s32 $0x1BFF;
	s21 =	sshll.u32 s7, $0x1;
	s4 =	sadd.s32 s5, s19  }
0x9d: {  	s8 =	simm.s32 $0x0;
	s20 =	sshll.u32 s6, $0x1;
	s6 =	sadd.s32 s21, s4  }
0x9e: {  	[timem:s8], [sflag:s22] =	dma.local [hbm:s6], s20  }
0x9f: {  	_ =	swait.ge [sflag:s22], s20  }
0xa0: {  	s5 =	ssub.s32 $0x0, s20;
	[sflag:s22] =	ssyncset.done $0x0  }
0xa1: {  	[sflag:s22] =	ssyncadd.s32 s5;
	_ =	sdelay $0x1  }
0xa2: {  	s23 =	simm.s32 $0x1B8B  }
0xa3: {  	_ =	swait.ge [sflag:s23], $0x1  }
0xa4: {  	[sflag:s23] =	ssyncset.done $0x0  }
0xa5: {  	s25 =	simm.s32 $0x1B8E;
	s24 =	sld [smem:$0x3FFE];
	[sflag:s23] =	ssyncadd.s32 $0xFFFFFFFF  }
0xa6: {  	s26 =	simm.s32 $execute0_lowered;
	[smem:$0x3FD2] =	sst s25  }
0xa7: {  	s6 =	sshll.u32 s26, $0x1;
	_ =	strace $0x80000046;
	[dreg:$0x1] =	wrdreg $0xFFFFFFFF  }
0xa8: {  	s28 =	simm.s32 $_size_execute0_lowered;
	s4 =	sadd.s32 s4, s6;
	[dreg:$0x0] =	wrdreg $0x0  }
0xa9: {  	s6 =	sshll.u32 s28, $0x1;
	[dreg:$0x2] =	wrdreg s4  }
0xaa: {  	[dreg:$0x3] =	wrdreg s6  }
0xab: {  	[dreg:$0x4] =	wrdreg $0xC0  }
0xac: {  	_ =	task [dreg:s8], $0x5FFFF  }
0xad: {  	[dreg:$0x1] =	wrdreg $0xFFFFFFFF  }
0xae: {  	[dreg:$0x0] =	wrdreg $0x60  }
0xaf: {  	[dreg:$0x2] =	wrdreg s2  }
0xb0: {  	[dreg:$0x3] =	wrdreg s18  }
0xb1: {  	[dreg:$0x4] =	wrdreg s24  }
0xb2: {  	[dreg:$0x5] =	wrdreg $0xA1000  }
0xb3: {  	[dreg:$0x6] =	wrdreg $0xB1000  }
0xb4: {  	[dreg:$0x7] =	wrdreg $0x9  }
0xb5: {  	_ =	task.clear_ibuf [dreg:s8], $0x8FFFF;
	_ =	strace $0x90000046  }
0xb6: {  	s29 =	simm.s32 $0x9;
	_ =	strace $0x8000004E  }
0xb7: {  	_ =	swait.ge [sflag:s29], $0x1  }
0xb8: {  	[sflag:s29] =	ssyncadd.s32 $0xFFFFFFFF  }
0xb9: {  	_ =	strace $0x9000004E  }
0xba: {  	_ =	sfence  }
0xbb: {  	s30 =	sld [smem:$0x0];
	_ =	sdelay $0x2  }
0xbc: {  	s31 =	sshll.u32 s1, $0xD;
	s1 =	sshrl.u32 s1, $0x2  }
0xbd: {  	s3 =	sand.u32 $0x4000, s31;
	s1 =	sadd.s32 s1, s30  }
0xbe: {  	s0 =	sor.u32 s3, s0;
	s1 =	sshll.u32 s1, $0x11  }
0xbf: {  	s0 =	sor.u32 s1, s0  }
0xc0: {  	s0 =	sadd.s32 $0x8F2B, s0  }
0xc1: {  	[sflag:s0] =	ssyncadd.remote.s32 $0x1  }
0xc2: {  	_ =	sfence.sel $0xFFFF  }
0xc3: {  	[dreg:$0x0] =	wrdreg $0xFFFFFFFF;
	(pc) =	sbr.abs _section_cstart, $3  }
0xc4: {  	[dreg:$0x1] =	wrdreg $0xFFFFFFFF  }
0xc5: {  	_ =	task.clear_ibuf [dreg:s8], $0x2FFFF;
	_ =	strace $0x9FFFFFFF  }
0xc6: {  	(tm) =	ssettm $0x7FFFFFFF  }
0xc7: {  	_ =	shalt  }
tec
execute0_lowered:
.L_overlay_start_1:
0x0: {  	(tag) =	ssettag $0x1  }
0x1: {  	s2 =	rddreg [dreg:$0x1]  }
0x2: {  	s3 =	rddreg [dreg:$0x2]  }
0x3: {  	s4 =	rddreg [dreg:$0x3]  }
0x4: {  	s1 =	srdreg.scid;
	s0 =	rddreg [dreg:$0x4]  }
0x5: {  	s10 =	stileid.u32;
	s28 =	simm.s32 $0x9B00;
	s29 =	simm.s32 $0x9C00  }
0x6: {  	s30 =	simm.s32 $0x9D00;
	s31 =	simm.s32 $0x9E00;
	s5 =	sand.u32 $0x1, s1  }
0x7: {  	s1 =	simm.s32 $0x0;
	s6 =	sshll.u32 s10, $0x6;
	s9 =	sshll.u32 s10, $0xB  }
0x8: {  	s12 =	sshll.u32 s10, $0xC;
	s7 =	sshll.u32 s5, $0x4;
	[smem:$0x7FF] =	sst s1  }
0x9: {  	s11 =	ssub.s32 $0x2, s5;
	s5 =	sshll.u32 s5, $0xF;
	s13 =	sadd.s32 s12, s4  }
0xa: {  	s6 =	sor.u32 s7, s6;
	s8 =	sshrl.u32 s11, $0x1;
	s5 =	sor.u32 s9, s5  }
0xb: {  	[dreg:$0x6] =	wrdreg s13;
	s3 =	sadd.s32 s6, s3;
	s6 =	ssub.s32 s11, s8  }
0xc: {  	s21 =	sadd.s32 s2, s5;
	s5 =	sshll.u32 s10, $0x8;
	s2 =	sadd.s32 s12, s0  }
0xd: {  	[dreg:$0x7] =	wrdreg s2;
	s14 =	sadd.s32 s5, s4;
	s2 =	sor.u32 $0x1000, s5  }
0xe: {  	s7 =	sor.u32 $0x2000, s5;
	[dreg:$0x8] =	wrdreg s14;
	s15 =	sadd.s32 s2, s4  }
0xf: {  	s8 =	sor.u32 $0x3000, s5;
	s16 =	sadd.s32 s7, s4;
	[dreg:$0x9] =	wrdreg s15  }
0x10: {  	s9 =	sor.u32 $0x4000, s5;
	s17 =	sadd.s32 s8, s4;
	[dreg:$0xa] =	wrdreg s16  }
0x11: {  	s10 =	sor.u32 $0x5000, s5;
	s12 =	sadd.s32 s9, s4;
	[dreg:$0xb] =	wrdreg s17  }
0x12: {  	s11 =	sor.u32 $0x6000, s5;
	s18 =	sadd.s32 s10, s4;
	[dreg:$0xc] =	wrdreg s12  }
0x13: {  	s13 =	sor.u32 $0x8000, s5;
	s19 =	sadd.s32 s11, s4;
	[dreg:$0xd] =	wrdreg s18  }
0x14: {  	s25 =	sor.u32 $0xD000, s5;
	s20 =	sadd.s32 s13, s4;
	[dreg:$0xe] =	wrdreg s19  }
0x15: {  	s14 =	sor.u32 $0x9000, s5;
	s2 =	sadd.s32 s2, s0;
	[dreg:$0x10] =	wrdreg s20  }
0x16: {  	s7 =	sadd.s32 s7, s0;
	s8 =	sadd.s32 s8, s0;
	[dreg:$0x19] =	wrdreg s2  }
0x17: {  	s9 =	sadd.s32 s9, s0;
	s10 =	sadd.s32 s10, s0;
	[dreg:$0x1a] =	wrdreg s7  }
0x18: {  	s11 =	sadd.s32 s11, s0;
	s13 =	sadd.s32 s13, s0;
	[dreg:$0x1b] =	wrdreg s8  }
0x19: {  	s12 =	sor.u32 $0x7000, s5;
	s22 =	sadd.s32 s14, s4;
	[dreg:$0x1c] =	wrdreg s9  }
0x1a: {  	s16 =	sor.u32 $0xB000, s5;
	s17 =	sor.u32 $0xC000, s5;
	[dreg:$0x1d] =	wrdreg s10  }
0x1b: {  	s19 =	sor.u32 $0xE000, s5;
	s20 =	sor.u32 $0xF000, s5;
	[dreg:$0x1e] =	wrdreg s11  }
0x1c: {  	[smem:$0x7F5] =	sst s13;
	s14 =	sadd.s32 s14, s0;
	s9 =	sadd.s32 $0x2200, s3  }
0x1d: {  	s10 =	smax.u32 s6, $0x1;
	s8 =	smov.u32 s21;
	[dreg:$0x11] =	wrdreg s22  }
0x1e: {  	s11 =	sadd.s32 $0x10, s21;
	s15 =	sadd.s32 s12, s4;
	[smem:$0x7F6] =	sst s14  }
0x1f: {  	s2 =	simm.s32 $0x80;
	s23 =	sadd.s32 s16, s4;
	[dreg:$0xf] =	wrdreg s15  }
0x20: {  	s13 =	simm.s32 $0x1;
	s24 =	sadd.s32 s17, s4;
	[dreg:$0x13] =	wrdreg s23  }
0x21: {  	s21 =	simm.s32 $0x9500;
	s22 =	sadd.s32 s25, s4;
	[dreg:$0x14] =	wrdreg s24  }
0x22: {  	s26 =	sadd.s32 s19, s4;
	s12 =	sadd.s32 s12, s0;
	[dreg:$0x15] =	wrdreg s22  }
0x23: {  	s14 =	simm.s32 $0x7000;
	s15 =	sor.u32 $0xA000, s5;
	[dreg:$0x16] =	wrdreg s26  }
0x24: {  	s5 =	sadd.s32 s5, s0;
	[dreg:$0x1f] =	wrdreg s12;
	s22 =	sadd.s32 s16, s0  }
0x25: {  	s23 =	sadd.s32 s17, s0;
	s24 =	sadd.s32 s25, s0;
	[dreg:$0x18] =	wrdreg s5  }
0x26: {  	s25 =	sadd.s32 s19, s0;
	s26 =	sadd.s32 $0x1E00, s3;
	[smem:$0x7F8] =	sst s22  }
0x27: {  	s12 =	simm.s32 $0x100;
	s16 =	simm.s32 $0x2;
	[smem:$0x7F9] =	sst s23  }
0x28: {  	s17 =	simm.s32 $0x9100;
	s19 =	simm.s32 $0x9300;
	[smem:$0x7FA] =	sst s24  }
0x29: {  	s3 =	simm.s32 $0x0;
	s18 =	sadd.s32 s15, s4;
	[smem:$0x7FB] =	sst s25  }
0x2a: {  	s4 =	sadd.s32 s20, s4;
	s15 =	sadd.s32 s15, s0;
	[dreg:$0x12] =	wrdreg s18  }
0x2b: {  	s0 =	sadd.s32 s20, s0;
	s20 =	simm.s32 $0x9400;
	[dreg:$0x17] =	wrdreg s4  }
0x2c: {  	s22 =	simm.s32 $0x9600;
	s23 =	simm.s32 $0x9700;
	[smem:$0x7F7] =	sst s15  }
0x2d: {  	s24 =	simm.s32 $0x9800;
	s25 =	simm.s32 $0x9900;
	[smem:$0x7FC] =	sst s0  }
0x2e: {  	s15 =	simm.s32 $0x8000;
	s18 =	simm.s32 $0x9200;
	s0 =	simm.s32 $0x9F00  }
0x2f: {  	v0 =	vimm.f32 $0.0e+00;
	v1 =	vimm.f32 $1.000000000e+00;
	_ =	strace $0x80000047;
	[smem:$0x7FD] =	sst s26;
	s26 =	simm.s32 $0x9A00  }
.LBB2_1:
0x30: {  	_ =	strace $0x80000048  }
0x31: {  	s4 =	rddreg [dreg:$0x0]  }
0x32: {  	[tilespmem:s1], [sflag:$0x1] =	stream.linear.gather [hbm4b:s4+s1], $0x1000, $0x200038;
	[tilespmem:$0xC100] =	vst v63  }
0x33: {  	s6 =	simm.s32 $0x1000  }
0x34: {  	[tilespmem:s6], [sflag:$0x1] =	stream.strided.gather [hbm4b:s8+s2], $0x2000, s12, s2, $0x200038;
	[tilespmem:$0xC100] =	vst v63  }
0x35: {  	s7 =	simm.s32 $0x3000  }
0x36: {  	[tilespmem:s7], [sflag:$0x1] =	stream.strided.gather [hbm4b:s11+s2], $0x2000, s12, s2, $0x200038;
	[tilespmem:$0xC100] =	vst v63  }
0x37: {  	_ =	strace $0x90000048  }
0x38: {  	s5 =	simm.s32 $0x0;
	s4 =	simm.s32 $0x40;
	_ =	strace $0x80000049  }
.LBB2_2:
0x39: {  	p0 =	sne.s32 s4, $0x3FC0;
	[tilespmem:s5+$0x7000] =	vst v0;
	s6 =	smov.u32 s4;
	s4 =	sadd.s32 $0x40, s4  }
.Ltmp0:
0x3a: {  	[tilespmem:s5+$0x8000] =	vst v0;
	(pc) =	sbr.rel @p0 .LBB2_2-.Ltmp0, $2  }
0x3b: {  	_ =	sdelay $0x2  }
0x3c: {  	s5 =	sshra.s32 s6, $0x2  }
0x3d: {  	[tilespmem:s5+$0x7000] =	vst v0  }
0x3e: {  	[tilespmem:s5+$0x8000] =	vst v0  }
0x3f: {  	_ =	swait.ge [sflag:s13], $0x1000  }
0x40: {  	[sflag:s13] =	ssyncset.done $0x0  }
0x41: {  	[sflag:s13] =	ssyncadd.s32 $0xFFFFF000  }
0x42: {  	_ =	swait.ge [sflag:s13], $0x2000  }
0x43: {  	[sflag:s13] =	ssyncset.done $0x0  }
0x44: {  	[sflag:s13] =	ssyncadd.s32 $0xFFFFE000  }
0x45: {  	_ =	swait.ge [sflag:s13], $0x2000  }
0x46: {  	[sflag:s13] =	ssyncset.done $0x0  }
0x47: {  	[sflag:s13] =	ssyncadd.s32 $0xFFFFE000  }
0x48: {  	_ =	strace $0x90000049  }
0x49: {  	s4 =	simm.s32 $0x1020;
	_ =	strace $0x8000004A  }
0x4a: {  	v2 =	vld [tilespmem:s4+$0x10];
	_ =	sdelay $0x1  }
0x4b: {  	v4 =	vld [tilespmem:s4+$0xFFFFFFE0]  }
0x4c: {  	v5 =	vld [tilespmem:s4+$0xFFFFFFF0]  }
0x4d: {  	s7 =	simm.s32 $0x1060;
	v6 =	vld [tilespmem:s4+$0x0]  }
0x4e: {  	v9 =	vld [tilespmem:s7+$0x10]  }
0x4f: {  	v3 =	vld [tilespmem:s7+$0xFFFFFFF0]  }
0x50: {  	v8 =	vld [tilespmem:s7+$0xFFFFFFE0]  }
0x51: {  	v10 =	vld.idx.msk [tilespmem:v2+s1+$0x0], $0xffff  }
0x52: {  	v2 =	vld [tilespmem:s7+$0x0]  }
0x53: {  	v7 =	vld.idx.msk [tilespmem:v4+s1+$0x0], $0xffff  }
0x54: {  	v4 =	vld.idx.msk [tilespmem:v5+s1+$0x0], $0xffff  }
0x55: {  	s4 =	simm.s32 $0x5020;
	v5 =	vld.idx.msk [tilespmem:v6+s1+$0x0], $0xffff  }
0x56: {  	s5 =	simm.s32 $0x4;
	s6 =	simm.s32 $0x10A0;
	v6 =	vld.idx.msk [tilespmem:v9+s1+$0x0], $0xffff;
	[tilespmem:s4+$0x10] =	vst v10  }
.LBB2_4:
0x57: {  	v9 =	vld [tilespmem:s6+$0x10];
	s5 =	sadd.s32 $0x4, s5  }
0x58: {  	v10 =	vld [tilespmem:s6+$0xFFFFFFF0];
	p0 =	slt.u32 s5, $0x1FC;
	[tilespmem:s4+$0xFFFFFFE0] =	vst v7  }
0x59: {  	v11 =	vld [tilespmem:s6+$0x0];
	[tilespmem:s4+$0xFFFFFFF0] =	vst v4  }
0x5a: {  	v12 =	vld [tilespmem:s6+$0xFFFFFFE0];
	[tilespmem:s4+$0x0] =	vst v5  }
.Ltmp1:
0x5b: {  	s4 =	sadd.s32 $0x40, s4;
	v7 =	vld.idx.msk [tilespmem:v8+s1+$0x0], $0xffff;
	(pc) =	sbr.rel @p0 .LBB2_4-.Ltmp1, $4  }
0x5c: {  	v4 =	vld.idx.msk [tilespmem:v3+s1+$0x0], $0xffff;
	[tilespmem:s4+$0x10] =	vst v6  }
0x5d: {  	v5 =	vld.idx.msk [tilespmem:v2+s1+$0x0], $0xffff;
	v3 =	vmov v10  }
0x5e: {  	v2 =	vmov v11  }
0x5f: {  	s6 =	sadd.s32 $0x40, s6;
	v6 =	vld.idx.msk [tilespmem:v9+s1+$0x0], $0xffff;
	v8 =	vmov v12  }
0x60: {  	_ =	sdelay $0x3  }
0x61: {  	v8 =	vld.idx.msk [tilespmem:v8+s1+$0x0], $0xffff  }
0x62: {  	[tilespmem:s4+$0xFFFFFFE0] =	vst v7;
	v3 =	vld.idx.msk [tilespmem:v3+s1+$0x0], $0xffff  }
0x63: {  	v2 =	vld.idx.msk [tilespmem:v2+s1+$0x0], $0xffff;
	[tilespmem:s4+$0xFFFFFFF0] =	vst v4  }
0x64: {  	s7 =	sadd.s32 $0x40, s4;
	[tilespmem:s4+$0x0] =	vst v5  }
0x65: {  	[tilespmem:s7+$0x10] =	vst v6  }
0x66: {  	[tilespmem:s7+$0xFFFFFFE0] =	vst v8  }
0x67: {  	[tilespmem:s7+$0xFFFFFFF0] =	vst v3  }
0x68: {  	[tilespmem:s7+$0x0] =	vst v2  }
0x69: {  	_ =	strace $0x9000004A  }
0x6a: {  	s4 =	simm.s32 $0x0;
	_ =	strace $0x8000004B  }
.LBB2_6:
0x6b: {  	s5 =	sshra.s32 s4, $0x2  }
0x6c: {  	v2 =	vld [tilespmem:s5+$0x3000];
	_ =	sdelay $0x2  }
0x6d: {  	v3 =	vld [tilespmem:s5+$0x5000];
	_ =	sdelay $0x4  }
0x6e: {  	[tilespmem:v2+s14+$0x0] =	vst.idx.add.f32.msk $0xffff, v3  }
0x6f: {  	[tilespmem:v2+s15+$0x0] =	vst.idx.add.f32.msk $0xffff, v1  }
0x70: {  	v2 =	vld [tilespmem:s5+$0x3010];
	_ =	sdelay $0x2  }
0x71: {  	v3 =	vld [tilespmem:s5+$0x5010];
	_ =	sdelay $0x4  }
0x72: {  	[tilespmem:v2+s14+$0x0] =	vst.idx.add.f32.msk $0xffff, v3  }
0x73: {  	[tilespmem:v2+s15+$0x0] =	vst.idx.add.f32.msk $0xffff, v1  }
0x74: {  	v2 =	vld [tilespmem:s5+$0x3020];
	_ =	sdelay $0x2  }
0x75: {  	v3 =	vld [tilespmem:s5+$0x5020];
	_ =	sdelay $0x4  }
0x76: {  	[tilespmem:v2+s14+$0x0] =	vst.idx.add.f32.msk $0xffff, v3  }
0x77: {  	[tilespmem:v2+s15+$0x0] =	vst.idx.add.f32.msk $0xffff, v1  }
0x78: {  	v2 =	vld [tilespmem:s5+$0x3030];
	_ =	sdelay $0x2  }
0x79: {  	v3 =	vld [tilespmem:s5+$0x5030];
	_ =	sdelay $0x4  }
0x7a: {  	[tilespmem:v2+s14+$0x0] =	vst.idx.add.f32.msk $0xffff, v3  }
0x7b: {  	[tilespmem:v2+s15+$0x0] =	vst.idx.add.f32.msk $0xffff, v1  }
0x7c: {  	v2 =	vld [tilespmem:s5+$0x3040];
	_ =	sdelay $0x2  }
0x7d: {  	v3 =	vld [tilespmem:s5+$0x5040];
	_ =	sdelay $0x4  }
0x7e: {  	[tilespmem:v2+s14+$0x0] =	vst.idx.add.f32.msk $0xffff, v3  }
0x7f: {  	[tilespmem:v2+s15+$0x0] =	vst.idx.add.f32.msk $0xffff, v1  }
0x80: {  	v2 =	vld [tilespmem:s5+$0x3050];
	_ =	sdelay $0x2  }
0x81: {  	v3 =	vld [tilespmem:s5+$0x5050];
	_ =	sdelay $0x4  }
0x82: {  	[tilespmem:v2+s14+$0x0] =	vst.idx.add.f32.msk $0xffff, v3  }
0x83: {  	[tilespmem:v2+s15+$0x0] =	vst.idx.add.f32.msk $0xffff, v1  }
0x84: {  	v2 =	vld [tilespmem:s5+$0x3060];
	_ =	sdelay $0x2  }
0x85: {  	v3 =	vld [tilespmem:s5+$0x5060];
	_ =	sdelay $0x4  }
0x86: {  	[tilespmem:v2+s14+$0x0] =	vst.idx.add.f32.msk $0xffff, v3  }
0x87: {  	[tilespmem:v2+s15+$0x0] =	vst.idx.add.f32.msk $0xffff, v1  }
0x88: {  	v2 =	vld [tilespmem:s5+$0x3070];
	_ =	sdelay $0x2  }
0x89: {  	v3 =	vld [tilespmem:s5+$0x5070]  }
0x8a: {  	p0 =	sne.s32 s4, $0x7E00  }
.Ltmp2:
0x8b: {  	_ = 	snop;
	(pc) =	sbr.rel @p0 .LBB2_6-.Ltmp2, $3  }
0x8c: {  	_ =	sdelay $0x1  }
0x8d: {  	[tilespmem:v2+s14+$0x0] =	vst.idx.add.f32.msk $0xffff, v3  }
0x8e: {  	s4 =	sadd.s32 $0x200, s4;
	[tilespmem:v2+s15+$0x0] =	vst.idx.add.f32.msk $0xffff, v1  }
0x8f: {  	_ =	strace $0x9000004B  }
0x90: {  	_ =	strace $0x8000004C  }
0x91: {  	s4 =	rddreg [dreg:$0x6]  }
0x92: {  	[spmem:s4] =	stream.linear.scatter [tilespmem:s14], [sflag:$0x2], $0x1000, $0x200038;
	[tilespmem:$0xC100] =	vst v63  }
0x93: {  	_ =	swait.ge [sflag:s16], $0x1000  }
0x94: {  	[sflag:s16] =	ssyncset.done $0x0  }
0x95: {  	s6 =	rddreg [dreg:$0x7];
	[sflag:s16] =	ssyncadd.s32 $0xFFFFF000  }
0x96: {  	[spmem:s6] =	stream.linear.scatter [tilespmem:s15], [sflag:$0x2], $0x1000, $0x200038;
	[tilespmem:$0xC100] =	vst v63  }
0x97: {  	_ =	swait.ge [sflag:s16], $0x1000  }
0x98: {  	[sflag:s16] =	ssyncset.done $0x0  }
0x99: {  	[sflag:s16] =	ssyncadd.s32 $0xFFFFF000  }
0x9a: {  	[bflag:$0x0] =	sbarrier.arrive $0xFFFF  }
0x9b: {  	_ =	strace $0x9000004C  }
0x9c: {  	_ =	strace $0x8000004D  }
0x9d: {  	s4 =	simm.s32 $0x9000;
	s5 =	rddreg [dreg:$0x8]  }
0x9e: {  	[tilespmem:s4], [sflag:$0x1] =	stream.linear.gather [spmem:s5], $0x100, $0x200038;
	[tilespmem:$0xC100] =	vst v63  }
0x9f: {  	s7 =	rddreg [dreg:$0x9]  }
0xa0: {  	[tilespmem:s17], [sflag:$0x1] =	stream.linear.gather [spmem:s7], $0x100, $0x200038;
	[tilespmem:$0xC100] =	vst v63  }
0xa1: {  	s6 =	rddreg [dreg:$0xa]  }
0xa2: {  	[tilespmem:s18], [sflag:$0x1] =	stream.linear.gather [spmem:s6], $0x100, $0x200038;
	[tilespmem:$0xC100] =	vst v63  }
0xa3: {  	s7 =	rddreg [dreg:$0xb]  }
0xa4: {  	[tilespmem:s19], [sflag:$0x1] =	stream.linear.gather [spmem:s7], $0x100, $0x200038;
	[tilespmem:$0xC100] =	vst v63  }
0xa5: {  	s6 =	rddreg [dreg:$0xc]  }
0xa6: {  	[tilespmem:s20], [sflag:$0x1] =	stream.linear.gather [spmem:s6], $0x100, $0x200038;
	[tilespmem:$0xC100] =	vst v63  }
0xa7: {  	s7 =	rddreg [dreg:$0xd]  }
0xa8: {  	[tilespmem:s21], [sflag:$0x1] =	stream.linear.gather [spmem:s7], $0x100, $0x200038;
	[tilespmem:$0xC100] =	vst v63  }
0xa9: {  	s6 =	rddreg [dreg:$0xe]  }
0xaa: {  	[tilespmem:s22], [sflag:$0x1] =	stream.linear.gather [spmem:s6], $0x100, $0x200038;
	[tilespmem:$0xC100] =	vst v63  }
0xab: {  	s7 =	rddreg [dreg:$0xf]  }
0xac: {  	[tilespmem:s23], [sflag:$0x1] =	stream.linear.gather [spmem:s7], $0x100, $0x200038;
	[tilespmem:$0xC100] =	vst v63  }
0xad: {  	s6 =	rddreg [dreg:$0x10]  }
0xae: {  	[tilespmem:s24], [sflag:$0x1] =	stream.linear.gather [spmem:s6], $0x100, $0x200038;
	[tilespmem:$0xC100] =	vst v63  }
0xaf: {  	s7 =	rddreg [dreg:$0x11]  }
0xb0: {  	[tilespmem:s25], [sflag:$0x1] =	stream.linear.gather [spmem:s7], $0x100, $0x200038;
	[tilespmem:$0xC100] =	vst v63  }
0xb1: {  	s6 =	rddreg [dreg:$0x12]  }
0xb2: {  	[tilespmem:s26], [sflag:$0x1] =	stream.linear.gather [spmem:s6], $0x100, $0x200038;
	[tilespmem:$0xC100] =	vst v63  }
0xb3: {  	s7 =	rddreg [dreg:$0x13]  }
0xb4: {  	[tilespmem:s28], [sflag:$0x1] =	stream.linear.gather [spmem:s7], $0x100, $0x200038;
	[tilespmem:$0xC100] =	vst v63  }
0xb5: {  	s6 =	rddreg [dreg:$0x14]  }
0xb6: {  	[tilespmem:s29], [sflag:$0x1] =	stream.linear.gather [spmem:s6], $0x100, $0x200038;
	[tilespmem:$0xC100] =	vst v63  }
0xb7: {  	s7 =	rddreg [dreg:$0x15]  }
0xb8: {  	[tilespmem:s30], [sflag:$0x1] =	stream.linear.gather [spmem:s7], $0x100, $0x200038;
	[tilespmem:$0xC100] =	vst v63  }
0xb9: {  	s6 =	rddreg [dreg:$0x16]  }
0xba: {  	[tilespmem:s31], [sflag:$0x1] =	stream.linear.gather [spmem:s6], $0x100, $0x200038;
	[tilespmem:$0xC100] =	vst v63  }
0xbb: {  	s7 =	rddreg [dreg:$0x17]  }
0xbc: {  	[tilespmem:s0], [sflag:$0x1] =	stream.linear.gather [spmem:s7], $0x100, $0x200038;
	[tilespmem:$0xC100] =	vst v63  }
0xbd: {  	_ =	swait.ge [sflag:s13], $0x100  }
0xbe: {  	[sflag:s13] =	ssyncset.done $0x0  }
0xbf: {  	[sflag:s13] =	ssyncadd.s32 $0xFFFFFF00  }
0xc0: {  	_ =	swait.ge [sflag:s13], $0x100  }
0xc1: {  	[sflag:s13] =	ssyncset.done $0x0  }
0xc2: {  	[sflag:s13] =	ssyncadd.s32 $0xFFFFFF00  }
0xc3: {  	_ =	swait.ge [sflag:s13], $0x100  }
0xc4: {  	[sflag:s13] =	ssyncset.done $0x0  }
0xc5: {  	[sflag:s13] =	ssyncadd.s32 $0xFFFFFF00  }
0xc6: {  	_ =	swait.ge [sflag:s13], $0x100  }
0xc7: {  	[sflag:s13] =	ssyncset.done $0x0  }
0xc8: {  	[sflag:s13] =	ssyncadd.s32 $0xFFFFFF00  }
0xc9: {  	_ =	swait.ge [sflag:s13], $0x100  }
0xca: {  	[sflag:s13] =	ssyncset.done $0x0  }
0xcb: {  	[sflag:s13] =	ssyncadd.s32 $0xFFFFFF00  }
0xcc: {  	_ =	swait.ge [sflag:s13], $0x100  }
0xcd: {  	[sflag:s13] =	ssyncset.done $0x0  }
0xce: {  	[sflag:s13] =	ssyncadd.s32 $0xFFFFFF00  }
0xcf: {  	_ =	swait.ge [sflag:s13], $0x100  }
0xd0: {  	[sflag:s13] =	ssyncset.done $0x0  }
0xd1: {  	[sflag:s13] =	ssyncadd.s32 $0xFFFFFF00  }
0xd2: {  	_ =	swait.ge [sflag:s13], $0x100  }
0xd3: {  	[sflag:s13] =	ssyncset.done $0x0  }
0xd4: {  	[sflag:s13] =	ssyncadd.s32 $0xFFFFFF00  }
0xd5: {  	_ =	swait.ge [sflag:s13], $0x100  }
0xd6: {  	[sflag:s13] =	ssyncset.done $0x0  }
0xd7: {  	[sflag:s13] =	ssyncadd.s32 $0xFFFFFF00  }
0xd8: {  	_ =	swait.ge [sflag:s13], $0x100  }
0xd9: {  	[sflag:s13] =	ssyncset.done $0x0  }
0xda: {  	[sflag:s13] =	ssyncadd.s32 $0xFFFFFF00  }
0xdb: {  	_ =	swait.ge [sflag:s13], $0x100  }
0xdc: {  	[sflag:s13] =	ssyncset.done $0x0  }
0xdd: {  	[sflag:s13] =	ssyncadd.s32 $0xFFFFFF00  }
0xde: {  	_ =	swait.ge [sflag:s13], $0x100  }
0xdf: {  	[sflag:s13] =	ssyncset.done $0x0  }
0xe0: {  	[sflag:s13] =	ssyncadd.s32 $0xFFFFFF00  }
0xe1: {  	_ =	swait.ge [sflag:s13], $0x100  }
0xe2: {  	[sflag:s13] =	ssyncset.done $0x0  }
0xe3: {  	[sflag:s13] =	ssyncadd.s32 $0xFFFFFF00  }
0xe4: {  	_ =	swait.ge [sflag:s13], $0x100  }
0xe5: {  	[sflag:s13] =	ssyncset.done $0x0  }
0xe6: {  	[sflag:s13] =	ssyncadd.s32 $0xFFFFFF00  }
0xe7: {  	_ =	swait.ge [sflag:s13], $0x100  }
0xe8: {  	[sflag:s13] =	ssyncset.done $0x0  }
0xe9: {  	[sflag:s13] =	ssyncadd.s32 $0xFFFFFF00  }
0xea: {  	_ =	swait.ge [sflag:s13], $0x100  }
0xeb: {  	s6 =	simm.s32 $0x0;
	[sflag:s13] =	ssyncset.done $0x0  }
0xec: {  	s5 =	sand.u32 $0xF0, s6;
	[sflag:s13] =	ssyncadd.s32 $0xFFFFFF00  }
0xed: {  	v2 =	vld [tilespmem:s5+$0x9100]  }
0xee: {  	v3 =	vld [tilespmem:s4+$0x0];
	_ =	sdelay $0x1  }
0xef: {  	v4 =	vld [tilespmem:s5+$0x9200];
	_ =	sdelay $0x1  }
0xf0: {  	v5 =	vld [tilespmem:s5+$0x9300]  }
0xf1: {  	v2 =	vadd.f32 v2, v3  }
0xf2: {  	v3 =	vld [tilespmem:s5+$0x9400]  }
0xf3: {  	v2 =	vadd.f32 v4, v2  }
0xf4: {  	v56 =	vld [tilespmem:s5+$0x9500]  }
0xf5: {  	v2 =	vadd.f32 v5, v2  }
0xf6: {  	v57 =	vld [tilespmem:s5+$0x9600]  }
0xf7: {  	v2 =	vadd.f32 v3, v2  }
0xf8: {  	v3 =	vld [tilespmem:s5+$0x9700]  }
0xf9: {  	v2 =	vadd.f32 v56, v2  }
0xfa: {  	v58 =	vld [tilespmem:s5+$0x9800]  }
0xfb: {  	v2 =	vadd.f32 v57, v2  }
0xfc: {  	v59 =	vld [tilespmem:s5+$0x9900]  }
0xfd: {  	v2 =	vadd.f32 v3, v2  }
0xfe: {  	v3 =	vld [tilespmem:s5+$0x9A00]  }
0xff: {  	v2 =	vadd.f32 v58, v2  }
0x100: {  	v60 =	vld [tilespmem:s5+$0x9B00]  }
0x101: {  	v2 =	vadd.f32 v59, v2  }
0x102: {  	v61 =	vld [tilespmem:s5+$0x9C00]  }
0x103: {  	v2 =	vadd.f32 v3, v2  }
0x104: {  	v3 =	vld [tilespmem:s5+$0x9D00]  }
0x105: {  	v2 =	vadd.f32 v60, v2  }
0x106: {  	v62 =	vld [tilespmem:s5+$0x9E00]  }
0x107: {  	v2 =	vadd.f32 v61, v2  }
0x108: {  	v63 =	vld [tilespmem:s5+$0x9F00]  }
0x109: {  	v2 =	vadd.f32 v3, v2;
	_ =	sdelay $0x1  }
0x10a: {  	v2 =	vadd.f32 v62, v2;
	_ =	sdelay $0x1  }
0x10b: {  	v2 =	vadd.f32 v63, v2  }
0x10c: {  	s7 =	simm.s32 $0x10;
	s4 =	simm.s32 $0xA000  }
0x10d: {  	s5 =	sand.u32 $0xF0, s7;
	[tilespmem:s4+$0x0] =	vst v2  }
0x10e: {  	s6 =	simm.s32 $0x9010;
	s7 =	simm.s32 $0x20;
	v2 =	vld [tilespmem:s5+$0x9100]  }
.LBB2_8:
0x10f: {  	p0 =	sne.s32 s7, $0xF0;
	v3 =	vld [tilespmem:s6+$0x0];
	_ =	sdelay $0x1  }
0x110: {  	v4 =	vld [tilespmem:s5+$0x9200];
	_ =	sdelay $0x1  }
0x111: {  	v5 =	vld [tilespmem:s5+$0x9300]  }
0x112: {  	v2 =	vadd.f32 v2, v3  }
0x113: {  	v3 =	vld [tilespmem:s5+$0x9400]  }
0x114: {  	v2 =	vadd.f32 v4, v2  }
0x115: {  	v4 =	vld [tilespmem:s5+$0x9500]  }
0x116: {  	v2 =	vadd.f32 v5, v2  }
0x117: {  	v5 =	vld [tilespmem:s5+$0x9600]  }
0x118: {  	v2 =	vadd.f32 v3, v2  }
0x119: {  	v3 =	vld [tilespmem:s5+$0x9700]  }
0x11a: {  	v2 =	vadd.f32 v4, v2  }
0x11b: {  	v4 =	vld [tilespmem:s5+$0x9800]  }
0x11c: {  	v2 =	vadd.f32 v5, v2  }
0x11d: {  	v5 =	vld [tilespmem:s5+$0x9900]  }
0x11e: {  	v2 =	vadd.f32 v3, v2  }
0x11f: {  	v3 =	vld [tilespmem:s5+$0x9A00]  }
0x120: {  	v2 =	vadd.f32 v4, v2  }
0x121: {  	v4 =	vld [tilespmem:s5+$0x9B00]  }
0x122: {  	v2 =	vadd.f32 v5, v2  }
0x123: {  	v5 =	vld [tilespmem:s5+$0x9C00]  }
0x124: {  	v2 =	vadd.f32 v3, v2  }
0x125: {  	v3 =	vld [tilespmem:s5+$0x9D00]  }
0x126: {  	v2 =	vadd.f32 v4, v2  }
0x127: {  	v4 =	vld [tilespmem:s5+$0x9E00]  }
0x128: {  	v2 =	vadd.f32 v5, v2  }
0x129: {  	v5 =	vld [tilespmem:s5+$0x9F00]  }
0x12a: {  	v2 =	vadd.f32 v3, v2;
	_ =	sdelay $0x1  }
0x12b: {  	v2 =	vadd.f32 v4, v2  }
.Ltmp3:
0x12c: {  	(pc) =	sbr.rel @p0 .LBB2_8-.Ltmp3, $4  }
0x12d: {  	v2 =	vadd.f32 v5, v2  }
0x12e: {  	s4 =	sadd.s32 $0x10, s4  }
0x12f: {  	s5 =	sand.u32 $0xF0, s7;
	[tilespmem:s4+$0x0] =	vst v2  }
0x130: {  	s6 =	sadd.s32 $0x10, s6;
	s7 =	sadd.s32 $0x10, s7;
	v2 =	vld [tilespmem:s5+$0x9100]  }
0x131: {  	v3 =	vld [tilespmem:s6+$0x0];
	_ =	sdelay $0x1  }
0x132: {  	v4 =	vld [tilespmem:s5+$0x9200];
	_ =	sdelay $0x1  }
0x133: {  	v5 =	vld [tilespmem:s5+$0x9300]  }
0x134: {  	v2 =	vadd.f32 v2, v3  }
0x135: {  	v3 =	vld [tilespmem:s5+$0x9400]  }
0x136: {  	v2 =	vadd.f32 v4, v2  }
0x137: {  	v46 =	vld [tilespmem:s5+$0x9500]  }
0x138: {  	v2 =	vadd.f32 v5, v2  }
0x139: {  	v47 =	vld [tilespmem:s5+$0x9600]  }
0x13a: {  	v2 =	vadd.f32 v3, v2  }
0x13b: {  	v3 =	vld [tilespmem:s5+$0x9700]  }
0x13c: {  	v2 =	vadd.f32 v46, v2  }
0x13d: {  	v48 =	vld [tilespmem:s5+$0x9800]  }
0x13e: {  	v2 =	vadd.f32 v47, v2  }
0x13f: {  	v49 =	vld [tilespmem:s5+$0x9900]  }
0x140: {  	v2 =	vadd.f32 v3, v2  }
0x141: {  	v3 =	vld [tilespmem:s5+$0x9A00]  }
0x142: {  	v2 =	vadd.f32 v48, v2  }
0x143: {  	v50 =	vld [tilespmem:s5+$0x9B00]  }
0x144: {  	v2 =	vadd.f32 v49, v2  }
0x145: {  	v51 =	vld [tilespmem:s5+$0x9C00]  }
0x146: {  	v2 =	vadd.f32 v3, v2  }
0x147: {  	v3 =	vld [tilespmem:s5+$0x9D00]  }
0x148: {  	v2 =	vadd.f32 v50, v2  }
0x149: {  	v52 =	vld [tilespmem:s5+$0x9E00]  }
0x14a: {  	v2 =	vadd.f32 v51, v2  }
0x14b: {  	v53 =	vld [tilespmem:s5+$0x9F00]  }
0x14c: {  	v2 =	vadd.f32 v3, v2;
	_ =	sdelay $0x1  }
0x14d: {  	v2 =	vadd.f32 v52, v2;
	_ =	sdelay $0x1  }
0x14e: {  	s6 =	sld [smem:$0x7FD];
	v2 =	vadd.f32 v53, v2  }
0x14f: {  	s4 =	sadd.s32 $0x10, s4  }
0x150: {  	[tilespmem:s4+$0x0] =	vst v2;
	s4 =	simm.s32 $0xA000  }
0x151: {  	[hbm4b:s6+s2] =	stream.strided.scatter [tilespmem:s4], [sflag:$0x2], $0x100, s12, s2, $0x200038;
	[tilespmem:$0xC100] =	vst v63  }
0x152: {  	_ =	swait.ge [sflag:s16], $0x100  }
0x153: {  	[sflag:s16] =	ssyncset.done $0x0  }
0x154: {  	s5 =	simm.s32 $0x9000;
	s7 =	rddreg [dreg:$0x18];
	[sflag:s16] =	ssyncadd.s32 $0xFFFFFF00  }
0x155: {  	[tilespmem:s5], [sflag:$0x1] =	stream.linear.gather [spmem:s7], $0x100, $0x200038;
	[tilespmem:$0xC100] =	vst v63  }
0x156: {  	s7 =	rddreg [dreg:$0x19]  }
0x157: {  	[tilespmem:s17], [sflag:$0x1] =	stream.linear.gather [spmem:s7], $0x100, $0x200038;
	[tilespmem:$0xC100] =	vst v63  }
0x158: {  	s7 =	rddreg [dreg:$0x1a]  }
0x159: {  	[tilespmem:s18], [sflag:$0x1] =	stream.linear.gather [spmem:s7], $0x100, $0x200038;
	[tilespmem:$0xC100] =	vst v63  }
0x15a: {  	s7 =	rddreg [dreg:$0x1b]  }
0x15b: {  	[tilespmem:s19], [sflag:$0x1] =	stream.linear.gather [spmem:s7], $0x100, $0x200038;
	[tilespmem:$0xC100] =	vst v63  }
0x15c: {  	s7 =	rddreg [dreg:$0x1c]  }
0x15d: {  	[tilespmem:s20], [sflag:$0x1] =	stream.linear.gather [spmem:s7], $0x100, $0x200038;
	[tilespmem:$0xC100] =	vst v63  }
0x15e: {  	s7 =	rddreg [dreg:$0x1d]  }
0x15f: {  	[tilespmem:s21], [sflag:$0x1] =	stream.linear.gather [spmem:s7], $0x100, $0x200038;
	[tilespmem:$0xC100] =	vst v63  }
0x160: {  	s7 =	rddreg [dreg:$0x1e]  }
0x161: {  	[tilespmem:s22], [sflag:$0x1] =	stream.linear.gather [spmem:s7], $0x100, $0x200038;
	[tilespmem:$0xC100] =	vst v63  }
0x162: {  	s7 =	rddreg [dreg:$0x1f]  }
0x163: {  	[tilespmem:s23], [sflag:$0x1] =	stream.linear.gather [spmem:s7], $0x100, $0x200038;
	[tilespmem:$0xC100] =	vst v63  }
0x164: {  	s7 =	sld [smem:$0x7F5];
	_ =	sdelay $0x2  }
0x165: {  	[tilespmem:s24], [sflag:$0x1] =	stream.linear.gather [spmem:s7], $0x100, $0x200038;
	[tilespmem:$0xC100] =	vst v63  }
0x166: {  	s7 =	sld [smem:$0x7F6];
	_ =	sdelay $0x2  }
0x167: {  	[tilespmem:s25], [sflag:$0x1] =	stream.linear.gather [spmem:s7], $0x100, $0x200038;
	[tilespmem:$0xC100] =	vst v63  }
0x168: {  	s7 =	sld [smem:$0x7F7];
	_ =	sdelay $0x2  }
0x169: {  	[tilespmem:s26], [sflag:$0x1] =	stream.linear.gather [spmem:s7], $0x100, $0x200038;
	[tilespmem:$0xC100] =	vst v63  }
0x16a: {  	s7 =	sld [smem:$0x7F8];
	_ =	sdelay $0x2  }
0x16b: {  	[tilespmem:s28], [sflag:$0x1] =	stream.linear.gather [spmem:s7], $0x100, $0x200038;
	[tilespmem:$0xC100] =	vst v63  }
0x16c: {  	s7 =	sld [smem:$0x7F9];
	_ =	sdelay $0x2  }
0x16d: {  	[tilespmem:s29], [sflag:$0x1] =	stream.linear.gather [spmem:s7], $0x100, $0x200038;
	[tilespmem:$0xC100] =	vst v63  }
0x16e: {  	s7 =	sld [smem:$0x7FA];
	_ =	sdelay $0x2  }
0x16f: {  	[tilespmem:s30], [sflag:$0x1] =	stream.linear.gather [spmem:s7], $0x100, $0x200038;
	[tilespmem:$0xC100] =	vst v63  }
0x170: {  	s7 =	sld [smem:$0x7FB];
	_ =	sdelay $0x2  }
0x171: {  	[tilespmem:s31], [sflag:$0x1] =	stream.linear.gather [spmem:s7], $0x100, $0x200038;
	[tilespmem:$0xC100] =	vst v63  }
0x172: {  	s7 =	sld [smem:$0x7FC];
	_ =	sdelay $0x2  }
0x173: {  	[tilespmem:s0], [sflag:$0x1] =	stream.linear.gather [spmem:s7], $0x100, $0x200038;
	[tilespmem:$0xC100] =	vst v63  }
0x174: {  	_ =	swait.ge [sflag:s13], $0x100  }
0x175: {  	[sflag:s13] =	ssyncset.done $0x0  }
0x176: {  	[sflag:s13] =	ssyncadd.s32 $0xFFFFFF00  }
0x177: {  	_ =	swait.ge [sflag:s13], $0x100  }
0x178: {  	[sflag:s13] =	ssyncset.done $0x0  }
0x179: {  	[sflag:s13] =	ssyncadd.s32 $0xFFFFFF00  }
0x17a: {  	_ =	swait.ge [sflag:s13], $0x100  }
0x17b: {  	[sflag:s13] =	ssyncset.done $0x0  }
0x17c: {  	[sflag:s13] =	ssyncadd.s32 $0xFFFFFF00  }
0x17d: {  	_ =	swait.ge [sflag:s13], $0x100  }
0x17e: {  	[sflag:s13] =	ssyncset.done $0x0  }
0x17f: {  	[sflag:s13] =	ssyncadd.s32 $0xFFFFFF00  }
0x180: {  	_ =	swait.ge [sflag:s13], $0x100  }
0x181: {  	[sflag:s13] =	ssyncset.done $0x0  }
0x182: {  	[sflag:s13] =	ssyncadd.s32 $0xFFFFFF00  }
0x183: {  	_ =	swait.ge [sflag:s13], $0x100  }
0x184: {  	[sflag:s13] =	ssyncset.done $0x0  }
0x185: {  	[sflag:s13] =	ssyncadd.s32 $0xFFFFFF00  }
0x186: {  	_ =	swait.ge [sflag:s13], $0x100  }
0x187: {  	[sflag:s13] =	ssyncset.done $0x0  }
0x188: {  	[sflag:s13] =	ssyncadd.s32 $0xFFFFFF00  }
0x189: {  	_ =	swait.ge [sflag:s13], $0x100  }
0x18a: {  	[sflag:s13] =	ssyncset.done $0x0  }
0x18b: {  	[sflag:s13] =	ssyncadd.s32 $0xFFFFFF00  }
0x18c: {  	_ =	swait.ge [sflag:s13], $0x100  }
0x18d: {  	[sflag:s13] =	ssyncset.done $0x0  }
0x18e: {  	[sflag:s13] =	ssyncadd.s32 $0xFFFFFF00  }
0x18f: {  	_ =	swait.ge [sflag:s13], $0x100  }
0x190: {  	[sflag:s13] =	ssyncset.done $0x0  }
0x191: {  	[sflag:s13] =	ssyncadd.s32 $0xFFFFFF00  }
0x192: {  	_ =	swait.ge [sflag:s13], $0x100  }
0x193: {  	[sflag:s13] =	ssyncset.done $0x0  }
0x194: {  	[sflag:s13] =	ssyncadd.s32 $0xFFFFFF00  }
0x195: {  	_ =	swait.ge [sflag:s13], $0x100  }
0x196: {  	[sflag:s13] =	ssyncset.done $0x0  }
0x197: {  	[sflag:s13] =	ssyncadd.s32 $0xFFFFFF00  }
0x198: {  	_ =	swait.ge [sflag:s13], $0x100  }
0x199: {  	[sflag:s13] =	ssyncset.done $0x0  }
0x19a: {  	[sflag:s13] =	ssyncadd.s32 $0xFFFFFF00  }
0x19b: {  	_ =	swait.ge [sflag:s13], $0x100  }
0x19c: {  	[sflag:s13] =	ssyncset.done $0x0  }
0x19d: {  	[sflag:s13] =	ssyncadd.s32 $0xFFFFFF00  }
0x19e: {  	_ =	swait.ge [sflag:s13], $0x100  }
0x19f: {  	[sflag:s13] =	ssyncset.done $0x0  }
0x1a0: {  	[sflag:s13] =	ssyncadd.s32 $0xFFFFFF00  }
0x1a1: {  	_ =	swait.ge [sflag:s13], $0x100  }
0x1a2: {  	s7 =	simm.s32 $0x0;
	[sflag:s13] =	ssyncset.done $0x0  }
0x1a3: {  	s6 =	sand.u32 $0xF0, s7;
	[sflag:s13] =	ssyncadd.s32 $0xFFFFFF00  }
0x1a4: {  	v2 =	vld [tilespmem:s6+$0x9100]  }
0x1a5: {  	v3 =	vld [tilespmem:s5+$0x0];
	_ =	sdelay $0x1  }
0x1a6: {  	v54 =	vld [tilespmem:s6+$0x9200];
	_ =	sdelay $0x1  }
0x1a7: {  	v55 =	vld [tilespmem:s6+$0x9300]  }
0x1a8: {  	v2 =	vadd.f32 v2, v3  }
0x1a9: {  	v3 =	vld [tilespmem:s6+$0x9400]  }
0x1aa: {  	v2 =	vadd.f32 v54, v2  }
0x1ab: {  	v56 =	vld [tilespmem:s6+$0x9500]  }
0x1ac: {  	v2 =	vadd.f32 v55, v2  }
0x1ad: {  	v57 =	vld [tilespmem:s6+$0x9600]  }
0x1ae: {  	v2 =	vadd.f32 v3, v2  }
0x1af: {  	v3 =	vld [tilespmem:s6+$0x9700]  }
0x1b0: {  	v2 =	vadd.f32 v56, v2  }
0x1b1: {  	v58 =	vld [tilespmem:s6+$0x9800]  }
0x1b2: {  	v2 =	vadd.f32 v57, v2  }
0x1b3: {  	v59 =	vld [tilespmem:s6+$0x9900]  }
0x1b4: {  	v2 =	vadd.f32 v3, v2  }
0x1b5: {  	v3 =	vld [tilespmem:s6+$0x9A00]  }
0x1b6: {  	v2 =	vadd.f32 v58, v2  }
0x1b7: {  	v60 =	vld [tilespmem:s6+$0x9B00]  }
0x1b8: {  	v2 =	vadd.f32 v59, v2  }
0x1b9: {  	v61 =	vld [tilespmem:s6+$0x9C00]  }
0x1ba: {  	v2 =	vadd.f32 v3, v2  }
0x1bb: {  	v3 =	vld [tilespmem:s6+$0x9D00]  }
0x1bc: {  	v2 =	vadd.f32 v60, v2  }
0x1bd: {  	v62 =	vld [tilespmem:s6+$0x9E00]  }
0x1be: {  	v2 =	vadd.f32 v61, v2  }
0x1bf: {  	v63 =	vld [tilespmem:s6+$0x9F00]  }
0x1c0: {  	v2 =	vadd.f32 v3, v2;
	_ =	sdelay $0x1  }
0x1c1: {  	v2 =	vadd.f32 v62, v2;
	_ =	sdelay $0x1  }
0x1c2: {  	v2 =	vadd.f32 v63, v2  }
0x1c3: {  	s7 =	simm.s32 $0x10  }
0x1c4: {  	s5 =	sand.u32 $0xF0, s7;
	[tilespmem:s4+$0x0] =	vst v2  }
0x1c5: {  	s7 =	simm.s32 $0x20;
	s6 =	simm.s32 $0x9010;
	v2 =	vld [tilespmem:s5+$0x9100]  }
.LBB2_10:
0x1c6: {  	p0 =	sne.s32 s7, $0xF0;
	v3 =	vld [tilespmem:s6+$0x0];
	_ =	sdelay $0x1  }
0x1c7: {  	v4 =	vld [tilespmem:s5+$0x9200];
	_ =	sdelay $0x1  }
0x1c8: {  	v5 =	vld [tilespmem:s5+$0x9300]  }
0x1c9: {  	v2 =	vadd.f32 v2, v3  }
0x1ca: {  	v3 =	vld [tilespmem:s5+$0x9400]  }
0x1cb: {  	v2 =	vadd.f32 v4, v2  }
0x1cc: {  	v4 =	vld [tilespmem:s5+$0x9500]  }
0x1cd: {  	v2 =	vadd.f32 v5, v2  }
0x1ce: {  	v5 =	vld [tilespmem:s5+$0x9600]  }
0x1cf: {  	v2 =	vadd.f32 v3, v2  }
0x1d0: {  	v3 =	vld [tilespmem:s5+$0x9700]  }
0x1d1: {  	v2 =	vadd.f32 v4, v2  }
0x1d2: {  	v4 =	vld [tilespmem:s5+$0x9800]  }
0x1d3: {  	v2 =	vadd.f32 v5, v2  }
0x1d4: {  	v5 =	vld [tilespmem:s5+$0x9900]  }
0x1d5: {  	v2 =	vadd.f32 v3, v2  }
0x1d6: {  	v3 =	vld [tilespmem:s5+$0x9A00]  }
0x1d7: {  	v2 =	vadd.f32 v4, v2  }
0x1d8: {  	v4 =	vld [tilespmem:s5+$0x9B00]  }
0x1d9: {  	v2 =	vadd.f32 v5, v2  }
0x1da: {  	v5 =	vld [tilespmem:s5+$0x9C00]  }
0x1db: {  	v2 =	vadd.f32 v3, v2  }
0x1dc: {  	v3 =	vld [tilespmem:s5+$0x9D00]  }
0x1dd: {  	v2 =	vadd.f32 v4, v2  }
0x1de: {  	v4 =	vld [tilespmem:s5+$0x9E00]  }
0x1df: {  	v2 =	vadd.f32 v5, v2  }
0x1e0: {  	v5 =	vld [tilespmem:s5+$0x9F00]  }
0x1e1: {  	v2 =	vadd.f32 v3, v2;
	_ =	sdelay $0x1  }
0x1e2: {  	v2 =	vadd.f32 v4, v2  }
.Ltmp4:
0x1e3: {  	(pc) =	sbr.rel @p0 .LBB2_10-.Ltmp4, $4  }
0x1e4: {  	v2 =	vadd.f32 v5, v2  }
0x1e5: {  	s4 =	sadd.s32 $0x10, s4  }
0x1e6: {  	s5 =	sand.u32 $0xF0, s7;
	[tilespmem:s4+$0x0] =	vst v2  }
0x1e7: {  	s6 =	sadd.s32 $0x10, s6;
	s7 =	sadd.s32 $0x10, s7;
	v2 =	vld [tilespmem:s5+$0x9100]  }
0x1e8: {  	v3 =	vld [tilespmem:s6+$0x0];
	_ =	sdelay $0x1  }
0x1e9: {  	v4 =	vld [tilespmem:s5+$0x9200];
	_ =	sdelay $0x1  }
0x1ea: {  	v5 =	vld [tilespmem:s5+$0x9300]  }
0x1eb: {  	v2 =	vadd.f32 v2, v3  }
0x1ec: {  	v3 =	vld [tilespmem:s5+$0x9400]  }
0x1ed: {  	v2 =	vadd.f32 v4, v2  }
0x1ee: {  	v56 =	vld [tilespmem:s5+$0x9500]  }
0x1ef: {  	v2 =	vadd.f32 v5, v2  }
0x1f0: {  	v57 =	vld [tilespmem:s5+$0x9600]  }
0x1f1: {  	v2 =	vadd.f32 v3, v2  }
0x1f2: {  	v3 =	vld [tilespmem:s5+$0x9700]  }
0x1f3: {  	v2 =	vadd.f32 v56, v2  }
0x1f4: {  	v58 =	vld [tilespmem:s5+$0x9800]  }
0x1f5: {  	v2 =	vadd.f32 v57, v2  }
0x1f6: {  	v59 =	vld [tilespmem:s5+$0x9900]  }
0x1f7: {  	v2 =	vadd.f32 v3, v2  }
0x1f8: {  	v3 =	vld [tilespmem:s5+$0x9A00]  }
0x1f9: {  	v2 =	vadd.f32 v58, v2  }
0x1fa: {  	v60 =	vld [tilespmem:s5+$0x9B00]  }
0x1fb: {  	v2 =	vadd.f32 v59, v2  }
0x1fc: {  	v61 =	vld [tilespmem:s5+$0x9C00]  }
0x1fd: {  	v2 =	vadd.f32 v3, v2  }
0x1fe: {  	v3 =	vld [tilespmem:s5+$0x9D00]  }
0x1ff: {  	v2 =	vadd.f32 v60, v2  }
0x200: {  	v62 =	vld [tilespmem:s5+$0x9E00]  }
0x201: {  	v2 =	vadd.f32 v61, v2  }
0x202: {  	v63 =	vld [tilespmem:s5+$0x9F00]  }
0x203: {  	v2 =	vadd.f32 v3, v2;
	_ =	sdelay $0x1  }
0x204: {  	v2 =	vadd.f32 v62, v2;
	_ =	sdelay $0x1  }
0x205: {  	v2 =	vadd.f32 v63, v2  }
0x206: {  	s4 =	sadd.s32 $0x10, s4;
	s3 =	sadd.s32 $0x1, s3  }
0x207: {  	s7 =	simm.s32 $0xA000;
	p0 =	sne.s32 s3, s10;
	[tilespmem:s4+$0x0] =	vst v2  }
0x208: {  	[hbm4b:s9+s2] =	stream.strided.scatter [tilespmem:s7], [sflag:$0x2], $0x100, s12, s2, $0x200038;
	[tilespmem:$0xC100] =	vst v63  }
.Ltmp5:
0x209: {  	_ = 	snop;
	(pc) =	sbr.rel @p0 .LBB2_1-.Ltmp5, $4  }
0x20a: {  	_ =	swait.ge [sflag:s16], $0x100  }
0x20b: {  	[sflag:s16] =	ssyncset.done $0x0  }
0x20c: {  	[sflag:s16] =	ssyncadd.s32 $0xFFFFFF00  }
0x20d: {  	_ =	strace $0x9000004D  }
0x20e: {  	_ =	sfence.sel $0x180000  }
0x20f: {  	[bflag:$0x0] =	sbarrier.arrive $0xFFFF  }
0x210: {  	_ =	strace $0x90000047  }
0x211: {  	s0 =	stileid.u32;
	[bflag:$0x2] =	sbarrier.arrive $0xFFFF  }
0x212: {  	p0 =	sne.s32 s0, $0x0;
	s0 =	rddreg [dreg:$0x5]  }
0x213: {  	s0 =	sadd.s32 @!p0 $0x100000, s0  }
0x214: {  	[sflag:s0] =	ssyncadd.tile.s32 @!p0 $0x1;
	_ =	shalt  }
.Lfunc_end2:
_tile_overlayer_lowered:
.L_overlay_start_2:
0x215: {  	(tag) =	ssettag $0x2  }
0x216: {  	s0 =	rddreg [dreg:$0x0];
	s2 =	stileid.u32  }
0x217: {  	s1 =	rddreg [dreg:$0x1];
	p0 =	sne.s32 s2, $0x0  }
0x218: {  	s3 =	rddreg [dreg:$0x2];
	[bflag:$0x3] =	sbarrier.arrive $0xFFFF;
	s2 =	simm.s32 @!p0 $0x1C02  }
0x219: {  	[timem:s3], [sflag:s2] =	dma.local @!p0 [hbm:s0], s1  }
0x21a: {  	s0 =	simm.s32 @!p0 $0x2  }
0x21b: {  	_ =	swait.ge @!p0 [sflag:s0], s1  }
0x21c: {  	s1 =	ssub.s32 @!p0 $0x0, s1;
	[sflag:s0] =	ssyncset.done @!p0 $0x0  }
0x21d: {  	[sflag:s0] =	ssyncadd.s32 @!p0 s1  }
0x21e: {  	[bflag:$0x3] =	sbarrier.arrive $0xFFFF  }
0x21f: {  	_ =	shalt  }

</sc_bundles>
